<compile_context>
chip_gen: v7x
topology: tpu7x:2x2x1
jax: 0.10.2.dev20260603
libtpu: 0.0.44.dev20260713+nightly
codegen_flags: <defaults>
</compile_context>

<pallas_src>
import functools

import jax
import jax.numpy as jnp
from jax import lax
from jax.experimental import pallas as pl
from jax.experimental.pallas import tpu as pltpu
from jax.experimental.pallas import tpu_sc as plsc

MAX_LEN = 1000
NCOL = 26
D = 64
B = 16384

NC = 2
NS = 16
NW = NC * NS
L = 16

NDO = D // 8
NHALF = 2
HB = B // NHALF
ITEMS = NCOL * NDO * NHALF
IPT = ITEMS // NW
NCHUNK = HB // 512
NBT = B // 128


def _mk_kernel():
    mesh = plsc.VectorSubcoreMesh(core_axis_name="c", subcore_axis_name="s")

    @functools.partial(
        pl.kernel,
        mesh=mesh,
        compiler_params=pltpu.CompilerParams(
            use_tc_tiling_on_sc=False, needs_layout_passes=False),
        out_type=jax.ShapeDtypeStruct((NCOL, 8, NBT, 1024), jnp.float32),
        scratch_types=[
            pltpu.VMEM((8 * MAX_LEN,), jnp.float32),
            pltpu.VMEM((8 * MAX_LEN,), jnp.float32),
            pltpu.VMEM((8 * MAX_LEN,), jnp.float32),
            pltpu.VMEM((8 * MAX_LEN,), jnp.float32),
            pltpu.VMEM((HB,), jnp.int32),
            pltpu.VMEM((HB,), jnp.int32),
            pltpu.VMEM((4, 1024), jnp.float32),
            pltpu.VMEM((4, 1024), jnp.float32),
            pltpu.SemaphoreType.DMA,
            pltpu.SemaphoreType.DMA,
            pltpu.SemaphoreType.DMA,
            pltpu.SemaphoreType.DMA,
            pltpu.SemaphoreType.DMA,
        ],
    )
    def k(ids_b_h, ids_s_h, bin_h, sub_h, out_h,
          bsl_a, ssl_a, bsl_b, ssl_b, idv_b, idv_s, stg_a, stg_b,
          isem, ssem_a, ssem_b, osem_a, osem_b):
        wid = lax.axis_index("s") * NC + lax.axis_index("c")

        def item_coords(i):
            g = wid * IPT + i
            c = g // (NDO * NHALF)
            rem = g % (NDO * NHALF)
            half = rem // NDO
            do = rem % NDO
            return c, half, do

        def slab_start(i, bsl, ssl, ssem):
            c, _, do = item_coords(i)
            row0 = c * D + do * 8
            pltpu.async_copy(
                bin_h.at[pl.ds(row0 * MAX_LEN, 8 * MAX_LEN)], bsl, ssem)
            pltpu.async_copy(
                sub_h.at[pl.ds(row0 * MAX_LEN, 8 * MAX_LEN)], ssl, ssem)

        def slab_wait(bsl, ssl, ssem):
            pltpu.make_async_copy(
                bin_h.at[pl.ds(0, 8 * MAX_LEN)], bsl, ssem).wait()
            pltpu.make_async_copy(
                sub_h.at[pl.ds(0, 8 * MAX_LEN)], ssl, ssem).wait()

        def item_body(i, bslab, sslab, ssem, nbsl, nssl, nsem):
            c, half, do = item_coords(i)
            b_off = c * B + half * HB

            @pl.when(jnp.logical_or(i == 0, do == 0))
            def _ids():
                cpi = pltpu.async_copy(
                    ids_b_h.at[pl.ds(b_off, HB)], idv_b, isem)
                cps2 = pltpu.async_copy(
                    ids_s_h.at[pl.ds(b_off, HB)], idv_s, isem)
                cpi.wait()
                cps2.wait()

            slab_wait(bslab, sslab, ssem)

            @pl.when(i + 1 < IPT)
            def _pref():
                slab_start(i + 1, nbsl, nssl, nsem)

            bt_base = half * (HB // 128)

            def chunk(ch, stg, osem, first):
                @pl.when(jnp.logical_not(first))
                def _w():
                    pltpu.make_async_copy(
                        stg, out_h.at[0, 0, pl.ds(0, 4)], osem).wait()

                def one_q(q):
                    base = ch * 512 + q * L
                    ivb = idv_b[pl.ds(base, L)]
                    ivs = idv_s[pl.ds(base, L)]
                    bt = q // 8
                    lane0 = (q % 8) * L
                    vas = [plsc.load_gather(
                        bslab.at[pl.ds(dr * MAX_LEN, MAX_LEN)], [ivb])
                        for dr in range(8)]
                    vss = [plsc.load_gather(
                        sslab.at[pl.ds(dr * MAX_LEN, MAX_LEN)], [ivs])
                        for dr in range(8)]
                    sums = [vas[dr] + vss[dr] for dr in range(8)]
                    for dr in range(8):
                        stg[bt, pl.ds(dr * 128 + lane0, L)] = sums[dr]

                def bcg_body(u, _):
                    one_q(u * 2)
                    one_q(u * 2 + 1)
                    return _

                lax.fori_loop(0, 16, bcg_body, None)
                pltpu.async_copy(
                    stg, out_h.at[c, do, pl.ds(bt_base + ch * 4, 4)], osem)

            def chunk_pair(p, _):
                chunk(p * 2, stg_a, osem_a, jnp.logical_and(i == 0, p == 0))
                chunk(p * 2 + 1, stg_b, osem_b,
                      jnp.logical_and(i == 0, p == 0))
                return _

            lax.fori_loop(0, NCHUNK // 2, chunk_pair, None)

        slab_start(0, bsl_a, ssl_a, ssem_a)

        def item_pair(p, _):
            item_body(p * 2, bsl_a, ssl_a, ssem_a, bsl_b, ssl_b, ssem_b)
            item_body(p * 2 + 1, bsl_b, ssl_b, ssem_b, bsl_a, ssl_a, ssem_a)
            return _

        lax.fori_loop(0, IPT // 2, item_pair, None)
        item_body(IPT - 1, bsl_a, ssl_a, ssem_a, bsl_b, ssl_b, ssem_b)
        pltpu.make_async_copy(stg_a, out_h.at[0, 0, pl.ds(0, 4)], osem_a).wait()
        pltpu.make_async_copy(stg_b, out_h.at[0, 0, pl.ds(0, 4)], osem_b).wait()

    return k


_sc_kernel = _mk_kernel()


def kernel(bin_ids, subbin_ids, bin_tables, subbin_tables):
    ids_b = jnp.transpose(bin_ids.astype(jnp.int32)).reshape(-1)
    ids_s = jnp.transpose(subbin_ids.astype(jnp.int32)).reshape(-1)
    bin_t = jnp.transpose(bin_tables, (0, 2, 1)).reshape(-1)
    sub_t = jnp.transpose(subbin_tables, (0, 2, 1)).reshape(-1)
    out4 = _sc_kernel(ids_b, ids_s, bin_t, sub_t)
    out = (out4.reshape(NCOL, 8, NBT, 8, 128)
           .transpose(0, 1, 3, 2, 4)
           .reshape(NCOL, D, B)
           .transpose(2, 0, 1))
    return out

# --- scband reference (transcript-rebuilt; emitter-appended) ---
"""Pipeline reference for scband-multicol-num-embedding-58961311039687 (READ-ONLY COPY).

The authoritative reference and input builder live on the scoring server;
editing this copy changes nothing except your own understanding.
"""

import jax, jax.numpy as jnp
import numpy as np

MAX_LEN = 1000
MAX_POSITION = 26
EMBED_DIM = 64
BATCH = 16384


def setup_inputs(seed: int = 0) -> dict:
    key = jax.random.key(seed)
    k1, k2, k3, k4 = jax.random.split(key, 4)
    bin_ids = jax.random.randint(k1, (BATCH, MAX_POSITION), 0, MAX_LEN, dtype=jnp.int64 if jax.config.jax_enable_x64 else jnp.int32)
    subbin_ids = jax.random.randint(k2, (BATCH, MAX_POSITION), 0, MAX_LEN, dtype=jnp.int64 if jax.config.jax_enable_x64 else jnp.int32)
    # stacked embedding tables: one [MAX_LEN, EMBED_DIM] table per position, for bins and subbins
    bin_tables = jax.random.normal(k3, (MAX_POSITION, MAX_LEN, EMBED_DIM), dtype=jnp.float32)
    subbin_tables = jax.random.normal(k4, (MAX_POSITION, MAX_LEN, EMBED_DIM), dtype=jnp.float32)
    return {"bin_ids": bin_ids, "subbin_ids": subbin_ids, "bin_tables": bin_tables, "subbin_tables": subbin_tables}


def reference(bin_ids, subbin_ids, bin_tables, subbin_tables):
    # Faithful translation of MulticolNumEmbedding.forward:
    # per-position embedding lookup then stack along dim=1, then elementwise add.
    bin_embedded = jnp.stack(
        [jnp.take(bin_tables[i], bin_ids[:, i], axis=0) for i in range(MAX_POSITION)], axis=1
    )
    subbin_embedded = jnp.stack(
        [jnp.take(subbin_tables[i], subbin_ids[:, i], axis=0) for i in range(MAX_POSITION)], axis=1
    )
    return bin_embedded + subbin_embedded

if __name__ == "__main__":
    import jax
    _d = setup_inputs()
    print(jax.jit(kernel)(*tuple(_d.values())))

</pallas_src>

<mosaic_0001>
#map = affine_map<(d0, d1) -> (0)>
#map1 = affine_map<(d0, d1) -> (0, 0, 0, 0)>
module attributes {stable_mosaic.version = 14 : i64} {
  func.func @k(%arg0: i32, %arg1: i32, %arg2: memref<425984xi32, #tpu.memory_space<hbm>>, %arg3: memref<425984xi32, #tpu.memory_space<hbm>>, %arg4: memref<1664000xf32, #tpu.memory_space<hbm>>, %arg5: memref<1664000xf32, #tpu.memory_space<hbm>>, %arg6: memref<26x8x128x1024xf32, #tpu.memory_space<hbm>>, %arg7: memref<8000xf32, #tpu.memory_space<vmem>>, %arg8: memref<8000xf32, #tpu.memory_space<vmem>>, %arg9: memref<8000xf32, #tpu.memory_space<vmem>>, %arg10: memref<8000xf32, #tpu.memory_space<vmem>>, %arg11: memref<8192xi32, #tpu.memory_space<vmem>>, %arg12: memref<8192xi32, #tpu.memory_space<vmem>>, %arg13: memref<4x1024xf32, #tpu.memory_space<vmem>>, %arg14: memref<4x1024xf32, #tpu.memory_space<vmem>>, %arg15: memref<!tpu.dma_semaphore, #tpu.memory_space<semaphore_mem>>, %arg16: memref<!tpu.dma_semaphore, #tpu.memory_space<semaphore_mem>>, %arg17: memref<!tpu.dma_semaphore, #tpu.memory_space<semaphore_mem>>, %arg18: memref<!tpu.dma_semaphore, #tpu.memory_space<semaphore_mem>>, %arg19: memref<!tpu.dma_semaphore, #tpu.memory_space<semaphore_mem>>) attributes {dimension_semantics = [#tpu.dimension_semantics<core_parallel>, #tpu.dimension_semantics<subcore_parallel>], iteration_bounds = array<i64: 2, 16>, scalar_prefetch = 0 : i64, scratch_operands = 13 : i64, tpu.core_type = #tpu.core_type<sc_vector_subcore>, window_params = [{transform_indices = #map}, {transform_indices = #map}, {transform_indices = #map}, {transform_indices = #map}, {transform_indices = #map1}]} {
    %mul3A = arith.constant 2 : i32
    %mul3A_0 = arith.muli %arg1, %mul3A : i32
    %add3A = arith.addi %mul3A_0, %arg0 : i32
    %mul3A_1 = arith.constant 13 : i32
    %mul3A_2 = arith.muli %add3A, %mul3A_1 : i32
    %add3A_3 = arith.constant 0 : i32
    %add3A_4 = arith.addi %mul3A_2, %add3A_3 : i32
    %jit3A = arith.constant 16 : i32
    %div3A = arith.divsi %add3A_4, %jit3A : i32
    %sign3A = arith.constant 0 : i32
    %sign3A_5 = arith.cmpi sgt, %add3A_4, %sign3A : i32
    %sign3A_6 = arith.extui %sign3A_5 : i1 to i32
    %sign3A_7 = arith.constant 0 : i32
    %sign3A_8 = arith.cmpi slt, %add3A_4, %sign3A_7 : i32
    %sign3A_9 = arith.extui %sign3A_8 : i1 to i32
    %sign3A_10 = arith.subi %sign3A_6, %sign3A_9 : i32
    %sign3A_11 = arith.constant 0 : i32
    %sign3A_12 = arith.cmpi sgt, %jit3A, %sign3A_11 : i32
    %sign3A_13 = arith.extui %sign3A_12 : i1 to i32
    %sign3A_14 = arith.constant 0 : i32
    %sign3A_15 = arith.cmpi slt, %jit3A, %sign3A_14 : i32
    %sign3A_16 = arith.extui %sign3A_15 : i1 to i32
    %sign3A_17 = arith.subi %sign3A_13, %sign3A_16 : i32
    %ne3A = arith.cmpi ne, %sign3A_10, %sign3A_17 : i32
    %rem3A = arith.remsi %add3A_4, %jit3A : i32
    %ne3A_18 = arith.constant 0 : i32
    %ne3A_19 = arith.cmpi ne, %rem3A, %ne3A_18 : i32
    %and3A = arith.andi %ne3A, %ne3A_19 : i1
    %sub3A = arith.constant 1 : i32
    %sub3A_20 = arith.subi %div3A, %sub3A : i32
    %select_n3A = arith.select %and3A, %sub3A_20, %div3A : i32
    %jit3A_21 = arith.constant 16 : i32
    %eq3A = arith.constant 0 : i32
    %eq3A_22 = arith.cmpi eq, %jit3A_21, %eq3A : i32
    %jit3A_23 = arith.constant 1 : i32
    %select_n3A_24 = arith.select %eq3A_22, %jit3A_23, %jit3A_21 : i32
    %rem3A_25 = arith.remsi %add3A_4, %select_n3A_24 : i32
    %ne3A_26 = arith.constant 0 : i32
    %ne3A_27 = arith.cmpi ne, %rem3A_25, %ne3A_26 : i32
    %lt3A = arith.constant 0 : i32
    %lt3A_28 = arith.cmpi slt, %rem3A_25, %lt3A : i32
    %lt3A_29 = arith.constant 0 : i32
    %lt3A_30 = arith.cmpi slt, %select_n3A_24, %lt3A_29 : i32
    %ne3A_31 = arith.xori %lt3A_28, %lt3A_30 : i1
    %and3A_32 = arith.andi %ne3A_31, %ne3A_27 : i1
    %add3A_33 = arith.addi %rem3A_25, %select_n3A_24 : i32
    %select_n3A_34 = arith.select %and3A_32, %add3A_33, %rem3A_25 : i32
    %jit3A_35 = arith.constant 8 : i32
    %div3A_36 = arith.divsi %select_n3A_34, %jit3A_35 : i32
    %sign3A_37 = arith.constant 0 : i32
    %sign3A_38 = arith.cmpi sgt, %select_n3A_34, %sign3A_37 : i32
    %sign3A_39 = arith.extui %sign3A_38 : i1 to i32
    %sign3A_40 = arith.constant 0 : i32
    %sign3A_41 = arith.cmpi slt, %select_n3A_34, %sign3A_40 : i32
    %sign3A_42 = arith.extui %sign3A_41 : i1 to i32
    %sign3A_43 = arith.subi %sign3A_39, %sign3A_42 : i32
    %sign3A_44 = arith.constant 0 : i32
    %sign3A_45 = arith.cmpi sgt, %jit3A_35, %sign3A_44 : i32
    %sign3A_46 = arith.extui %sign3A_45 : i1 to i32
    %sign3A_47 = arith.constant 0 : i32
    %sign3A_48 = arith.cmpi slt, %jit3A_35, %sign3A_47 : i32
    %sign3A_49 = arith.extui %sign3A_48 : i1 to i32
    %sign3A_50 = arith.subi %sign3A_46, %sign3A_49 : i32
    %ne3A_51 = arith.cmpi ne, %sign3A_43, %sign3A_50 : i32
    %rem3A_52 = arith.remsi %select_n3A_34, %jit3A_35 : i32
    %ne3A_53 = arith.constant 0 : i32
    %ne3A_54 = arith.cmpi ne, %rem3A_52, %ne3A_53 : i32
    %and3A_55 = arith.andi %ne3A_51, %ne3A_54 : i1
    %sub3A_56 = arith.constant 1 : i32
    %sub3A_57 = arith.subi %div3A_36, %sub3A_56 : i32
    %select_n3A_58 = arith.select %and3A_55, %sub3A_57, %div3A_36 : i32
    %jit3A_59 = arith.constant 8 : i32
    %eq3A_60 = arith.constant 0 : i32
    %eq3A_61 = arith.cmpi eq, %jit3A_59, %eq3A_60 : i32
    %jit3A_62 = arith.constant 1 : i32
    %select_n3A_63 = arith.select %eq3A_61, %jit3A_62, %jit3A_59 : i32
    %rem3A_64 = arith.remsi %select_n3A_34, %select_n3A_63 : i32
    %ne3A_65 = arith.constant 0 : i32
    %ne3A_66 = arith.cmpi ne, %rem3A_64, %ne3A_65 : i32
    %lt3A_67 = arith.constant 0 : i32
    %lt3A_68 = arith.cmpi slt, %rem3A_64, %lt3A_67 : i32
    %lt3A_69 = arith.constant 0 : i32
    %lt3A_70 = arith.cmpi slt, %select_n3A_63, %lt3A_69 : i32
    %ne3A_71 = arith.xori %lt3A_68, %lt3A_70 : i1
    %and3A_72 = arith.andi %ne3A_71, %ne3A_66 : i1
    %add3A_73 = arith.addi %rem3A_64, %select_n3A_63 : i32
    %select_n3A_74 = arith.select %and3A_72, %add3A_73, %rem3A_64 : i32
    %mul3A_75 = arith.constant 64 : i32
    %mul3A_76 = arith.muli %select_n3A, %mul3A_75 : i32
    %mul3A_77 = arith.constant 8 : i32
    %mul3A_78 = arith.muli %select_n3A_74, %mul3A_77 : i32
    %add3A_79 = arith.addi %mul3A_76, %mul3A_78 : i32
    %mul3A_80 = arith.constant 1000 : i32
    %mul3A_81 = arith.muli %add3A_79, %mul3A_80 : i32
    %dma_start3A = tpu.memref_slice %arg4[%mul3A_81] : memref<1664000xf32, #tpu.memory_space<hbm>> -> memref<8000xf32, #tpu.memory_space<hbm>>
    %dma_start3A_82 = tpu.memref_slice %arg4[%mul3A_81] : memref<1664000xf32, #tpu.memory_space<hbm>> -> memref<8000xf32, #tpu.memory_space<hbm>>
    tpu.enqueue_dma source(%dma_start3A_82 : memref<8000xf32, #tpu.memory_space<hbm>>) target(%arg7 : memref<8000xf32, #tpu.memory_space<vmem>>) target_semaphore(%arg16 : memref<!tpu.dma_semaphore, #tpu.memory_space<semaphore_mem>>)
    %mul3A_83 = arith.constant 1000 : i32
    %mul3A_84 = arith.muli %add3A_79, %mul3A_83 : i32
    %dma_start3A_85 = tpu.memref_slice %arg5[%mul3A_84] : memref<1664000xf32, #tpu.memory_space<hbm>> -> memref<8000xf32, #tpu.memory_space<hbm>>
    %dma_start3A_86 = tpu.memref_slice %arg5[%mul3A_84] : memref<1664000xf32, #tpu.memory_space<hbm>> -> memref<8000xf32, #tpu.memory_space<hbm>>
    tpu.enqueue_dma source(%dma_start3A_86 : memref<8000xf32, #tpu.memory_space<hbm>>) target(%arg8 : memref<8000xf32, #tpu.memory_space<vmem>>) target_semaphore(%arg16 : memref<!tpu.dma_semaphore, #tpu.memory_space<semaphore_mem>>)
    %scan3A = arith.constant 0 : i32
    %scan3A_87 = arith.constant 6 : i32
    %scan3A_88 = arith.addi %scan3A, %scan3A_87 : i32
    %scan3A_89 = arith.constant 1 : i32
    scf.for %scan3A_218 = %scan3A to %scan3A_88 step %scan3A_89  : i32 {
      %mul3A_219 = arith.constant 2 : i32
      %mul3A_220 = arith.muli %scan3A_218, %mul3A_219 : i32
      %mul3A_221 = arith.constant 13 : i32
      %mul3A_222 = arith.muli %add3A, %mul3A_221 : i32
      %add3A_223 = arith.addi %mul3A_222, %mul3A_220 : i32
      %jit3A_224 = arith.constant 16 : i32
      %div3A_225 = arith.divsi %add3A_223, %jit3A_224 : i32
      %sign3A_226 = arith.constant 0 : i32
      %sign3A_227 = arith.cmpi sgt, %add3A_223, %sign3A_226 : i32
      %sign3A_228 = arith.extui %sign3A_227 : i1 to i32
      %sign3A_229 = arith.constant 0 : i32
      %sign3A_230 = arith.cmpi slt, %add3A_223, %sign3A_229 : i32
      %sign3A_231 = arith.extui %sign3A_230 : i1 to i32
      %sign3A_232 = arith.subi %sign3A_228, %sign3A_231 : i32
      %sign3A_233 = arith.constant 0 : i32
      %sign3A_234 = arith.cmpi sgt, %jit3A_224, %sign3A_233 : i32
      %sign3A_235 = arith.extui %sign3A_234 : i1 to i32
      %sign3A_236 = arith.constant 0 : i32
      %sign3A_237 = arith.cmpi slt, %jit3A_224, %sign3A_236 : i32
      %sign3A_238 = arith.extui %sign3A_237 : i1 to i32
      %sign3A_239 = arith.subi %sign3A_235, %sign3A_238 : i32
      %ne3A_240 = arith.cmpi ne, %sign3A_232, %sign3A_239 : i32
      %rem3A_241 = arith.remsi %add3A_223, %jit3A_224 : i32
      %ne3A_242 = arith.constant 0 : i32
      %ne3A_243 = arith.cmpi ne, %rem3A_241, %ne3A_242 : i32
      %and3A_244 = arith.andi %ne3A_240, %ne3A_243 : i1
      %sub3A_245 = arith.constant 1 : i32
      %sub3A_246 = arith.subi %div3A_225, %sub3A_245 : i32
      %select_n3A_247 = arith.select %and3A_244, %sub3A_246, %div3A_225 : i32
      %jit3A_248 = arith.constant 16 : i32
      %eq3A_249 = arith.constant 0 : i32
      %eq3A_250 = arith.cmpi eq, %jit3A_248, %eq3A_249 : i32
      %jit3A_251 = arith.constant 1 : i32
      %select_n3A_252 = arith.select %eq3A_250, %jit3A_251, %jit3A_248 : i32
      %rem3A_253 = arith.remsi %add3A_223, %select_n3A_252 : i32
      %ne3A_254 = arith.constant 0 : i32
      %ne3A_255 = arith.cmpi ne, %rem3A_253, %ne3A_254 : i32
      %lt3A_256 = arith.constant 0 : i32
      %lt3A_257 = arith.cmpi slt, %rem3A_253, %lt3A_256 : i32
      %lt3A_258 = arith.constant 0 : i32
      %lt3A_259 = arith.cmpi slt, %select_n3A_252, %lt3A_258 : i32
      %ne3A_260 = arith.xori %lt3A_257, %lt3A_259 : i1
      %and3A_261 = arith.andi %ne3A_260, %ne3A_255 : i1
      %add3A_262 = arith.addi %rem3A_253, %select_n3A_252 : i32
      %select_n3A_263 = arith.select %and3A_261, %add3A_262, %rem3A_253 : i32
      %jit3A_264 = arith.constant 8 : i32
      %div3A_265 = arith.divsi %select_n3A_263, %jit3A_264 : i32
      %sign3A_266 = arith.constant 0 : i32
      %sign3A_267 = arith.cmpi sgt, %select_n3A_263, %sign3A_266 : i32
      %sign3A_268 = arith.extui %sign3A_267 : i1 to i32
      %sign3A_269 = arith.constant 0 : i32
      %sign3A_270 = arith.cmpi slt, %select_n3A_263, %sign3A_269 : i32
      %sign3A_271 = arith.extui %sign3A_270 : i1 to i32
      %sign3A_272 = arith.subi %sign3A_268, %sign3A_271 : i32
      %sign3A_273 = arith.constant 0 : i32
      %sign3A_274 = arith.cmpi sgt, %jit3A_264, %sign3A_273 : i32
      %sign3A_275 = arith.extui %sign3A_274 : i1 to i32
      %sign3A_276 = arith.constant 0 : i32
      %sign3A_277 = arith.cmpi slt, %jit3A_264, %sign3A_276 : i32
      %sign3A_278 = arith.extui %sign3A_277 : i1 to i32
      %sign3A_279 = arith.subi %sign3A_275, %sign3A_278 : i32
      %ne3A_280 = arith.cmpi ne, %sign3A_272, %sign3A_279 : i32
      %rem3A_281 = arith.remsi %select_n3A_263, %jit3A_264 : i32
      %ne3A_282 = arith.constant 0 : i32
      %ne3A_283 = arith.cmpi ne, %rem3A_281, %ne3A_282 : i32
      %and3A_284 = arith.andi %ne3A_280, %ne3A_283 : i1
      %sub3A_285 = arith.constant 1 : i32
      %sub3A_286 = arith.subi %div3A_265, %sub3A_285 : i32
      %select_n3A_287 = arith.select %and3A_284, %sub3A_286, %div3A_265 : i32
      %jit3A_288 = arith.constant 8 : i32
      %eq3A_289 = arith.constant 0 : i32
      %eq3A_290 = arith.cmpi eq, %jit3A_288, %eq3A_289 : i32
      %jit3A_291 = arith.constant 1 : i32
      %select_n3A_292 = arith.select %eq3A_290, %jit3A_291, %jit3A_288 : i32
      %rem3A_293 = arith.remsi %select_n3A_263, %select_n3A_292 : i32
      %ne3A_294 = arith.constant 0 : i32
      %ne3A_295 = arith.cmpi ne, %rem3A_293, %ne3A_294 : i32
      %lt3A_296 = arith.constant 0 : i32
      %lt3A_297 = arith.cmpi slt, %rem3A_293, %lt3A_296 : i32
      %lt3A_298 = arith.constant 0 : i32
      %lt3A_299 = arith.cmpi slt, %select_n3A_292, %lt3A_298 : i32
      %ne3A_300 = arith.xori %lt3A_297, %lt3A_299 : i1
      %and3A_301 = arith.andi %ne3A_300, %ne3A_295 : i1
      %add3A_302 = arith.addi %rem3A_293, %select_n3A_292 : i32
      %select_n3A_303 = arith.select %and3A_301, %add3A_302, %rem3A_293 : i32
      %mul3A_304 = arith.constant 16384 : i32
      %mul3A_305 = arith.muli %select_n3A_247, %mul3A_304 : i32
      %mul3A_306 = arith.constant 8192 : i32
      %mul3A_307 = arith.muli %select_n3A_287, %mul3A_306 : i32
      %add3A_308 = arith.addi %mul3A_305, %mul3A_307 : i32
      %eq3A_309 = arith.constant 0 : i32
      %eq3A_310 = arith.cmpi eq, %mul3A_220, %eq3A_309 : i32
      %eq3A_311 = arith.constant 0 : i32
      %eq3A_312 = arith.cmpi eq, %select_n3A_303, %eq3A_311 : i32
      %or3A_313 = arith.ori %eq3A_310, %eq3A_312 : i1
      %convert_element_type3A_314 = arith.extui %or3A_313 : i1 to i32
      %cond3A_315 = arith.constant 0 : i32
      %cond3A_316 = arith.cmpi ne, %convert_element_type3A_314, %cond3A_315 : i32
      scf.if %cond3A_316 {
        %dma_start3A_461 = tpu.memref_slice %arg2[%add3A_308] : memref<425984xi32, #tpu.memory_space<hbm>> -> memref<8192xi32, #tpu.memory_space<hbm>>
        %dma_start3A_462 = tpu.memref_slice %arg2[%add3A_308] : memref<425984xi32, #tpu.memory_space<hbm>> -> memref<8192xi32, #tpu.memory_space<hbm>>
        tpu.enqueue_dma source(%dma_start3A_462 : memref<8192xi32, #tpu.memory_space<hbm>>) target(%arg11 : memref<8192xi32, #tpu.memory_space<vmem>>) target_semaphore(%arg15 : memref<!tpu.dma_semaphore, #tpu.memory_space<semaphore_mem>>)
        %dma_start3A_463 = tpu.memref_slice %arg3[%add3A_308] : memref<425984xi32, #tpu.memory_space<hbm>> -> memref<8192xi32, #tpu.memory_space<hbm>>
        %dma_start3A_464 = tpu.memref_slice %arg3[%add3A_308] : memref<425984xi32, #tpu.memory_space<hbm>> -> memref<8192xi32, #tpu.memory_space<hbm>>
        tpu.enqueue_dma source(%dma_start3A_464 : memref<8192xi32, #tpu.memory_space<hbm>>) target(%arg12 : memref<8192xi32, #tpu.memory_space<vmem>>) target_semaphore(%arg15 : memref<!tpu.dma_semaphore, #tpu.memory_space<semaphore_mem>>)
        %dma_wait3A_465 = tpu.memref_slice %arg2[%add3A_308] : memref<425984xi32, #tpu.memory_space<hbm>> -> memref<8192xi32, #tpu.memory_space<hbm>>
        %dma_wait3A_466 = tpu.memref_slice %arg2[%add3A_308] : memref<425984xi32, #tpu.memory_space<hbm>> -> memref<8192xi32, #tpu.memory_space<hbm>>
        tpu.wait_dma2 semaphore(%arg15 : memref<!tpu.dma_semaphore, #tpu.memory_space<semaphore_mem>>) src(%dma_wait3A_466 : memref<8192xi32, #tpu.memory_space<hbm>>) dst(%arg11 : memref<8192xi32, #tpu.memory_space<vmem>>)
        %dma_wait3A_467 = tpu.memref_slice %arg3[%add3A_308] : memref<425984xi32, #tpu.memory_space<hbm>> -> memref<8192xi32, #tpu.memory_space<hbm>>
        %dma_wait3A_468 = tpu.memref_slice %arg3[%add3A_308] : memref<425984xi32, #tpu.memory_space<hbm>> -> memref<8192xi32, #tpu.memory_space<hbm>>
        tpu.wait_dma2 semaphore(%arg15 : memref<!tpu.dma_semaphore, #tpu.memory_space<semaphore_mem>>) src(%dma_wait3A_468 : memref<8192xi32, #tpu.memory_space<hbm>>) dst(%arg12 : memref<8192xi32, #tpu.memory_space<vmem>>)
      } else {
      }
      %dma_wait3A_317 = arith.constant 0 : i32
      %dma_wait3A_318 = tpu.memref_slice %arg4[%dma_wait3A_317] : memref<1664000xf32, #tpu.memory_space<hbm>> -> memref<8000xf32, #tpu.memory_space<hbm>>
      %dma_wait3A_319 = arith.constant 0 : i32
      %dma_wait3A_320 = tpu.memref_slice %arg4[%dma_wait3A_319] : memref<1664000xf32, #tpu.memory_space<hbm>> -> memref<8000xf32, #tpu.memory_space<hbm>>
      tpu.wait_dma2 semaphore(%arg16 : memref<!tpu.dma_semaphore, #tpu.memory_space<semaphore_mem>>) src(%dma_wait3A_320 : memref<8000xf32, #tpu.memory_space<hbm>>) dst(%arg7 : memref<8000xf32, #tpu.memory_space<vmem>>)
      %dma_wait3A_321 = arith.constant 0 : i32
      %dma_wait3A_322 = tpu.memref_slice %arg5[%dma_wait3A_321] : memref<1664000xf32, #tpu.memory_space<hbm>> -> memref<8000xf32, #tpu.memory_space<hbm>>
      %dma_wait3A_323 = arith.constant 0 : i32
      %dma_wait3A_324 = tpu.memref_slice %arg5[%dma_wait3A_323] : memref<1664000xf32, #tpu.memory_space<hbm>> -> memref<8000xf32, #tpu.memory_space<hbm>>
      tpu.wait_dma2 semaphore(%arg16 : memref<!tpu.dma_semaphore, #tpu.memory_space<semaphore_mem>>) src(%dma_wait3A_324 : memref<8000xf32, #tpu.memory_space<hbm>>) dst(%arg8 : memref<8000xf32, #tpu.memory_space<vmem>>)
      %add3A_325 = arith.constant 1 : i32
      %add3A_326 = arith.addi %mul3A_220, %add3A_325 : i32
      %lt3A_327 = arith.constant 13 : i32
      %lt3A_328 = arith.cmpi slt, %add3A_326, %lt3A_327 : i32
      %convert_element_type3A_329 = arith.extui %lt3A_328 : i1 to i32
      %cond3A_330 = arith.constant 0 : i32
      %cond3A_331 = arith.cmpi ne, %convert_element_type3A_329, %cond3A_330 : i32
      scf.if %cond3A_331 {
        %add3A_461 = arith.constant 1 : i32
        %add3A_462 = arith.addi %mul3A_220, %add3A_461 : i32
        %mul3A_463 = arith.constant 13 : i32
        %mul3A_464 = arith.muli %add3A, %mul3A_463 : i32
        %add3A_465 = arith.addi %mul3A_464, %add3A_462 : i32
        %jit3A_466 = arith.constant 16 : i32
        %div3A_467 = arith.divsi %add3A_465, %jit3A_466 : i32
        %sign3A_468 = arith.constant 0 : i32
        %sign3A_469 = arith.cmpi sgt, %add3A_465, %sign3A_468 : i32
        %sign3A_470 = arith.extui %sign3A_469 : i1 to i32
        %sign3A_471 = arith.constant 0 : i32
        %sign3A_472 = arith.cmpi slt, %add3A_465, %sign3A_471 : i32
        %sign3A_473 = arith.extui %sign3A_472 : i1 to i32
        %sign3A_474 = arith.subi %sign3A_470, %sign3A_473 : i32
        %sign3A_475 = arith.constant 0 : i32
        %sign3A_476 = arith.cmpi sgt, %jit3A_466, %sign3A_475 : i32
        %sign3A_477 = arith.extui %sign3A_476 : i1 to i32
        %sign3A_478 = arith.constant 0 : i32
        %sign3A_479 = arith.cmpi slt, %jit3A_466, %sign3A_478 : i32
        %sign3A_480 = arith.extui %sign3A_479 : i1 to i32
        %sign3A_481 = arith.subi %sign3A_477, %sign3A_480 : i32
        %ne3A_482 = arith.cmpi ne, %sign3A_474, %sign3A_481 : i32
        %rem3A_483 = arith.remsi %add3A_465, %jit3A_466 : i32
        %ne3A_484 = arith.constant 0 : i32
        %ne3A_485 = arith.cmpi ne, %rem3A_483, %ne3A_484 : i32
        %and3A_486 = arith.andi %ne3A_482, %ne3A_485 : i1
        %sub3A_487 = arith.constant 1 : i32
        %sub3A_488 = arith.subi %div3A_467, %sub3A_487 : i32
        %select_n3A_489 = arith.select %and3A_486, %sub3A_488, %div3A_467 : i32
        %jit3A_490 = arith.constant 16 : i32
        %eq3A_491 = arith.constant 0 : i32
        %eq3A_492 = arith.cmpi eq, %jit3A_490, %eq3A_491 : i32
        %jit3A_493 = arith.constant 1 : i32
        %select_n3A_494 = arith.select %eq3A_492, %jit3A_493, %jit3A_490 : i32
        %rem3A_495 = arith.remsi %add3A_465, %select_n3A_494 : i32
        %ne3A_496 = arith.constant 0 : i32
        %ne3A_497 = arith.cmpi ne, %rem3A_495, %ne3A_496 : i32
        %lt3A_498 = arith.constant 0 : i32
        %lt3A_499 = arith.cmpi slt, %rem3A_495, %lt3A_498 : i32
        %lt3A_500 = arith.constant 0 : i32
        %lt3A_501 = arith.cmpi slt, %select_n3A_494, %lt3A_500 : i32
        %ne3A_502 = arith.xori %lt3A_499, %lt3A_501 : i1
        %and3A_503 = arith.andi %ne3A_502, %ne3A_497 : i1
        %add3A_504 = arith.addi %rem3A_495, %select_n3A_494 : i32
        %select_n3A_505 = arith.select %and3A_503, %add3A_504, %rem3A_495 : i32
        %jit3A_506 = arith.constant 8 : i32
        %div3A_507 = arith.divsi %select_n3A_505, %jit3A_506 : i32
        %sign3A_508 = arith.constant 0 : i32
        %sign3A_509 = arith.cmpi sgt, %select_n3A_505, %sign3A_508 : i32
        %sign3A_510 = arith.extui %sign3A_509 : i1 to i32
        %sign3A_511 = arith.constant 0 : i32
        %sign3A_512 = arith.cmpi slt, %select_n3A_505, %sign3A_511 : i32
        %sign3A_513 = arith.extui %sign3A_512 : i1 to i32
        %sign3A_514 = arith.subi %sign3A_510, %sign3A_513 : i32
        %sign3A_515 = arith.constant 0 : i32
        %sign3A_516 = arith.cmpi sgt, %jit3A_506, %sign3A_515 : i32
        %sign3A_517 = arith.extui %sign3A_516 : i1 to i32
        %sign3A_518 = arith.constant 0 : i32
        %sign3A_519 = arith.cmpi slt, %jit3A_506, %sign3A_518 : i32
        %sign3A_520 = arith.extui %sign3A_519 : i1 to i32
        %sign3A_521 = arith.subi %sign3A_517, %sign3A_520 : i32
        %ne3A_522 = arith.cmpi ne, %sign3A_514, %sign3A_521 : i32
        %rem3A_523 = arith.remsi %select_n3A_505, %jit3A_506 : i32
        %ne3A_524 = arith.constant 0 : i32
        %ne3A_525 = arith.cmpi ne, %rem3A_523, %ne3A_524 : i32
        %and3A_526 = arith.andi %ne3A_522, %ne3A_525 : i1
        %sub3A_527 = arith.constant 1 : i32
        %sub3A_528 = arith.subi %div3A_507, %sub3A_527 : i32
        %select_n3A_529 = arith.select %and3A_526, %sub3A_528, %div3A_507 : i32
        %jit3A_530 = arith.constant 8 : i32
        %eq3A_531 = arith.constant 0 : i32
        %eq3A_532 = arith.cmpi eq, %jit3A_530, %eq3A_531 : i32
        %jit3A_533 = arith.constant 1 : i32
        %select_n3A_534 = arith.select %eq3A_532, %jit3A_533, %jit3A_530 : i32
        %rem3A_535 = arith.remsi %select_n3A_505, %select_n3A_534 : i32
        %ne3A_536 = arith.constant 0 : i32
        %ne3A_537 = arith.cmpi ne, %rem3A_535, %ne3A_536 : i32
        %lt3A_538 = arith.constant 0 : i32
        %lt3A_539 = arith.cmpi slt, %rem3A_535, %lt3A_538 : i32
        %lt3A_540 = arith.constant 0 : i32
        %lt3A_541 = arith.cmpi slt, %select_n3A_534, %lt3A_540 : i32
        %ne3A_542 = arith.xori %lt3A_539, %lt3A_541 : i1
        %and3A_543 = arith.andi %ne3A_542, %ne3A_537 : i1
        %add3A_544 = arith.addi %rem3A_535, %select_n3A_534 : i32
        %select_n3A_545 = arith.select %and3A_543, %add3A_544, %rem3A_535 : i32
        %mul3A_546 = arith.constant 64 : i32
        %mul3A_547 = arith.muli %select_n3A_489, %mul3A_546 : i32
        %mul3A_548 = arith.constant 8 : i32
        %mul3A_549 = arith.muli %select_n3A_545, %mul3A_548 : i32
        %add3A_550 = arith.addi %mul3A_547, %mul3A_549 : i32
        %mul3A_551 = arith.constant 1000 : i32
        %mul3A_552 = arith.muli %add3A_550, %mul3A_551 : i32
        %dma_start3A_553 = tpu.memref_slice %arg4[%mul3A_552] : memref<1664000xf32, #tpu.memory_space<hbm>> -> memref<8000xf32, #tpu.memory_space<hbm>>
        %dma_start3A_554 = tpu.memref_slice %arg4[%mul3A_552] : memref<1664000xf32, #tpu.memory_space<hbm>> -> memref<8000xf32, #tpu.memory_space<hbm>>
        tpu.enqueue_dma source(%dma_start3A_554 : memref<8000xf32, #tpu.memory_space<hbm>>) target(%arg9 : memref<8000xf32, #tpu.memory_space<vmem>>) target_semaphore(%arg17 : memref<!tpu.dma_semaphore, #tpu.memory_space<semaphore_mem>>)
        %mul3A_555 = arith.constant 1000 : i32
        %mul3A_556 = arith.muli %add3A_550, %mul3A_555 : i32
        %dma_start3A_557 = tpu.memref_slice %arg5[%mul3A_556] : memref<1664000xf32, #tpu.memory_space<hbm>> -> memref<8000xf32, #tpu.memory_space<hbm>>
        %dma_start3A_558 = tpu.memref_slice %arg5[%mul3A_556] : memref<1664000xf32, #tpu.memory_space<hbm>> -> memref<8000xf32, #tpu.memory_space<hbm>>
        tpu.enqueue_dma source(%dma_start3A_558 : memref<8000xf32, #tpu.memory_space<hbm>>) target(%arg10 : memref<8000xf32, #tpu.memory_space<vmem>>) target_semaphore(%arg17 : memref<!tpu.dma_semaphore, #tpu.memory_space<semaphore_mem>>)
      } else {
      }
      %mul3A_332 = arith.constant 64 : i32
      %mul3A_333 = arith.muli %select_n3A_287, %mul3A_332 : i32
      %scan3A_334 = arith.constant 0 : i32
      %scan3A_335 = arith.constant 8 : i32
      %scan3A_336 = arith.addi %scan3A_334, %scan3A_335 : i32
      %scan3A_337 = arith.constant 1 : i32
      scf.for %scan3A_461 = %scan3A_334 to %scan3A_336 step %scan3A_337  : i32 {
        %mul3A_462 = arith.constant 2 : i32
        %mul3A_463 = arith.muli %scan3A_461, %mul3A_462 : i32
        %eq3A_464 = arith.constant 0 : i32
        %eq3A_465 = arith.cmpi eq, %mul3A_220, %eq3A_464 : i32
        %eq3A_466 = arith.constant 0 : i32
        %eq3A_467 = arith.cmpi eq, %scan3A_461, %eq3A_466 : i32
        %and3A_468 = arith.andi %eq3A_465, %eq3A_467 : i1
        %not3A = arith.constant true
        %not3A_469 = arith.xori %and3A_468, %not3A : i1
        %convert_element_type3A_470 = arith.extui %not3A_469 : i1 to i32
        %cond3A_471 = arith.constant 0 : i32
        %cond3A_472 = arith.cmpi ne, %convert_element_type3A_470, %cond3A_471 : i32
        scf.if %cond3A_472 {
          %dma_wait3A_515 = arith.constant 0 : i32
          %dma_wait3A_516 = arith.constant 0 : i32
          %dma_wait3A_517 = arith.constant 0 : i32
          %dma_wait3A_518 = arith.constant 0 : i32
          %dma_wait3A_519 = tpu.memref_slice %arg6[%dma_wait3A_515, %dma_wait3A_516, %dma_wait3A_517, %dma_wait3A_518] : memref<26x8x128x1024xf32, #tpu.memory_space<hbm>> -> memref<1x1x4x1024xf32, #tpu.memory_space<hbm>>
          %dma_wait3A_520 = tpu.memref_squeeze %dma_wait3A_519 : memref<1x1x4x1024xf32, #tpu.memory_space<hbm>> -> memref<4x1024xf32, #tpu.memory_space<hbm>>
          %dma_wait3A_521 = arith.constant 0 : i32
          %dma_wait3A_522 = arith.constant 0 : i32
          %dma_wait3A_523 = tpu.memref_slice %arg6[%dma_wait3A_515, %dma_wait3A_516, %dma_wait3A_521, %dma_wait3A_522] : memref<26x8x128x1024xf32, #tpu.memory_space<hbm>> -> memref<1x1x4x1024xf32, #tpu.memory_space<hbm>>
          %dma_wait3A_524 = tpu.memref_squeeze %dma_wait3A_523 : memref<1x1x4x1024xf32, #tpu.memory_space<hbm>> -> memref<4x1024xf32, #tpu.memory_space<hbm>>
          tpu.wait_dma2 semaphore(%arg18 : memref<!tpu.dma_semaphore, #tpu.memory_space<semaphore_mem>>) src(%arg13 : memref<4x1024xf32, #tpu.memory_space<vmem>>) dst(%dma_wait3A_524 : memref<4x1024xf32, #tpu.memory_space<hbm>>)
        } else {
        }
        %scan3A_473 = arith.constant 0 : i32
        %scan3A_474 = arith.constant 16 : i32
        %scan3A_475 = arith.addi %scan3A_473, %scan3A_474 : i32
        %scan3A_476 = arith.constant 1 : i32
        scf.for %scan3A_515 = %scan3A_473 to %scan3A_475 step %scan3A_476  : i32 {
          %mul3A_516 = arith.constant 2 : i32
          %mul3A_517 = arith.muli %scan3A_515, %mul3A_516 : i32
          %mul3A_518 = arith.constant 512 : i32
          %mul3A_519 = arith.muli %mul3A_463, %mul3A_518 : i32
          %mul3A_520 = arith.constant 16 : i32
          %mul3A_521 = arith.muli %mul3A_517, %mul3A_520 : i32
          %add3A_522 = arith.addi %mul3A_519, %mul3A_521 : i32
          %get3A = arith.index_cast %add3A_522 : i32 to index
          %get3A_523 = tpu.vector_load %arg11[%get3A] {strides = array<i32>} : memref<8192xi32, #tpu.memory_space<vmem>>, vector<16xi32>,
          %get3A_524 = arith.index_cast %add3A_522 : i32 to index
          %get3A_525 = tpu.vector_load %arg12[%get3A_524] {strides = array<i32>} : memref<8192xi32, #tpu.memory_space<vmem>>, vector<16xi32>,
          %jit3A_526 = arith.constant 8 : i32
          %div3A_527 = arith.divsi %mul3A_517, %jit3A_526 : i32
          %sign3A_528 = arith.constant 0 : i32
          %sign3A_529 = arith.cmpi sgt, %mul3A_517, %sign3A_528 : i32
          %sign3A_530 = arith.extui %sign3A_529 : i1 to i32
          %sign3A_531 = arith.constant 0 : i32
          %sign3A_532 = arith.cmpi slt, %mul3A_517, %sign3A_531 : i32
          %sign3A_533 = arith.extui %sign3A_532 : i1 to i32
          %sign3A_534 = arith.subi %sign3A_530, %sign3A_533 : i32
          %sign3A_535 = arith.constant 0 : i32
          %sign3A_536 = arith.cmpi sgt, %jit3A_526, %sign3A_535 : i32
          %sign3A_537 = arith.extui %sign3A_536 : i1 to i32
          %sign3A_538 = arith.constant 0 : i32
          %sign3A_539 = arith.cmpi slt, %jit3A_526, %sign3A_538 : i32
          %sign3A_540 = arith.extui %sign3A_539 : i1 to i32
          %sign3A_541 = arith.subi %sign3A_537, %sign3A_540 : i32
          %ne3A_542 = arith.cmpi ne, %sign3A_534, %sign3A_541 : i32
          %rem3A_543 = arith.remsi %mul3A_517, %jit3A_526 : i32
          %ne3A_544 = arith.constant 0 : i32
          %ne3A_545 = arith.cmpi ne, %rem3A_543, %ne3A_544 : i32
          %and3A_546 = arith.andi %ne3A_542, %ne3A_545 : i1
          %sub3A_547 = arith.constant 1 : i32
          %sub3A_548 = arith.subi %div3A_527, %sub3A_547 : i32
          %select_n3A_549 = arith.select %and3A_546, %sub3A_548, %div3A_527 : i32
          %jit3A_550 = arith.constant 8 : i32
          %eq3A_551 = arith.constant 0 : i32
          %eq3A_552 = arith.cmpi eq, %jit3A_550, %eq3A_551 : i32
          %jit3A_553 = arith.constant 1 : i32
          %select_n3A_554 = arith.select %eq3A_552, %jit3A_553, %jit3A_550 : i32
          %rem3A_555 = arith.remsi %mul3A_517, %select_n3A_554 : i32
          %ne3A_556 = arith.constant 0 : i32
          %ne3A_557 = arith.cmpi ne, %rem3A_555, %ne3A_556 : i32
          %lt3A_558 = arith.constant 0 : i32
          %lt3A_559 = arith.cmpi slt, %rem3A_555, %lt3A_558 : i32
          %lt3A_560 = arith.constant 0 : i32
          %lt3A_561 = arith.cmpi slt, %select_n3A_554, %lt3A_560 : i32
          %ne3A_562 = arith.xori %lt3A_559, %lt3A_561 : i1
          %and3A_563 = arith.andi %ne3A_562, %ne3A_557 : i1
          %add3A_564 = arith.addi %rem3A_555, %select_n3A_554 : i32
          %select_n3A_565 = arith.select %and3A_563, %add3A_564, %rem3A_555 : i32
          %mul3A_566 = arith.constant 16 : i32
          %mul3A_567 = arith.muli %select_n3A_565, %mul3A_566 : i32
          %gather3A = arith.constant 0 : i32
          %gather3A_568 = tpu.memref_slice %arg7[%gather3A] : memref<8000xf32, #tpu.memory_space<vmem>> -> memref<1000xf32, #tpu.memory_space<vmem>>
          %gather3A_569 = tpu.vector_load_idx %gather3A_568[%get3A_523] : memref<1000xf32, #tpu.memory_space<vmem>>[vector<16xi32>], vector<16xf32>,
          %gather3A_570 = arith.constant 1000 : i32
          %gather3A_571 = tpu.memref_slice %arg7[%gather3A_570] : memref<8000xf32, #tpu.memory_space<vmem>> -> memref<1000xf32, #tpu.memory_space<vmem>>
          %gather3A_572 = tpu.vector_load_idx %gather3A_571[%get3A_523] : memref<1000xf32, #tpu.memory_space<vmem>>[vector<16xi32>], vector<16xf32>,
          %gather3A_573 = arith.constant 2000 : i32
          %gather3A_574 = tpu.memref_slice %arg7[%gather3A_573] : memref<8000xf32, #tpu.memory_space<vmem>> -> memref<1000xf32, #tpu.memory_space<vmem>>
          %gather3A_575 = tpu.vector_load_idx %gather3A_574[%get3A_523] : memref<1000xf32, #tpu.memory_space<vmem>>[vector<16xi32>], vector<16xf32>,
          %gather3A_576 = arith.constant 3000 : i32
          %gather3A_577 = tpu.memref_slice %arg7[%gather3A_576] : memref<8000xf32, #tpu.memory_space<vmem>> -> memref<1000xf32, #tpu.memory_space<vmem>>
          %gather3A_578 = tpu.vector_load_idx %gather3A_577[%get3A_523] : memref<1000xf32, #tpu.memory_space<vmem>>[vector<16xi32>], vector<16xf32>,
          %gather3A_579 = arith.constant 4000 : i32
          %gather3A_580 = tpu.memref_slice %arg7[%gather3A_579] : memref<8000xf32, #tpu.memory_space<vmem>> -> memref<1000xf32, #tpu.memory_space<vmem>>
          %gather3A_581 = tpu.vector_load_idx %gather3A_580[%get3A_523] : memref<1000xf32, #tpu.memory_space<vmem>>[vector<16xi32>], vector<16xf32>,
          %gather3A_582 = arith.constant 5000 : i32
          %gather3A_583 = tpu.memref_slice %arg7[%gather3A_582] : memref<8000xf32, #tpu.memory_space<vmem>> -> memref<1000xf32, #tpu.memory_space<vmem>>
          %gather3A_584 = tpu.vector_load_idx %gather3A_583[%get3A_523] : memref<1000xf32, #tpu.memory_space<vmem>>[vector<16xi32>], vector<16xf32>,
          %gather3A_585 = arith.constant 6000 : i32
          %gather3A_586 = tpu.memref_slice %arg7[%gather3A_585] : memref<8000xf32, #tpu.memory_space<vmem>> -> memref<1000xf32, #tpu.memory_space<vmem>>
          %gather3A_587 = tpu.vector_load_idx %gather3A_586[%get3A_523] : memref<1000xf32, #tpu.memory_space<vmem>>[vector<16xi32>], vector<16xf32>,
          %gather3A_588 = arith.constant 7000 : i32
          %gather3A_589 = tpu.memref_slice %arg7[%gather3A_588] : memref<8000xf32, #tpu.memory_space<vmem>> -> memref<1000xf32, #tpu.memory_space<vmem>>
          %gather3A_590 = tpu.vector_load_idx %gather3A_589[%get3A_523] : memref<1000xf32, #tpu.memory_space<vmem>>[vector<16xi32>], vector<16xf32>,
          %gather3A_591 = arith.constant 0 : i32
          %gather3A_592 = tpu.memref_slice %arg8[%gather3A_591] : memref<8000xf32, #tpu.memory_space<vmem>> -> memref<1000xf32, #tpu.memory_space<vmem>>
          %gather3A_593 = tpu.vector_load_idx %gather3A_592[%get3A_525] : memref<1000xf32, #tpu.memory_space<vmem>>[vector<16xi32>], vector<16xf32>,
          %gather3A_594 = arith.constant 1000 : i32
          %gather3A_595 = tpu.memref_slice %arg8[%gather3A_594] : memref<8000xf32, #tpu.memory_space<vmem>> -> memref<1000xf32, #tpu.memory_space<vmem>>
          %gather3A_596 = tpu.vector_load_idx %gather3A_595[%get3A_525] : memref<1000xf32, #tpu.memory_space<vmem>>[vector<16xi32>], vector<16xf32>,
          %gather3A_597 = arith.constant 2000 : i32
          %gather3A_598 = tpu.memref_slice %arg8[%gather3A_597] : memref<8000xf32, #tpu.memory_space<vmem>> -> memref<1000xf32, #tpu.memory_space<vmem>>
          %gather3A_599 = tpu.vector_load_idx %gather3A_598[%get3A_525] : memref<1000xf32, #tpu.memory_space<vmem>>[vector<16xi32>], vector<16xf32>,
          %gather3A_600 = arith.constant 3000 : i32
          %gather3A_601 = tpu.memref_slice %arg8[%gather3A_600] : memref<8000xf32, #tpu.memory_space<vmem>> -> memref<1000xf32, #tpu.memory_space<vmem>>
          %gather3A_602 = tpu.vector_load_idx %gather3A_601[%get3A_525] : memref<1000xf32, #tpu.memory_space<vmem>>[vector<16xi32>], vector<16xf32>,
          %gather3A_603 = arith.constant 4000 : i32
          %gather3A_604 = tpu.memref_slice %arg8[%gather3A_603] : memref<8000xf32, #tpu.memory_space<vmem>> -> memref<1000xf32, #tpu.memory_space<vmem>>
          %gather3A_605 = tpu.vector_load_idx %gather3A_604[%get3A_525] : memref<1000xf32, #tpu.memory_space<vmem>>[vector<16xi32>], vector<16xf32>,
          %gather3A_606 = arith.constant 5000 : i32
          %gather3A_607 = tpu.memref_slice %arg8[%gather3A_606] : memref<8000xf32, #tpu.memory_space<vmem>> -> memref<1000xf32, #tpu.memory_space<vmem>>
          %gather3A_608 = tpu.vector_load_idx %gather3A_607[%get3A_525] : memref<1000xf32, #tpu.memory_space<vmem>>[vector<16xi32>], vector<16xf32>,
          %gather3A_609 = arith.constant 6000 : i32
          %gather3A_610 = tpu.memref_slice %arg8[%gather3A_609] : memref<8000xf32, #tpu.memory_space<vmem>> -> memref<1000xf32, #tpu.memory_space<vmem>>
          %gather3A_611 = tpu.vector_load_idx %gather3A_610[%get3A_525] : memref<1000xf32, #tpu.memory_space<vmem>>[vector<16xi32>], vector<16xf32>,
          %gather3A_612 = arith.constant 7000 : i32
          %gather3A_613 = tpu.memref_slice %arg8[%gather3A_612] : memref<8000xf32, #tpu.memory_space<vmem>> -> memref<1000xf32, #tpu.memory_space<vmem>>
          %gather3A_614 = tpu.vector_load_idx %gather3A_613[%get3A_525] : memref<1000xf32, #tpu.memory_space<vmem>>[vector<16xi32>], vector<16xf32>,
          %add3A_615 = arith.addf %gather3A_569, %gather3A_593 : vector<16xf32>
          %add3A_616 = arith.addf %gather3A_572, %gather3A_596 : vector<16xf32>
          %add3A_617 = arith.addf %gather3A_575, %gather3A_599 : vector<16xf32>
          %add3A_618 = arith.addf %gather3A_578, %gather3A_602 : vector<16xf32>
          %add3A_619 = arith.addf %gather3A_581, %gather3A_605 : vector<16xf32>
          %add3A_620 = arith.addf %gather3A_584, %gather3A_608 : vector<16xf32>
          %add3A_621 = arith.addf %gather3A_587, %gather3A_611 : vector<16xf32>
          %add3A_622 = arith.addf %gather3A_590, %gather3A_614 : vector<16xf32>
          %add3A_623 = arith.constant 0 : i32
          %add3A_624 = arith.addi %add3A_623, %mul3A_567 : i32
          %swap3A = arith.index_cast %select_n3A_549 : i32 to index
          %swap3A_625 = arith.index_cast %add3A_624 : i32 to index
          %swap3A_626 = tpu.vector_load %arg13[%swap3A, %swap3A_625] {strides = array<i32>} : memref<4x1024xf32, #tpu.memory_space<vmem>>, vector<16xf32>,
          tpu.vector_store %arg13[%swap3A, %swap3A_625], %add3A_615 {strides = array<i32>} : memref<4x1024xf32, #tpu.memory_space<vmem>>, vector<16xf32>,
          %add3A_627 = arith.constant 128 : i32
          %add3A_628 = arith.addi %add3A_627, %mul3A_567 : i32
          %swap3A_629 = arith.index_cast %select_n3A_549 : i32 to index
          %swap3A_630 = arith.index_cast %add3A_628 : i32 to index
          %swap3A_631 = tpu.vector_load %arg13[%swap3A_629, %swap3A_630] {strides = array<i32>} : memref<4x1024xf32, #tpu.memory_space<vmem>>, vector<16xf32>,
          tpu.vector_store %arg13[%swap3A_629, %swap3A_630], %add3A_616 {strides = array<i32>} : memref<4x1024xf32, #tpu.memory_space<vmem>>, vector<16xf32>,
          %add3A_632 = arith.constant 256 : i32
          %add3A_633 = arith.addi %add3A_632, %mul3A_567 : i32
          %swap3A_634 = arith.index_cast %select_n3A_549 : i32 to index
          %swap3A_635 = arith.index_cast %add3A_633 : i32 to index
          %swap3A_636 = tpu.vector_load %arg13[%swap3A_634, %swap3A_635] {strides = array<i32>} : memref<4x1024xf32, #tpu.memory_space<vmem>>, vector<16xf32>,
          tpu.vector_store %arg13[%swap3A_634, %swap3A_635], %add3A_617 {strides = array<i32>} : memref<4x1024xf32, #tpu.memory_space<vmem>>, vector<16xf32>,
          %add3A_637 = arith.constant 384 : i32
          %add3A_638 = arith.addi %add3A_637, %mul3A_567 : i32
          %swap3A_639 = arith.index_cast %select_n3A_549 : i32 to index
          %swap3A_640 = arith.index_cast %add3A_638 : i32 to index
          %swap3A_641 = tpu.vector_load %arg13[%swap3A_639, %swap3A_640] {strides = array<i32>} : memref<4x1024xf32, #tpu.memory_space<vmem>>, vector<16xf32>,
          tpu.vector_store %arg13[%swap3A_639, %swap3A_640], %add3A_618 {strides = array<i32>} : memref<4x1024xf32, #tpu.memory_space<vmem>>, vector<16xf32>,
          %add3A_642 = arith.constant 512 : i32
          %add3A_643 = arith.addi %add3A_642, %mul3A_567 : i32
          %swap3A_644 = arith.index_cast %select_n3A_549 : i32 to index
          %swap3A_645 = arith.index_cast %add3A_643 : i32 to index
          %swap3A_646 = tpu.vector_load %arg13[%swap3A_644, %swap3A_645] {strides = array<i32>} : memref<4x1024xf32, #tpu.memory_space<vmem>>, vector<16xf32>,
          tpu.vector_store %arg13[%swap3A_644, %swap3A_645], %add3A_619 {strides = array<i32>} : memref<4x1024xf32, #tpu.memory_space<vmem>>, vector<16xf32>,
          %add3A_647 = arith.constant 640 : i32
          %add3A_648 = arith.addi %add3A_647, %mul3A_567 : i32
          %swap3A_649 = arith.index_cast %select_n3A_549 : i32 to index
          %swap3A_650 = arith.index_cast %add3A_648 : i32 to index
          %swap3A_651 = tpu.vector_load %arg13[%swap3A_649, %swap3A_650] {strides = array<i32>} : memref<4x1024xf32, #tpu.memory_space<vmem>>, vector<16xf32>,
          tpu.vector_store %arg13[%swap3A_649, %swap3A_650], %add3A_620 {strides = array<i32>} : memref<4x1024xf32, #tpu.memory_space<vmem>>, vector<16xf32>,
          %add3A_652 = arith.constant 768 : i32
          %add3A_653 = arith.addi %add3A_652, %mul3A_567 : i32
          %swap3A_654 = arith.index_cast %select_n3A_549 : i32 to index
          %swap3A_655 = arith.index_cast %add3A_653 : i32 to index
          %swap3A_656 = tpu.vector_load %arg13[%swap3A_654, %swap3A_655] {strides = array<i32>} : memref<4x1024xf32, #tpu.memory_space<vmem>>, vector<16xf32>,
          tpu.vector_store %arg13[%swap3A_654, %swap3A_655], %add3A_621 {strides = array<i32>} : memref<4x1024xf32, #tpu.memory_space<vmem>>, vector<16xf32>,
          %add3A_657 = arith.constant 896 : i32
          %add3A_658 = arith.addi %add3A_657, %mul3A_567 : i32
          %swap3A_659 = arith.index_cast %select_n3A_549 : i32 to index
          %swap3A_660 = arith.index_cast %add3A_658 : i32 to index
          %swap3A_661 = tpu.vector_load %arg13[%swap3A_659, %swap3A_660] {strides = array<i32>} : memref<4x1024xf32, #tpu.memory_space<vmem>>, vector<16xf32>,
          tpu.vector_store %arg13[%swap3A_659, %swap3A_660], %add3A_622 {strides = array<i32>} : memref<4x1024xf32, #tpu.memory_space<vmem>>, vector<16xf32>,
          %mul3A_662 = arith.constant 2 : i32
          %mul3A_663 = arith.muli %scan3A_515, %mul3A_662 : i32
          %add3A_664 = arith.constant 1 : i32
          %add3A_665 = arith.addi %mul3A_663, %add3A_664 : i32
          %mul3A_666 = arith.constant 512 : i32
          %mul3A_667 = arith.muli %mul3A_463, %mul3A_666 : i32
          %mul3A_668 = arith.constant 16 : i32
          %mul3A_669 = arith.muli %add3A_665, %mul3A_668 : i32
          %add3A_670 = arith.addi %mul3A_667, %mul3A_669 : i32
          %get3A_671 = arith.index_cast %add3A_670 : i32 to index
          %get3A_672 = tpu.vector_load %arg11[%get3A_671] {strides = array<i32>} : memref<8192xi32, #tpu.memory_space<vmem>>, vector<16xi32>,
          %get3A_673 = arith.index_cast %add3A_670 : i32 to index
          %get3A_674 = tpu.vector_load %arg12[%get3A_673] {strides = array<i32>} : memref<8192xi32, #tpu.memory_space<vmem>>, vector<16xi32>,
          %jit3A_675 = arith.constant 8 : i32
          %div3A_676 = arith.divsi %add3A_665, %jit3A_675 : i32
          %sign3A_677 = arith.constant 0 : i32
          %sign3A_678 = arith.cmpi sgt, %add3A_665, %sign3A_677 : i32
          %sign3A_679 = arith.extui %sign3A_678 : i1 to i32
          %sign3A_680 = arith.constant 0 : i32
          %sign3A_681 = arith.cmpi slt, %add3A_665, %sign3A_680 : i32
          %sign3A_682 = arith.extui %sign3A_681 : i1 to i32
          %sign3A_683 = arith.subi %sign3A_679, %sign3A_682 : i32
          %sign3A_684 = arith.constant 0 : i32
          %sign3A_685 = arith.cmpi sgt, %jit3A_675, %sign3A_684 : i32
          %sign3A_686 = arith.extui %sign3A_685 : i1 to i32
          %sign3A_687 = arith.constant 0 : i32
          %sign3A_688 = arith.cmpi slt, %jit3A_675, %sign3A_687 : i32
          %sign3A_689 = arith.extui %sign3A_688 : i1 to i32
          %sign3A_690 = arith.subi %sign3A_686, %sign3A_689 : i32
          %ne3A_691 = arith.cmpi ne, %sign3A_683, %sign3A_690 : i32
          %rem3A_692 = arith.remsi %add3A_665, %jit3A_675 : i32
          %ne3A_693 = arith.constant 0 : i32
          %ne3A_694 = arith.cmpi ne, %rem3A_692, %ne3A_693 : i32
          %and3A_695 = arith.andi %ne3A_691, %ne3A_694 : i1
          %sub3A_696 = arith.constant 1 : i32
          %sub3A_697 = arith.subi %div3A_676, %sub3A_696 : i32
          %select_n3A_698 = arith.select %and3A_695, %sub3A_697, %div3A_676 : i32
          %jit3A_699 = arith.constant 8 : i32
          %eq3A_700 = arith.constant 0 : i32
          %eq3A_701 = arith.cmpi eq, %jit3A_699, %eq3A_700 : i32
          %jit3A_702 = arith.constant 1 : i32
          %select_n3A_703 = arith.select %eq3A_701, %jit3A_702, %jit3A_699 : i32
          %rem3A_704 = arith.remsi %add3A_665, %select_n3A_703 : i32
          %ne3A_705 = arith.constant 0 : i32
          %ne3A_706 = arith.cmpi ne, %rem3A_704, %ne3A_705 : i32
          %lt3A_707 = arith.constant 0 : i32
          %lt3A_708 = arith.cmpi slt, %rem3A_704, %lt3A_707 : i32
          %lt3A_709 = arith.constant 0 : i32
          %lt3A_710 = arith.cmpi slt, %select_n3A_703, %lt3A_709 : i32
          %ne3A_711 = arith.xori %lt3A_708, %lt3A_710 : i1
          %and3A_712 = arith.andi %ne3A_711, %ne3A_706 : i1
          %add3A_713 = arith.addi %rem3A_704, %select_n3A_703 : i32
          %select_n3A_714 = arith.select %and3A_712, %add3A_713, %rem3A_704 : i32
          %mul3A_715 = arith.constant 16 : i32
          %mul3A_716 = arith.muli %select_n3A_714, %mul3A_715 : i32
          %gather3A_717 = arith.constant 0 : i32
          %gather3A_718 = tpu.memref_slice %arg7[%gather3A_717] : memref<8000xf32, #tpu.memory_space<vmem>> -> memref<1000xf32, #tpu.memory_space<vmem>>
          %gather3A_719 = tpu.vector_load_idx %gather3A_718[%get3A_672] : memref<1000xf32, #tpu.memory_space<vmem>>[vector<16xi32>], vector<16xf32>,
          %gather3A_720 = arith.constant 1000 : i32
          %gather3A_721 = tpu.memref_slice %arg7[%gather3A_720] : memref<8000xf32, #tpu.memory_space<vmem>> -> memref<1000xf32, #tpu.memory_space<vmem>>
          %gather3A_722 = tpu.vector_load_idx %gather3A_721[%get3A_672] : memref<1000xf32, #tpu.memory_space<vmem>>[vector<16xi32>], vector<16xf32>,
          %gather3A_723 = arith.constant 2000 : i32
          %gather3A_724 = tpu.memref_slice %arg7[%gather3A_723] : memref<8000xf32, #tpu.memory_space<vmem>> -> memref<1000xf32, #tpu.memory_space<vmem>>
          %gather3A_725 = tpu.vector_load_idx %gather3A_724[%get3A_672] : memref<1000xf32, #tpu.memory_space<vmem>>[vector<16xi32>], vector<16xf32>,
          %gather3A_726 = arith.constant 3000 : i32
          %gather3A_727 = tpu.memref_slice %arg7[%gather3A_726] : memref<8000xf32, #tpu.memory_space<vmem>> -> memref<1000xf32, #tpu.memory_space<vmem>>
          %gather3A_728 = tpu.vector_load_idx %gather3A_727[%get3A_672] : memref<1000xf32, #tpu.memory_space<vmem>>[vector<16xi32>], vector<16xf32>,
          %gather3A_729 = arith.constant 4000 : i32
          %gather3A_730 = tpu.memref_slice %arg7[%gather3A_729] : memref<8000xf32, #tpu.memory_space<vmem>> -> memref<1000xf32, #tpu.memory_space<vmem>>
          %gather3A_731 = tpu.vector_load_idx %gather3A_730[%get3A_672] : memref<1000xf32, #tpu.memory_space<vmem>>[vector<16xi32>], vector<16xf32>,
          %gather3A_732 = arith.constant 5000 : i32
          %gather3A_733 = tpu.memref_slice %arg7[%gather3A_732] : memref<8000xf32, #tpu.memory_space<vmem>> -> memref<1000xf32, #tpu.memory_space<vmem>>
          %gather3A_734 = tpu.vector_load_idx %gather3A_733[%get3A_672] : memref<1000xf32, #tpu.memory_space<vmem>>[vector<16xi32>], vector<16xf32>,
          %gather3A_735 = arith.constant 6000 : i32
          %gather3A_736 = tpu.memref_slice %arg7[%gather3A_735] : memref<8000xf32, #tpu.memory_space<vmem>> -> memref<1000xf32, #tpu.memory_space<vmem>>
          %gather3A_737 = tpu.vector_load_idx %gather3A_736[%get3A_672] : memref<1000xf32, #tpu.memory_space<vmem>>[vector<16xi32>], vector<16xf32>,
          %gather3A_738 = arith.constant 7000 : i32
          %gather3A_739 = tpu.memref_slice %arg7[%gather3A_738] : memref<8000xf32, #tpu.memory_space<vmem>> -> memref<1000xf32, #tpu.memory_space<vmem>>
          %gather3A_740 = tpu.vector_load_idx %gather3A_739[%get3A_672] : memref<1000xf32, #tpu.memory_space<vmem>>[vector<16xi32>], vector<16xf32>,
          %gather3A_741 = arith.constant 0 : i32
          %gather3A_742 = tpu.memref_slice %arg8[%gather3A_741] : memref<8000xf32, #tpu.memory_space<vmem>> -> memref<1000xf32, #tpu.memory_space<vmem>>
          %gather3A_743 = tpu.vector_load_idx %gather3A_742[%get3A_674] : memref<1000xf32, #tpu.memory_space<vmem>>[vector<16xi32>], vector<16xf32>,
          %gather3A_744 = arith.constant 1000 : i32
          %gather3A_745 = tpu.memref_slice %arg8[%gather3A_744] : memref<8000xf32, #tpu.memory_space<vmem>> -> memref<1000xf32, #tpu.memory_space<vmem>>
          %gather3A_746 = tpu.vector_load_idx %gather3A_745[%get3A_674] : memref<1000xf32, #tpu.memory_space<vmem>>[vector<16xi32>], vector<16xf32>,
          %gather3A_747 = arith.constant 2000 : i32
          %gather3A_748 = tpu.memref_slice %arg8[%gather3A_747] : memref<8000xf32, #tpu.memory_space<vmem>> -> memref<1000xf32, #tpu.memory_space<vmem>>
          %gather3A_749 = tpu.vector_load_idx %gather3A_748[%get3A_674] : memref<1000xf32, #tpu.memory_space<vmem>>[vector<16xi32>], vector<16xf32>,
          %gather3A_750 = arith.constant 3000 : i32
          %gather3A_751 = tpu.memref_slice %arg8[%gather3A_750] : memref<8000xf32, #tpu.memory_space<vmem>> -> memref<1000xf32, #tpu.memory_space<vmem>>
          %gather3A_752 = tpu.vector_load_idx %gather3A_751[%get3A_674] : memref<1000xf32, #tpu.memory_space<vmem>>[vector<16xi32>], vector<16xf32>,
          %gather3A_753 = arith.constant 4000 : i32
          %gather3A_754 = tpu.memref_slice %arg8[%gather3A_753] : memref<8000xf32, #tpu.memory_space<vmem>> -> memref<1000xf32, #tpu.memory_space<vmem>>
          %gather3A_755 = tpu.vector_load_idx %gather3A_754[%get3A_674] : memref<1000xf32, #tpu.memory_space<vmem>>[vector<16xi32>], vector<16xf32>,
          %gather3A_756 = arith.constant 5000 : i32
          %gather3A_757 = tpu.memref_slice %arg8[%gather3A_756] : memref<8000xf32, #tpu.memory_space<vmem>> -> memref<1000xf32, #tpu.memory_space<vmem>>
          %gather3A_758 = tpu.vector_load_idx %gather3A_757[%get3A_674] : memref<1000xf32, #tpu.memory_space<vmem>>[vector<16xi32>], vector<16xf32>,
          %gather3A_759 = arith.constant 6000 : i32
          %gather3A_760 = tpu.memref_slice %arg8[%gather3A_759] : memref<8000xf32, #tpu.memory_space<vmem>> -> memref<1000xf32, #tpu.memory_space<vmem>>
          %gather3A_761 = tpu.vector_load_idx %gather3A_760[%get3A_674] : memref<1000xf32, #tpu.memory_space<vmem>>[vector<16xi32>], vector<16xf32>,
          %gather3A_762 = arith.constant 7000 : i32
          %gather3A_763 = tpu.memref_slice %arg8[%gather3A_762] : memref<8000xf32, #tpu.memory_space<vmem>> -> memref<1000xf32, #tpu.memory_space<vmem>>
          %gather3A_764 = tpu.vector_load_idx %gather3A_763[%get3A_674] : memref<1000xf32, #tpu.memory_space<vmem>>[vector<16xi32>], vector<16xf32>,
          %add3A_765 = arith.addf %gather3A_719, %gather3A_743 : vector<16xf32>
          %add3A_766 = arith.addf %gather3A_722, %gather3A_746 : vector<16xf32>
          %add3A_767 = arith.addf %gather3A_725, %gather3A_749 : vector<16xf32>
          %add3A_768 = arith.addf %gather3A_728, %gather3A_752 : vector<16xf32>
          %add3A_769 = arith.addf %gather3A_731, %gather3A_755 : vector<16xf32>
          %add3A_770 = arith.addf %gather3A_734, %gather3A_758 : vector<16xf32>
          %add3A_771 = arith.addf %gather3A_737, %gather3A_761 : vector<16xf32>
          %add3A_772 = arith.addf %gather3A_740, %gather3A_764 : vector<16xf32>
          %add3A_773 = arith.constant 0 : i32
          %add3A_774 = arith.addi %add3A_773, %mul3A_716 : i32
          %swap3A_775 = arith.index_cast %select_n3A_698 : i32 to index
          %swap3A_776 = arith.index_cast %add3A_774 : i32 to index
          %swap3A_777 = tpu.vector_load %arg13[%swap3A_775, %swap3A_776] {strides = array<i32>} : memref<4x1024xf32, #tpu.memory_space<vmem>>, vector<16xf32>,
          tpu.vector_store %arg13[%swap3A_775, %swap3A_776], %add3A_765 {strides = array<i32>} : memref<4x1024xf32, #tpu.memory_space<vmem>>, vector<16xf32>,
          %add3A_778 = arith.constant 128 : i32
          %add3A_779 = arith.addi %add3A_778, %mul3A_716 : i32
          %swap3A_780 = arith.index_cast %select_n3A_698 : i32 to index
          %swap3A_781 = arith.index_cast %add3A_779 : i32 to index
          %swap3A_782 = tpu.vector_load %arg13[%swap3A_780, %swap3A_781] {strides = array<i32>} : memref<4x1024xf32, #tpu.memory_space<vmem>>, vector<16xf32>,
          tpu.vector_store %arg13[%swap3A_780, %swap3A_781], %add3A_766 {strides = array<i32>} : memref<4x1024xf32, #tpu.memory_space<vmem>>, vector<16xf32>,
          %add3A_783 = arith.constant 256 : i32
          %add3A_784 = arith.addi %add3A_783, %mul3A_716 : i32
          %swap3A_785 = arith.index_cast %select_n3A_698 : i32 to index
          %swap3A_786 = arith.index_cast %add3A_784 : i32 to index
          %swap3A_787 = tpu.vector_load %arg13[%swap3A_785, %swap3A_786] {strides = array<i32>} : memref<4x1024xf32, #tpu.memory_space<vmem>>, vector<16xf32>,
          tpu.vector_store %arg13[%swap3A_785, %swap3A_786], %add3A_767 {strides = array<i32>} : memref<4x1024xf32, #tpu.memory_space<vmem>>, vector<16xf32>,
          %add3A_788 = arith.constant 384 : i32
          %add3A_789 = arith.addi %add3A_788, %mul3A_716 : i32
          %swap3A_790 = arith.index_cast %select_n3A_698 : i32 to index
          %swap3A_791 = arith.index_cast %add3A_789 : i32 to index
          %swap3A_792 = tpu.vector_load %arg13[%swap3A_790, %swap3A_791] {strides = array<i32>} : memref<4x1024xf32, #tpu.memory_space<vmem>>, vector<16xf32>,
          tpu.vector_store %arg13[%swap3A_790, %swap3A_791], %add3A_768 {strides = array<i32>} : memref<4x1024xf32, #tpu.memory_space<vmem>>, vector<16xf32>,
          %add3A_793 = arith.constant 512 : i32
          %add3A_794 = arith.addi %add3A_793, %mul3A_716 : i32
          %swap3A_795 = arith.index_cast %select_n3A_698 : i32 to index
          %swap3A_796 = arith.index_cast %add3A_794 : i32 to index
          %swap3A_797 = tpu.vector_load %arg13[%swap3A_795, %swap3A_796] {strides = array<i32>} : memref<4x1024xf32, #tpu.memory_space<vmem>>, vector<16xf32>,
          tpu.vector_store %arg13[%swap3A_795, %swap3A_796], %add3A_769 {strides = array<i32>} : memref<4x1024xf32, #tpu.memory_space<vmem>>, vector<16xf32>,
          %add3A_798 = arith.constant 640 : i32
          %add3A_799 = arith.addi %add3A_798, %mul3A_716 : i32
          %swap3A_800 = arith.index_cast %select_n3A_698 : i32 to index
          %swap3A_801 = arith.index_cast %add3A_799 : i32 to index
          %swap3A_802 = tpu.vector_load %arg13[%swap3A_800, %swap3A_801] {strides = array<i32>} : memref<4x1024xf32, #tpu.memory_space<vmem>>, vector<16xf32>,
          tpu.vector_store %arg13[%swap3A_800, %swap3A_801], %add3A_770 {strides = array<i32>} : memref<4x1024xf32, #tpu.memory_space<vmem>>, vector<16xf32>,
          %add3A_803 = arith.constant 768 : i32
          %add3A_804 = arith.addi %add3A_803, %mul3A_716 : i32
          %swap3A_805 = arith.index_cast %select_n3A_698 : i32 to index
          %swap3A_806 = arith.index_cast %add3A_804 : i32 to index
          %swap3A_807 = tpu.vector_load %arg13[%swap3A_805, %swap3A_806] {strides = array<i32>} : memref<4x1024xf32, #tpu.memory_space<vmem>>, vector<16xf32>,
          tpu.vector_store %arg13[%swap3A_805, %swap3A_806], %add3A_771 {strides = array<i32>} : memref<4x1024xf32, #tpu.memory_space<vmem>>, vector<16xf32>,
          %add3A_808 = arith.constant 896 : i32
          %add3A_809 = arith.addi %add3A_808, %mul3A_716 : i32
          %swap3A_810 = arith.index_cast %select_n3A_698 : i32 to index
          %swap3A_811 = arith.index_cast %add3A_809 : i32 to index
          %swap3A_812 = tpu.vector_load %arg13[%swap3A_810, %swap3A_811] {strides = array<i32>} : memref<4x1024xf32, #tpu.memory_space<vmem>>, vector<16xf32>,
          tpu.vector_store %arg13[%swap3A_810, %swap3A_811], %add3A_772 {strides = array<i32>} : memref<4x1024xf32, #tpu.memory_space<vmem>>, vector<16xf32>,
        }
        %scan3A_477 = arith.constant 16 : i32
        %mul3A_478 = arith.constant 4 : i32
        %mul3A_479 = arith.muli %mul3A_463, %mul3A_478 : i32
        %add3A_480 = arith.addi %mul3A_333, %mul3A_479 : i32
        %dma_start3A_481 = arith.constant 0 : i32
        %dma_start3A_482 = tpu.memref_slice %arg6[%select_n3A_247, %select_n3A_303, %add3A_480, %dma_start3A_481] : memref<26x8x128x1024xf32, #tpu.memory_space<hbm>> -> memref<1x1x4x1024xf32, #tpu.memory_space<hbm>>
        %dma_start3A_483 = tpu.memref_squeeze %dma_start3A_482 : memref<1x1x4x1024xf32, #tpu.memory_space<hbm>> -> memref<4x1024xf32, #tpu.memory_space<hbm>>
        %dma_start3A_484 = arith.constant 0 : i32
        %dma_start3A_485 = tpu.memref_slice %arg6[%select_n3A_247, %select_n3A_303, %add3A_480, %dma_start3A_484] : memref<26x8x128x1024xf32, #tpu.memory_space<hbm>> -> memref<1x1x4x1024xf32, #tpu.memory_space<hbm>>
        %dma_start3A_486 = tpu.memref_squeeze %dma_start3A_485 : memref<1x1x4x1024xf32, #tpu.memory_space<hbm>> -> memref<4x1024xf32, #tpu.memory_space<hbm>>
        tpu.enqueue_dma source(%arg13 : memref<4x1024xf32, #tpu.memory_space<vmem>>) target(%dma_start3A_486 : memref<4x1024xf32, #tpu.memory_space<hbm>>) target_semaphore(%arg18 : memref<!tpu.dma_semaphore, #tpu.memory_space<semaphore_mem>>)
        %mul3A_487 = arith.constant 2 : i32
        %mul3A_488 = arith.muli %scan3A_461, %mul3A_487 : i32
        %add3A_489 = arith.constant 1 : i32
        %add3A_490 = arith.addi %mul3A_488, %add3A_489 : i32
        %eq3A_491 = arith.constant 0 : i32
        %eq3A_492 = arith.cmpi eq, %mul3A_220, %eq3A_491 : i32
        %eq3A_493 = arith.constant 0 : i32
        %eq3A_494 = arith.cmpi eq, %scan3A_461, %eq3A_493 : i32
        %and3A_495 = arith.andi %eq3A_492, %eq3A_494 : i1
        %not3A_496 = arith.constant true
        %not3A_497 = arith.xori %and3A_495, %not3A_496 : i1
        %convert_element_type3A_498 = arith.extui %not3A_497 : i1 to i32
        %cond3A_499 = arith.constant 0 : i32
        %cond3A_500 = arith.cmpi ne, %convert_element_type3A_498, %cond3A_499 : i32
        scf.if %cond3A_500 {
          %dma_wait3A_515 = arith.constant 0 : i32
          %dma_wait3A_516 = arith.constant 0 : i32
          %dma_wait3A_517 = arith.constant 0 : i32
          %dma_wait3A_518 = arith.constant 0 : i32
          %dma_wait3A_519 = tpu.memref_slice %arg6[%dma_wait3A_515, %dma_wait3A_516, %dma_wait3A_517, %dma_wait3A_518] : memref<26x8x128x1024xf32, #tpu.memory_space<hbm>> -> memref<1x1x4x1024xf32, #tpu.memory_space<hbm>>
          %dma_wait3A_520 = tpu.memref_squeeze %dma_wait3A_519 : memref<1x1x4x1024xf32, #tpu.memory_space<hbm>> -> memref<4x1024xf32, #tpu.memory_space<hbm>>
          %dma_wait3A_521 = arith.constant 0 : i32
          %dma_wait3A_522 = arith.constant 0 : i32
          %dma_wait3A_523 = tpu.memref_slice %arg6[%dma_wait3A_515, %dma_wait3A_516, %dma_wait3A_521, %dma_wait3A_522] : memref<26x8x128x1024xf32, #tpu.memory_space<hbm>> -> memref<1x1x4x1024xf32, #tpu.memory_space<hbm>>
          %dma_wait3A_524 = tpu.memref_squeeze %dma_wait3A_523 : memref<1x1x4x1024xf32, #tpu.memory_space<hbm>> -> memref<4x1024xf32, #tpu.memory_space<hbm>>
          tpu.wait_dma2 semaphore(%arg19 : memref<!tpu.dma_semaphore, #tpu.memory_space<semaphore_mem>>) src(%arg14 : memref<4x1024xf32, #tpu.memory_space<vmem>>) dst(%dma_wait3A_524 : memref<4x1024xf32, #tpu.memory_space<hbm>>)
        } else {
        }
        %scan3A_501 = arith.constant 0 : i32
        %scan3A_502 = arith.constant 16 : i32
        %scan3A_503 = arith.addi %scan3A_501, %scan3A_502 : i32
        %scan3A_504 = arith.constant 1 : i32
        scf.for %scan3A_515 = %scan3A_501 to %scan3A_503 step %scan3A_504  : i32 {
          %mul3A_516 = arith.constant 2 : i32
          %mul3A_517 = arith.muli %scan3A_515, %mul3A_516 : i32
          %mul3A_518 = arith.constant 512 : i32
          %mul3A_519 = arith.muli %add3A_490, %mul3A_518 : i32
          %mul3A_520 = arith.constant 16 : i32
          %mul3A_521 = arith.muli %mul3A_517, %mul3A_520 : i32
          %add3A_522 = arith.addi %mul3A_519, %mul3A_521 : i32
          %get3A = arith.index_cast %add3A_522 : i32 to index
          %get3A_523 = tpu.vector_load %arg11[%get3A] {strides = array<i32>} : memref<8192xi32, #tpu.memory_space<vmem>>, vector<16xi32>,
          %get3A_524 = arith.index_cast %add3A_522 : i32 to index
          %get3A_525 = tpu.vector_load %arg12[%get3A_524] {strides = array<i32>} : memref<8192xi32, #tpu.memory_space<vmem>>, vector<16xi32>,
          %jit3A_526 = arith.constant 8 : i32
          %div3A_527 = arith.divsi %mul3A_517, %jit3A_526 : i32
          %sign3A_528 = arith.constant 0 : i32
          %sign3A_529 = arith.cmpi sgt, %mul3A_517, %sign3A_528 : i32
          %sign3A_530 = arith.extui %sign3A_529 : i1 to i32
          %sign3A_531 = arith.constant 0 : i32
          %sign3A_532 = arith.cmpi slt, %mul3A_517, %sign3A_531 : i32
          %sign3A_533 = arith.extui %sign3A_532 : i1 to i32
          %sign3A_534 = arith.subi %sign3A_530, %sign3A_533 : i32
          %sign3A_535 = arith.constant 0 : i32
          %sign3A_536 = arith.cmpi sgt, %jit3A_526, %sign3A_535 : i32
          %sign3A_537 = arith.extui %sign3A_536 : i1 to i32
          %sign3A_538 = arith.constant 0 : i32
          %sign3A_539 = arith.cmpi slt, %jit3A_526, %sign3A_538 : i32
          %sign3A_540 = arith.extui %sign3A_539 : i1 to i32
          %sign3A_541 = arith.subi %sign3A_537, %sign3A_540 : i32
          %ne3A_542 = arith.cmpi ne, %sign3A_534, %sign3A_541 : i32
          %rem3A_543 = arith.remsi %mul3A_517, %jit3A_526 : i32
          %ne3A_544 = arith.constant 0 : i32
          %ne3A_545 = arith.cmpi ne, %rem3A_543, %ne3A_544 : i32
          %and3A_546 = arith.andi %ne3A_542, %ne3A_545 : i1
          %sub3A_547 = arith.constant 1 : i32
          %sub3A_548 = arith.subi %div3A_527, %sub3A_547 : i32
          %select_n3A_549 = arith.select %and3A_546, %sub3A_548, %div3A_527 : i32
          %jit3A_550 = arith.constant 8 : i32
          %eq3A_551 = arith.constant 0 : i32
          %eq3A_552 = arith.cmpi eq, %jit3A_550, %eq3A_551 : i32
          %jit3A_553 = arith.constant 1 : i32
          %select_n3A_554 = arith.select %eq3A_552, %jit3A_553, %jit3A_550 : i32
          %rem3A_555 = arith.remsi %mul3A_517, %select_n3A_554 : i32
          %ne3A_556 = arith.constant 0 : i32
          %ne3A_557 = arith.cmpi ne, %rem3A_555, %ne3A_556 : i32
          %lt3A_558 = arith.constant 0 : i32
          %lt3A_559 = arith.cmpi slt, %rem3A_555, %lt3A_558 : i32
          %lt3A_560 = arith.constant 0 : i32
          %lt3A_561 = arith.cmpi slt, %select_n3A_554, %lt3A_560 : i32
          %ne3A_562 = arith.xori %lt3A_559, %lt3A_561 : i1
          %and3A_563 = arith.andi %ne3A_562, %ne3A_557 : i1
          %add3A_564 = arith.addi %rem3A_555, %select_n3A_554 : i32
          %select_n3A_565 = arith.select %and3A_563, %add3A_564, %rem3A_555 : i32
          %mul3A_566 = arith.constant 16 : i32
          %mul3A_567 = arith.muli %select_n3A_565, %mul3A_566 : i32
          %gather3A = arith.constant 0 : i32
          %gather3A_568 = tpu.memref_slice %arg7[%gather3A] : memref<8000xf32, #tpu.memory_space<vmem>> -> memref<1000xf32, #tpu.memory_space<vmem>>
          %gather3A_569 = tpu.vector_load_idx %gather3A_568[%get3A_523] : memref<1000xf32, #tpu.memory_space<vmem>>[vector<16xi32>], vector<16xf32>,
          %gather3A_570 = arith.constant 1000 : i32
          %gather3A_571 = tpu.memref_slice %arg7[%gather3A_570] : memref<8000xf32, #tpu.memory_space<vmem>> -> memref<1000xf32, #tpu.memory_space<vmem>>
          %gather3A_572 = tpu.vector_load_idx %gather3A_571[%get3A_523] : memref<1000xf32, #tpu.memory_space<vmem>>[vector<16xi32>], vector<16xf32>,
          %gather3A_573 = arith.constant 2000 : i32
          %gather3A_574 = tpu.memref_slice %arg7[%gather3A_573] : memref<8000xf32, #tpu.memory_space<vmem>> -> memref<1000xf32, #tpu.memory_space<vmem>>
          %gather3A_575 = tpu.vector_load_idx %gather3A_574[%get3A_523] : memref<1000xf32, #tpu.memory_space<vmem>>[vector<16xi32>], vector<16xf32>,
          %gather3A_576 = arith.constant 3000 : i32
          %gather3A_577 = tpu.memref_slice %arg7[%gather3A_576] : memref<8000xf32, #tpu.memory_space<vmem>> -> memref<1000xf32, #tpu.memory_space<vmem>>
          %gather3A_578 = tpu.vector_load_idx %gather3A_577[%get3A_523] : memref<1000xf32, #tpu.memory_space<vmem>>[vector<16xi32>], vector<16xf32>,
          %gather3A_579 = arith.constant 4000 : i32
          %gather3A_580 = tpu.memref_slice %arg7[%gather3A_579] : memref<8000xf32, #tpu.memory_space<vmem>> -> memref<1000xf32, #tpu.memory_space<vmem>>
          %gather3A_581 = tpu.vector_load_idx %gather3A_580[%get3A_523] : memref<1000xf32, #tpu.memory_space<vmem>>[vector<16xi32>], vector<16xf32>,
          %gather3A_582 = arith.constant 5000 : i32
          %gather3A_583 = tpu.memref_slice %arg7[%gather3A_582] : memref<8000xf32, #tpu.memory_space<vmem>> -> memref<1000xf32, #tpu.memory_space<vmem>>
          %gather3A_584 = tpu.vector_load_idx %gather3A_583[%get3A_523] : memref<1000xf32, #tpu.memory_space<vmem>>[vector<16xi32>], vector<16xf32>,
          %gather3A_585 = arith.constant 6000 : i32
          %gather3A_586 = tpu.memref_slice %arg7[%gather3A_585] : memref<8000xf32, #tpu.memory_space<vmem>> -> memref<1000xf32, #tpu.memory_space<vmem>>
          %gather3A_587 = tpu.vector_load_idx %gather3A_586[%get3A_523] : memref<1000xf32, #tpu.memory_space<vmem>>[vector<16xi32>], vector<16xf32>,
          %gather3A_588 = arith.constant 7000 : i32
          %gather3A_589 = tpu.memref_slice %arg7[%gather3A_588] : memref<8000xf32, #tpu.memory_space<vmem>> -> memref<1000xf32, #tpu.memory_space<vmem>>
          %gather3A_590 = tpu.vector_load_idx %gather3A_589[%get3A_523] : memref<1000xf32, #tpu.memory_space<vmem>>[vector<16xi32>], vector<16xf32>,
          %gather3A_591 = arith.constant 0 : i32
          %gather3A_592 = tpu.memref_slice %arg8[%gather3A_591] : memref<8000xf32, #tpu.memory_space<vmem>> -> memref<1000xf32, #tpu.memory_space<vmem>>
          %gather3A_593 = tpu.vector_load_idx %gather3A_592[%get3A_525] : memref<1000xf32, #tpu.memory_space<vmem>>[vector<16xi32>], vector<16xf32>,
          %gather3A_594 = arith.constant 1000 : i32
          %gather3A_595 = tpu.memref_slice %arg8[%gather3A_594] : memref<8000xf32, #tpu.memory_space<vmem>> -> memref<1000xf32, #tpu.memory_space<vmem>>
          %gather3A_596 = tpu.vector_load_idx %gather3A_595[%get3A_525] : memref<1000xf32, #tpu.memory_space<vmem>>[vector<16xi32>], vector<16xf32>,
          %gather3A_597 = arith.constant 2000 : i32
          %gather3A_598 = tpu.memref_slice %arg8[%gather3A_597] : memref<8000xf32, #tpu.memory_space<vmem>> -> memref<1000xf32, #tpu.memory_space<vmem>>
          %gather3A_599 = tpu.vector_load_idx %gather3A_598[%get3A_525] : memref<1000xf32, #tpu.memory_space<vmem>>[vector<16xi32>], vector<16xf32>,
          %gather3A_600 = arith.constant 3000 : i32
          %gather3A_601 = tpu.memref_slice %arg8[%gather3A_600] : memref<8000xf32, #tpu.memory_space<vmem>> -> memref<1000xf32, #tpu.memory_space<vmem>>
          %gather3A_602 = tpu.vector_load_idx %gather3A_601[%get3A_525] : memref<1000xf32, #tpu.memory_space<vmem>>[vector<16xi32>], vector<16xf32>,
          %gather3A_603 = arith.constant 4000 : i32
          %gather3A_604 = tpu.memref_slice %arg8[%gather3A_603] : memref<8000xf32, #tpu.memory_space<vmem>> -> memref<1000xf32, #tpu.memory_space<vmem>>
          %gather3A_605 = tpu.vector_load_idx %gather3A_604[%get3A_525] : memref<1000xf32, #tpu.memory_space<vmem>>[vector<16xi32>], vector<16xf32>,
          %gather3A_606 = arith.constant 5000 : i32
          %gather3A_607 = tpu.memref_slice %arg8[%gather3A_606] : memref<8000xf32, #tpu.memory_space<vmem>> -> memref<1000xf32, #tpu.memory_space<vmem>>
          %gather3A_608 = tpu.vector_load_idx %gather3A_607[%get3A_525] : memref<1000xf32, #tpu.memory_space<vmem>>[vector<16xi32>], vector<16xf32>,
          %gather3A_609 = arith.constant 6000 : i32
          %gather3A_610 = tpu.memref_slice %arg8[%gather3A_609] : memref<8000xf32, #tpu.memory_space<vmem>> -> memref<1000xf32, #tpu.memory_space<vmem>>
          %gather3A_611 = tpu.vector_load_idx %gather3A_610[%get3A_525] : memref<1000xf32, #tpu.memory_space<vmem>>[vector<16xi32>], vector<16xf32>,
          %gather3A_612 = arith.constant 7000 : i32
          %gather3A_613 = tpu.memref_slice %arg8[%gather3A_612] : memref<8000xf32, #tpu.memory_space<vmem>> -> memref<1000xf32, #tpu.memory_space<vmem>>
          %gather3A_614 = tpu.vector_load_idx %gather3A_613[%get3A_525] : memref<1000xf32, #tpu.memory_space<vmem>>[vector<16xi32>], vector<16xf32>,
          %add3A_615 = arith.addf %gather3A_569, %gather3A_593 : vector<16xf32>
          %add3A_616 = arith.addf %gather3A_572, %gather3A_596 : vector<16xf32>
          %add3A_617 = arith.addf %gather3A_575, %gather3A_599 : vector<16xf32>
          %add3A_618 = arith.addf %gather3A_578, %gather3A_602 : vector<16xf32>
          %add3A_619 = arith.addf %gather3A_581, %gather3A_605 : vector<16xf32>
          %add3A_620 = arith.addf %gather3A_584, %gather3A_608 : vector<16xf32>
          %add3A_621 = arith.addf %gather3A_587, %gather3A_611 : vector<16xf32>
          %add3A_622 = arith.addf %gather3A_590, %gather3A_614 : vector<16xf32>
          %add3A_623 = arith.constant 0 : i32
          %add3A_624 = arith.addi %add3A_623, %mul3A_567 : i32
          %swap3A = arith.index_cast %select_n3A_549 : i32 to index
          %swap3A_625 = arith.index_cast %add3A_624 : i32 to index
          %swap3A_626 = tpu.vector_load %arg14[%swap3A, %swap3A_625] {strides = array<i32>} : memref<4x1024xf32, #tpu.memory_space<vmem>>, vector<16xf32>,
          tpu.vector_store %arg14[%swap3A, %swap3A_625], %add3A_615 {strides = array<i32>} : memref<4x1024xf32, #tpu.memory_space<vmem>>, vector<16xf32>,
          %add3A_627 = arith.constant 128 : i32
          %add3A_628 = arith.addi %add3A_627, %mul3A_567 : i32
          %swap3A_629 = arith.index_cast %select_n3A_549 : i32 to index
          %swap3A_630 = arith.index_cast %add3A_628 : i32 to index
          %swap3A_631 = tpu.vector_load %arg14[%swap3A_629, %swap3A_630] {strides = array<i32>} : memref<4x1024xf32, #tpu.memory_space<vmem>>, vector<16xf32>,
          tpu.vector_store %arg14[%swap3A_629, %swap3A_630], %add3A_616 {strides = array<i32>} : memref<4x1024xf32, #tpu.memory_space<vmem>>, vector<16xf32>,
          %add3A_632 = arith.constant 256 : i32
          %add3A_633 = arith.addi %add3A_632, %mul3A_567 : i32
          %swap3A_634 = arith.index_cast %select_n3A_549 : i32 to index
          %swap3A_635 = arith.index_cast %add3A_633 : i32 to index
          %swap3A_636 = tpu.vector_load %arg14[%swap3A_634, %swap3A_635] {strides = array<i32>} : memref<4x1024xf32, #tpu.memory_space<vmem>>, vector<16xf32>,
          tpu.vector_store %arg14[%swap3A_634, %swap3A_635], %add3A_617 {strides = array<i32>} : memref<4x1024xf32, #tpu.memory_space<vmem>>, vector<16xf32>,
          %add3A_637 = arith.constant 384 : i32
          %add3A_638 = arith.addi %add3A_637, %mul3A_567 : i32
          %swap3A_639 = arith.index_cast %select_n3A_549 : i32 to index
          %swap3A_640 = arith.index_cast %add3A_638 : i32 to index
          %swap3A_641 = tpu.vector_load %arg14[%swap3A_639, %swap3A_640] {strides = array<i32>} : memref<4x1024xf32, #tpu.memory_space<vmem>>, vector<16xf32>,
          tpu.vector_store %arg14[%swap3A_639, %swap3A_640], %add3A_618 {strides = array<i32>} : memref<4x1024xf32, #tpu.memory_space<vmem>>, vector<16xf32>,
          %add3A_642 = arith.constant 512 : i32
          %add3A_643 = arith.addi %add3A_642, %mul3A_567 : i32
          %swap3A_644 = arith.index_cast %select_n3A_549 : i32 to index
          %swap3A_645 = arith.index_cast %add3A_643 : i32 to index
          %swap3A_646 = tpu.vector_load %arg14[%swap3A_644, %swap3A_645] {strides = array<i32>} : memref<4x1024xf32, #tpu.memory_space<vmem>>, vector<16xf32>,
          tpu.vector_store %arg14[%swap3A_644, %swap3A_645], %add3A_619 {strides = array<i32>} : memref<4x1024xf32, #tpu.memory_space<vmem>>, vector<16xf32>,
          %add3A_647 = arith.constant 640 : i32
          %add3A_648 = arith.addi %add3A_647, %mul3A_567 : i32
          %swap3A_649 = arith.index_cast %select_n3A_549 : i32 to index
          %swap3A_650 = arith.index_cast %add3A_648 : i32 to index
          %swap3A_651 = tpu.vector_load %arg14[%swap3A_649, %swap3A_650] {strides = array<i32>} : memref<4x1024xf32, #tpu.memory_space<vmem>>, vector<16xf32>,
          tpu.vector_store %arg14[%swap3A_649, %swap3A_650], %add3A_620 {strides = array<i32>} : memref<4x1024xf32, #tpu.memory_space<vmem>>, vector<16xf32>,
          %add3A_652 = arith.constant 768 : i32
          %add3A_653 = arith.addi %add3A_652, %mul3A_567 : i32
          %swap3A_654 = arith.index_cast %select_n3A_549 : i32 to index
          %swap3A_655 = arith.index_cast %add3A_653 : i32 to index
          %swap3A_656 = tpu.vector_load %arg14[%swap3A_654, %swap3A_655] {strides = array<i32>} : memref<4x1024xf32, #tpu.memory_space<vmem>>, vector<16xf32>,
          tpu.vector_store %arg14[%swap3A_654, %swap3A_655], %add3A_621 {strides = array<i32>} : memref<4x1024xf32, #tpu.memory_space<vmem>>, vector<16xf32>,
          %add3A_657 = arith.constant 896 : i32
          %add3A_658 = arith.addi %add3A_657, %mul3A_567 : i32
          %swap3A_659 = arith.index_cast %select_n3A_549 : i32 to index
          %swap3A_660 = arith.index_cast %add3A_658 : i32 to index
          %swap3A_661 = tpu.vector_load %arg14[%swap3A_659, %swap3A_660] {strides = array<i32>} : memref<4x1024xf32, #tpu.memory_space<vmem>>, vector<16xf32>,
          tpu.vector_store %arg14[%swap3A_659, %swap3A_660], %add3A_622 {strides = array<i32>} : memref<4x1024xf32, #tpu.memory_space<vmem>>, vector<16xf32>,
          %mul3A_662 = arith.constant 2 : i32
          %mul3A_663 = arith.muli %scan3A_515, %mul3A_662 : i32
          %add3A_664 = arith.constant 1 : i32
          %add3A_665 = arith.addi %mul3A_663, %add3A_664 : i32
          %mul3A_666 = arith.constant 512 : i32
          %mul3A_667 = arith.muli %add3A_490, %mul3A_666 : i32
          %mul3A_668 = arith.constant 16 : i32
          %mul3A_669 = arith.muli %add3A_665, %mul3A_668 : i32
          %add3A_670 = arith.addi %mul3A_667, %mul3A_669 : i32
          %get3A_671 = arith.index_cast %add3A_670 : i32 to index
          %get3A_672 = tpu.vector_load %arg11[%get3A_671] {strides = array<i32>} : memref<8192xi32, #tpu.memory_space<vmem>>, vector<16xi32>,
          %get3A_673 = arith.index_cast %add3A_670 : i32 to index
          %get3A_674 = tpu.vector_load %arg12[%get3A_673] {strides = array<i32>} : memref<8192xi32, #tpu.memory_space<vmem>>, vector<16xi32>,
          %jit3A_675 = arith.constant 8 : i32
          %div3A_676 = arith.divsi %add3A_665, %jit3A_675 : i32
          %sign3A_677 = arith.constant 0 : i32
          %sign3A_678 = arith.cmpi sgt, %add3A_665, %sign3A_677 : i32
          %sign3A_679 = arith.extui %sign3A_678 : i1 to i32
          %sign3A_680 = arith.constant 0 : i32
          %sign3A_681 = arith.cmpi slt, %add3A_665, %sign3A_680 : i32
          %sign3A_682 = arith.extui %sign3A_681 : i1 to i32
          %sign3A_683 = arith.subi %sign3A_679, %sign3A_682 : i32
          %sign3A_684 = arith.constant 0 : i32
          %sign3A_685 = arith.cmpi sgt, %jit3A_675, %sign3A_684 : i32
          %sign3A_686 = arith.extui %sign3A_685 : i1 to i32
          %sign3A_687 = arith.constant 0 : i32
          %sign3A_688 = arith.cmpi slt, %jit3A_675, %sign3A_687 : i32
          %sign3A_689 = arith.extui %sign3A_688 : i1 to i32
          %sign3A_690 = arith.subi %sign3A_686, %sign3A_689 : i32
          %ne3A_691 = arith.cmpi ne, %sign3A_683, %sign3A_690 : i32
          %rem3A_692 = arith.remsi %add3A_665, %jit3A_675 : i32
          %ne3A_693 = arith.constant 0 : i32
          %ne3A_694 = arith.cmpi ne, %rem3A_692, %ne3A_693 : i32
          %and3A_695 = arith.andi %ne3A_691, %ne3A_694 : i1
          %sub3A_696 = arith.constant 1 : i32
          %sub3A_697 = arith.subi %div3A_676, %sub3A_696 : i32
          %select_n3A_698 = arith.select %and3A_695, %sub3A_697, %div3A_676 : i32
          %jit3A_699 = arith.constant 8 : i32
          %eq3A_700 = arith.constant 0 : i32
          %eq3A_701 = arith.cmpi eq, %jit3A_699, %eq3A_700 : i32
          %jit3A_702 = arith.constant 1 : i32
          %select_n3A_703 = arith.select %eq3A_701, %jit3A_702, %jit3A_699 : i32
          %rem3A_704 = arith.remsi %add3A_665, %select_n3A_703 : i32
          %ne3A_705 = arith.constant 0 : i32
          %ne3A_706 = arith.cmpi ne, %rem3A_704, %ne3A_705 : i32
          %lt3A_707 = arith.constant 0 : i32
          %lt3A_708 = arith.cmpi slt, %rem3A_704, %lt3A_707 : i32
          %lt3A_709 = arith.constant 0 : i32
          %lt3A_710 = arith.cmpi slt, %select_n3A_703, %lt3A_709 : i32
          %ne3A_711 = arith.xori %lt3A_708, %lt3A_710 : i1
          %and3A_712 = arith.andi %ne3A_711, %ne3A_706 : i1
          %add3A_713 = arith.addi %rem3A_704, %select_n3A_703 : i32
          %select_n3A_714 = arith.select %and3A_712, %add3A_713, %rem3A_704 : i32
          %mul3A_715 = arith.constant 16 : i32
          %mul3A_716 = arith.muli %select_n3A_714, %mul3A_715 : i32
          %gather3A_717 = arith.constant 0 : i32
          %gather3A_718 = tpu.memref_slice %arg7[%gather3A_717] : memref<8000xf32, #tpu.memory_space<vmem>> -> memref<1000xf32, #tpu.memory_space<vmem>>
          %gather3A_719 = tpu.vector_load_idx %gather3A_718[%get3A_672] : memref<1000xf32, #tpu.memory_space<vmem>>[vector<16xi32>], vector<16xf32>,
          %gather3A_720 = arith.constant 1000 : i32
          %gather3A_721 = tpu.memref_slice %arg7[%gather3A_720] : memref<8000xf32, #tpu.memory_space<vmem>> -> memref<1000xf32, #tpu.memory_space<vmem>>
          %gather3A_722 = tpu.vector_load_idx %gather3A_721[%get3A_672] : memref<1000xf32, #tpu.memory_space<vmem>>[vector<16xi32>], vector<16xf32>,
          %gather3A_723 = arith.constant 2000 : i32
          %gather3A_724 = tpu.memref_slice %arg7[%gather3A_723] : memref<8000xf32, #tpu.memory_space<vmem>> -> memref<1000xf32, #tpu.memory_space<vmem>>
          %gather3A_725 = tpu.vector_load_idx %gather3A_724[%get3A_672] : memref<1000xf32, #tpu.memory_space<vmem>>[vector<16xi32>], vector<16xf32>,
          %gather3A_726 = arith.constant 3000 : i32
          %gather3A_727 = tpu.memref_slice %arg7[%gather3A_726] : memref<8000xf32, #tpu.memory_space<vmem>> -> memref<1000xf32, #tpu.memory_space<vmem>>
          %gather3A_728 = tpu.vector_load_idx %gather3A_727[%get3A_672] : memref<1000xf32, #tpu.memory_space<vmem>>[vector<16xi32>], vector<16xf32>,
          %gather3A_729 = arith.constant 4000 : i32
          %gather3A_730 = tpu.memref_slice %arg7[%gather3A_729] : memref<8000xf32, #tpu.memory_space<vmem>> -> memref<1000xf32, #tpu.memory_space<vmem>>
          %gather3A_731 = tpu.vector_load_idx %gather3A_730[%get3A_672] : memref<1000xf32, #tpu.memory_space<vmem>>[vector<16xi32>], vector<16xf32>,
          %gather3A_732 = arith.constant 5000 : i32
          %gather3A_733 = tpu.memref_slice %arg7[%gather3A_732] : memref<8000xf32, #tpu.memory_space<vmem>> -> memref<1000xf32, #tpu.memory_space<vmem>>
          %gather3A_734 = tpu.vector_load_idx %gather3A_733[%get3A_672] : memref<1000xf32, #tpu.memory_space<vmem>>[vector<16xi32>], vector<16xf32>,
          %gather3A_735 = arith.constant 6000 : i32
          %gather3A_736 = tpu.memref_slice %arg7[%gather3A_735] : memref<8000xf32, #tpu.memory_space<vmem>> -> memref<1000xf32, #tpu.memory_space<vmem>>
          %gather3A_737 = tpu.vector_load_idx %gather3A_736[%get3A_672] : memref<1000xf32, #tpu.memory_space<vmem>>[vector<16xi32>], vector<16xf32>,
          %gather3A_738 = arith.constant 7000 : i32
          %gather3A_739 = tpu.memref_slice %arg7[%gather3A_738] : memref<8000xf32, #tpu.memory_space<vmem>> -> memref<1000xf32, #tpu.memory_space<vmem>>
          %gather3A_740 = tpu.vector_load_idx %gather3A_739[%get3A_672] : memref<1000xf32, #tpu.memory_space<vmem>>[vector<16xi32>], vector<16xf32>,
          %gather3A_741 = arith.constant 0 : i32
          %gather3A_742 = tpu.memref_slice %arg8[%gather3A_741] : memref<8000xf32, #tpu.memory_space<vmem>> -> memref<1000xf32, #tpu.memory_space<vmem>>
          %gather3A_743 = tpu.vector_load_idx %gather3A_742[%get3A_674] : memref<1000xf32, #tpu.memory_space<vmem>>[vector<16xi32>], vector<16xf32>,
          %gather3A_744 = arith.constant 1000 : i32
          %gather3A_745 = tpu.memref_slice %arg8[%gather3A_744] : memref<8000xf32, #tpu.memory_space<vmem>> -> memref<1000xf32, #tpu.memory_space<vmem>>
          %gather3A_746 = tpu.vector_load_idx %gather3A_745[%get3A_674] : memref<1000xf32, #tpu.memory_space<vmem>>[vector<16xi32>], vector<16xf32>,
          %gather3A_747 = arith.constant 2000 : i32
          %gather3A_748 = tpu.memref_slice %arg8[%gather3A_747] : memref<8000xf32, #tpu.memory_space<vmem>> -> memref<1000xf32, #tpu.memory_space<vmem>>
          %gather3A_749 = tpu.vector_load_idx %gather3A_748[%get3A_674] : memref<1000xf32, #tpu.memory_space<vmem>>[vector<16xi32>], vector<16xf32>,
          %gather3A_750 = arith.constant 3000 : i32
          %gather3A_751 = tpu.memref_slice %arg8[%gather3A_750] : memref<8000xf32, #tpu.memory_space<vmem>> -> memref<1000xf32, #tpu.memory_space<vmem>>
          %gather3A_752 = tpu.vector_load_idx %gather3A_751[%get3A_674] : memref<1000xf32, #tpu.memory_space<vmem>>[vector<16xi32>], vector<16xf32>,
          %gather3A_753 = arith.constant 4000 : i32
          %gather3A_754 = tpu.memref_slice %arg8[%gather3A_753] : memref<8000xf32, #tpu.memory_space<vmem>> -> memref<1000xf32, #tpu.memory_space<vmem>>
          %gather3A_755 = tpu.vector_load_idx %gather3A_754[%get3A_674] : memref<1000xf32, #tpu.memory_space<vmem>>[vector<16xi32>], vector<16xf32>,
          %gather3A_756 = arith.constant 5000 : i32
          %gather3A_757 = tpu.memref_slice %arg8[%gather3A_756] : memref<8000xf32, #tpu.memory_space<vmem>> -> memref<1000xf32, #tpu.memory_space<vmem>>
          %gather3A_758 = tpu.vector_load_idx %gather3A_757[%get3A_674] : memref<1000xf32, #tpu.memory_space<vmem>>[vector<16xi32>], vector<16xf32>,
          %gather3A_759 = arith.constant 6000 : i32
          %gather3A_760 = tpu.memref_slice %arg8[%gather3A_759] : memref<8000xf32, #tpu.memory_space<vmem>> -> memref<1000xf32, #tpu.memory_space<vmem>>
          %gather3A_761 = tpu.vector_load_idx %gather3A_760[%get3A_674] : memref<1000xf32, #tpu.memory_space<vmem>>[vector<16xi32>], vector<16xf32>,
          %gather3A_762 = arith.constant 7000 : i32
          %gather3A_763 = tpu.memref_slice %arg8[%gather3A_762] : memref<8000xf32, #tpu.memory_space<vmem>> -> memref<1000xf32, #tpu.memory_space<vmem>>
          %gather3A_764 = tpu.vector_load_idx %gather3A_763[%get3A_674] : memref<1000xf32, #tpu.memory_space<vmem>>[vector<16xi32>], vector<16xf32>,
          %add3A_765 = arith.addf %gather3A_719, %gather3A_743 : vector<16xf32>
          %add3A_766 = arith.addf %gather3A_722, %gather3A_746 : vector<16xf32>
          %add3A_767 = arith.addf %gather3A_725, %gather3A_749 : vector<16xf32>
          %add3A_768 = arith.addf %gather3A_728, %gather3A_752 : vector<16xf32>
          %add3A_769 = arith.addf %gather3A_731, %gather3A_755 : vector<16xf32>
          %add3A_770 = arith.addf %gather3A_734, %gather3A_758 : vector<16xf32>
          %add3A_771 = arith.addf %gather3A_737, %gather3A_761 : vector<16xf32>
          %add3A_772 = arith.addf %gather3A_740, %gather3A_764 : vector<16xf32>
          %add3A_773 = arith.constant 0 : i32
          %add3A_774 = arith.addi %add3A_773, %mul3A_716 : i32
          %swap3A_775 = arith.index_cast %select_n3A_698 : i32 to index
          %swap3A_776 = arith.index_cast %add3A_774 : i32 to index
          %swap3A_777 = tpu.vector_load %arg14[%swap3A_775, %swap3A_776] {strides = array<i32>} : memref<4x1024xf32, #tpu.memory_space<vmem>>, vector<16xf32>,
          tpu.vector_store %arg14[%swap3A_775, %swap3A_776], %add3A_765 {strides = array<i32>} : memref<4x1024xf32, #tpu.memory_space<vmem>>, vector<16xf32>,
          %add3A_778 = arith.constant 128 : i32
          %add3A_779 = arith.addi %add3A_778, %mul3A_716 : i32
          %swap3A_780 = arith.index_cast %select_n3A_698 : i32 to index
          %swap3A_781 = arith.index_cast %add3A_779 : i32 to index
          %swap3A_782 = tpu.vector_load %arg14[%swap3A_780, %swap3A_781] {strides = array<i32>} : memref<4x1024xf32, #tpu.memory_space<vmem>>, vector<16xf32>,
          tpu.vector_store %arg14[%swap3A_780, %swap3A_781], %add3A_766 {strides = array<i32>} : memref<4x1024xf32, #tpu.memory_space<vmem>>, vector<16xf32>,
          %add3A_783 = arith.constant 256 : i32
          %add3A_784 = arith.addi %add3A_783, %mul3A_716 : i32
          %swap3A_785 = arith.index_cast %select_n3A_698 : i32 to index
          %swap3A_786 = arith.index_cast %add3A_784 : i32 to index
          %swap3A_787 = tpu.vector_load %arg14[%swap3A_785, %swap3A_786] {strides = array<i32>} : memref<4x1024xf32, #tpu.memory_space<vmem>>, vector<16xf32>,
          tpu.vector_store %arg14[%swap3A_785, %swap3A_786], %add3A_767 {strides = array<i32>} : memref<4x1024xf32, #tpu.memory_space<vmem>>, vector<16xf32>,
          %add3A_788 = arith.constant 384 : i32
          %add3A_789 = arith.addi %add3A_788, %mul3A_716 : i32
          %swap3A_790 = arith.index_cast %select_n3A_698 : i32 to index
          %swap3A_791 = arith.index_cast %add3A_789 : i32 to index
          %swap3A_792 = tpu.vector_load %arg14[%swap3A_790, %swap3A_791] {strides = array<i32>} : memref<4x1024xf32, #tpu.memory_space<vmem>>, vector<16xf32>,
          tpu.vector_store %arg14[%swap3A_790, %swap3A_791], %add3A_768 {strides = array<i32>} : memref<4x1024xf32, #tpu.memory_space<vmem>>, vector<16xf32>,
          %add3A_793 = arith.constant 512 : i32
          %add3A_794 = arith.addi %add3A_793, %mul3A_716 : i32
          %swap3A_795 = arith.index_cast %select_n3A_698 : i32 to index
          %swap3A_796 = arith.index_cast %add3A_794 : i32 to index
          %swap3A_797 = tpu.vector_load %arg14[%swap3A_795, %swap3A_796] {strides = array<i32>} : memref<4x1024xf32, #tpu.memory_space<vmem>>, vector<16xf32>,
          tpu.vector_store %arg14[%swap3A_795, %swap3A_796], %add3A_769 {strides = array<i32>} : memref<4x1024xf32, #tpu.memory_space<vmem>>, vector<16xf32>,
          %add3A_798 = arith.constant 640 : i32
          %add3A_799 = arith.addi %add3A_798, %mul3A_716 : i32
          %swap3A_800 = arith.index_cast %select_n3A_698 : i32 to index
          %swap3A_801 = arith.index_cast %add3A_799 : i32 to index
          %swap3A_802 = tpu.vector_load %arg14[%swap3A_800, %swap3A_801] {strides = array<i32>} : memref<4x1024xf32, #tpu.memory_space<vmem>>, vector<16xf32>,
          tpu.vector_store %arg14[%swap3A_800, %swap3A_801], %add3A_770 {strides = array<i32>} : memref<4x1024xf32, #tpu.memory_space<vmem>>, vector<16xf32>,
          %add3A_803 = arith.constant 768 : i32
          %add3A_804 = arith.addi %add3A_803, %mul3A_716 : i32
          %swap3A_805 = arith.index_cast %select_n3A_698 : i32 to index
          %swap3A_806 = arith.index_cast %add3A_804 : i32 to index
          %swap3A_807 = tpu.vector_load %arg14[%swap3A_805, %swap3A_806] {strides = array<i32>} : memref<4x1024xf32, #tpu.memory_space<vmem>>, vector<16xf32>,
          tpu.vector_store %arg14[%swap3A_805, %swap3A_806], %add3A_771 {strides = array<i32>} : memref<4x1024xf32, #tpu.memory_space<vmem>>, vector<16xf32>,
          %add3A_808 = arith.constant 896 : i32
          %add3A_809 = arith.addi %add3A_808, %mul3A_716 : i32
          %swap3A_810 = arith.index_cast %select_n3A_698 : i32 to index
          %swap3A_811 = arith.index_cast %add3A_809 : i32 to index
          %swap3A_812 = tpu.vector_load %arg14[%swap3A_810, %swap3A_811] {strides = array<i32>} : memref<4x1024xf32, #tpu.memory_space<vmem>>, vector<16xf32>,
          tpu.vector_store %arg14[%swap3A_810, %swap3A_811], %add3A_772 {strides = array<i32>} : memref<4x1024xf32, #tpu.memory_space<vmem>>, vector<16xf32>,
        }
        %scan3A_505 = arith.constant 16 : i32
        %mul3A_506 = arith.constant 4 : i32
        %mul3A_507 = arith.muli %add3A_490, %mul3A_506 : i32
        %add3A_508 = arith.addi %mul3A_333, %mul3A_507 : i32
        %dma_start3A_509 = arith.constant 0 : i32
        %dma_start3A_510 = tpu.memref_slice %arg6[%select_n3A_247, %select_n3A_303, %add3A_508, %dma_start3A_509] : memref<26x8x128x1024xf32, #tpu.memory_space<hbm>> -> memref<1x1x4x1024xf32, #tpu.memory_space<hbm>>
        %dma_start3A_511 = tpu.memref_squeeze %dma_start3A_510 : memref<1x1x4x1024xf32, #tpu.memory_space<hbm>> -> memref<4x1024xf32, #tpu.memory_space<hbm>>
        %dma_start3A_512 = arith.constant 0 : i32
        %dma_start3A_513 = tpu.memref_slice %arg6[%select_n3A_247, %select_n3A_303, %add3A_508, %dma_start3A_512] : memref<26x8x128x1024xf32, #tpu.memory_space<hbm>> -> memref<1x1x4x1024xf32, #tpu.memory_space<hbm>>
        %dma_start3A_514 = tpu.memref_squeeze %dma_start3A_513 : memref<1x1x4x1024xf32, #tpu.memory_space<hbm>> -> memref<4x1024xf32, #tpu.memory_space<hbm>>
        tpu.enqueue_dma source(%arg14 : memref<4x1024xf32, #tpu.memory_space<vmem>>) target(%dma_start3A_514 : memref<4x1024xf32, #tpu.memory_space<hbm>>) target_semaphore(%arg19 : memref<!tpu.dma_semaphore, #tpu.memory_space<semaphore_mem>>)
      }
      %scan3A_338 = arith.constant 8 : i32
      %mul3A_339 = arith.constant 2 : i32
      %mul3A_340 = arith.muli %scan3A_218, %mul3A_339 : i32
      %add3A_341 = arith.constant 1 : i32
      %add3A_342 = arith.addi %mul3A_340, %add3A_341 : i32
      %mul3A_343 = arith.constant 13 : i32
      %mul3A_344 = arith.muli %add3A, %mul3A_343 : i32
      %add3A_345 = arith.addi %mul3A_344, %add3A_342 : i32
      %jit3A_346 = arith.constant 16 : i32
      %div3A_347 = arith.divsi %add3A_345, %jit3A_346 : i32
      %sign3A_348 = arith.constant 0 : i32
      %sign3A_349 = arith.cmpi sgt, %add3A_345, %sign3A_348 : i32
      %sign3A_350 = arith.extui %sign3A_349 : i1 to i32
      %sign3A_351 = arith.constant 0 : i32
      %sign3A_352 = arith.cmpi slt, %add3A_345, %sign3A_351 : i32
      %sign3A_353 = arith.extui %sign3A_352 : i1 to i32
      %sign3A_354 = arith.subi %sign3A_350, %sign3A_353 : i32
      %sign3A_355 = arith.constant 0 : i32
      %sign3A_356 = arith.cmpi sgt, %jit3A_346, %sign3A_355 : i32
      %sign3A_357 = arith.extui %sign3A_356 : i1 to i32
      %sign3A_358 = arith.constant 0 : i32
      %sign3A_359 = arith.cmpi slt, %jit3A_346, %sign3A_358 : i32
      %sign3A_360 = arith.extui %sign3A_359 : i1 to i32
      %sign3A_361 = arith.subi %sign3A_357, %sign3A_360 : i32
      %ne3A_362 = arith.cmpi ne, %sign3A_354, %sign3A_361 : i32
      %rem3A_363 = arith.remsi %add3A_345, %jit3A_346 : i32
      %ne3A_364 = arith.constant 0 : i32
      %ne3A_365 = arith.cmpi ne, %rem3A_363, %ne3A_364 : i32
      %and3A_366 = arith.andi %ne3A_362, %ne3A_365 : i1
      %sub3A_367 = arith.constant 1 : i32
      %sub3A_368 = arith.subi %div3A_347, %sub3A_367 : i32
      %select_n3A_369 = arith.select %and3A_366, %sub3A_368, %div3A_347 : i32
      %jit3A_370 = arith.constant 16 : i32
      %eq3A_371 = arith.constant 0 : i32
      %eq3A_372 = arith.cmpi eq, %jit3A_370, %eq3A_371 : i32
      %jit3A_373 = arith.constant 1 : i32
      %select_n3A_374 = arith.select %eq3A_372, %jit3A_373, %jit3A_370 : i32
      %rem3A_375 = arith.remsi %add3A_345, %select_n3A_374 : i32
      %ne3A_376 = arith.constant 0 : i32
      %ne3A_377 = arith.cmpi ne, %rem3A_375, %ne3A_376 : i32
      %lt3A_378 = arith.constant 0 : i32
      %lt3A_379 = arith.cmpi slt, %rem3A_375, %lt3A_378 : i32
      %lt3A_380 = arith.constant 0 : i32
      %lt3A_381 = arith.cmpi slt, %select_n3A_374, %lt3A_380 : i32
      %ne3A_382 = arith.xori %lt3A_379, %lt3A_381 : i1
      %and3A_383 = arith.andi %ne3A_382, %ne3A_377 : i1
      %add3A_384 = arith.addi %rem3A_375, %select_n3A_374 : i32
      %select_n3A_385 = arith.select %and3A_383, %add3A_384, %rem3A_375 : i32
      %jit3A_386 = arith.constant 8 : i32
      %div3A_387 = arith.divsi %select_n3A_385, %jit3A_386 : i32
      %sign3A_388 = arith.constant 0 : i32
      %sign3A_389 = arith.cmpi sgt, %select_n3A_385, %sign3A_388 : i32
      %sign3A_390 = arith.extui %sign3A_389 : i1 to i32
      %sign3A_391 = arith.constant 0 : i32
      %sign3A_392 = arith.cmpi slt, %select_n3A_385, %sign3A_391 : i32
      %sign3A_393 = arith.extui %sign3A_392 : i1 to i32
      %sign3A_394 = arith.subi %sign3A_390, %sign3A_393 : i32
      %sign3A_395 = arith.constant 0 : i32
      %sign3A_396 = arith.cmpi sgt, %jit3A_386, %sign3A_395 : i32
      %sign3A_397 = arith.extui %sign3A_396 : i1 to i32
      %sign3A_398 = arith.constant 0 : i32
      %sign3A_399 = arith.cmpi slt, %jit3A_386, %sign3A_398 : i32
      %sign3A_400 = arith.extui %sign3A_399 : i1 to i32
      %sign3A_401 = arith.subi %sign3A_397, %sign3A_400 : i32
      %ne3A_402 = arith.cmpi ne, %sign3A_394, %sign3A_401 : i32
      %rem3A_403 = arith.remsi %select_n3A_385, %jit3A_386 : i32
      %ne3A_404 = arith.constant 0 : i32
      %ne3A_405 = arith.cmpi ne, %rem3A_403, %ne3A_404 : i32
      %and3A_406 = arith.andi %ne3A_402, %ne3A_405 : i1
      %sub3A_407 = arith.constant 1 : i32
      %sub3A_408 = arith.subi %div3A_387, %sub3A_407 : i32
      %select_n3A_409 = arith.select %and3A_406, %sub3A_408, %div3A_387 : i32
      %jit3A_410 = arith.constant 8 : i32
      %eq3A_411 = arith.constant 0 : i32
      %eq3A_412 = arith.cmpi eq, %jit3A_410, %eq3A_411 : i32
      %jit3A_413 = arith.constant 1 : i32
      %select_n3A_414 = arith.select %eq3A_412, %jit3A_413, %jit3A_410 : i32
      %rem3A_415 = arith.remsi %select_n3A_385, %select_n3A_414 : i32
      %ne3A_416 = arith.constant 0 : i32
      %ne3A_417 = arith.cmpi ne, %rem3A_415, %ne3A_416 : i32
      %lt3A_418 = arith.constant 0 : i32
      %lt3A_419 = arith.cmpi slt, %rem3A_415, %lt3A_418 : i32
      %lt3A_420 = arith.constant 0 : i32
      %lt3A_421 = arith.cmpi slt, %select_n3A_414, %lt3A_420 : i32
      %ne3A_422 = arith.xori %lt3A_419, %lt3A_421 : i1
      %and3A_423 = arith.andi %ne3A_422, %ne3A_417 : i1
      %add3A_424 = arith.addi %rem3A_415, %select_n3A_414 : i32
      %select_n3A_425 = arith.select %and3A_423, %add3A_424, %rem3A_415 : i32
      %mul3A_426 = arith.constant 16384 : i32
      %mul3A_427 = arith.muli %select_n3A_369, %mul3A_426 : i32
      %mul3A_428 = arith.constant 8192 : i32
      %mul3A_429 = arith.muli %select_n3A_409, %mul3A_428 : i32
      %add3A_430 = arith.addi %mul3A_427, %mul3A_429 : i32
      %eq3A_431 = arith.constant 0 : i32
      %eq3A_432 = arith.cmpi eq, %add3A_342, %eq3A_431 : i32
      %eq3A_433 = arith.constant 0 : i32
      %eq3A_434 = arith.cmpi eq, %select_n3A_425, %eq3A_433 : i32
      %or3A_435 = arith.ori %eq3A_432, %eq3A_434 : i1
      %convert_element_type3A_436 = arith.extui %or3A_435 : i1 to i32
      %cond3A_437 = arith.constant 0 : i32
      %cond3A_438 = arith.cmpi ne, %convert_element_type3A_436, %cond3A_437 : i32
      scf.if %cond3A_438 {
        %dma_start3A_461 = tpu.memref_slice %arg2[%add3A_430] : memref<425984xi32, #tpu.memory_space<hbm>> -> memref<8192xi32, #tpu.memory_space<hbm>>
        %dma_start3A_462 = tpu.memref_slice %arg2[%add3A_430] : memref<425984xi32, #tpu.memory_space<hbm>> -> memref<8192xi32, #tpu.memory_space<hbm>>
        tpu.enqueue_dma source(%dma_start3A_462 : memref<8192xi32, #tpu.memory_space<hbm>>) target(%arg11 : memref<8192xi32, #tpu.memory_space<vmem>>) target_semaphore(%arg15 : memref<!tpu.dma_semaphore, #tpu.memory_space<semaphore_mem>>)
        %dma_start3A_463 = tpu.memref_slice %arg3[%add3A_430] : memref<425984xi32, #tpu.memory_space<hbm>> -> memref<8192xi32, #tpu.memory_space<hbm>>
        %dma_start3A_464 = tpu.memref_slice %arg3[%add3A_430] : memref<425984xi32, #tpu.memory_space<hbm>> -> memref<8192xi32, #tpu.memory_space<hbm>>
        tpu.enqueue_dma source(%dma_start3A_464 : memref<8192xi32, #tpu.memory_space<hbm>>) target(%arg12 : memref<8192xi32, #tpu.memory_space<vmem>>) target_semaphore(%arg15 : memref<!tpu.dma_semaphore, #tpu.memory_space<semaphore_mem>>)
        %dma_wait3A_465 = tpu.memref_slice %arg2[%add3A_430] : memref<425984xi32, #tpu.memory_space<hbm>> -> memref<8192xi32, #tpu.memory_space<hbm>>
        %dma_wait3A_466 = tpu.memref_slice %arg2[%add3A_430] : memref<425984xi32, #tpu.memory_space<hbm>> -> memref<8192xi32, #tpu.memory_space<hbm>>
        tpu.wait_dma2 semaphore(%arg15 : memref<!tpu.dma_semaphore, #tpu.memory_space<semaphore_mem>>) src(%dma_wait3A_466 : memref<8192xi32, #tpu.memory_space<hbm>>) dst(%arg11 : memref<8192xi32, #tpu.memory_space<vmem>>)
        %dma_wait3A_467 = tpu.memref_slice %arg3[%add3A_430] : memref<425984xi32, #tpu.memory_space<hbm>> -> memref<8192xi32, #tpu.memory_space<hbm>>
        %dma_wait3A_468 = tpu.memref_slice %arg3[%add3A_430] : memref<425984xi32, #tpu.memory_space<hbm>> -> memref<8192xi32, #tpu.memory_space<hbm>>
        tpu.wait_dma2 semaphore(%arg15 : memref<!tpu.dma_semaphore, #tpu.memory_space<semaphore_mem>>) src(%dma_wait3A_468 : memref<8192xi32, #tpu.memory_space<hbm>>) dst(%arg12 : memref<8192xi32, #tpu.memory_space<vmem>>)
      } else {
      }
      %dma_wait3A_439 = arith.constant 0 : i32
      %dma_wait3A_440 = tpu.memref_slice %arg4[%dma_wait3A_439] : memref<1664000xf32, #tpu.memory_space<hbm>> -> memref<8000xf32, #tpu.memory_space<hbm>>
      %dma_wait3A_441 = arith.constant 0 : i32
      %dma_wait3A_442 = tpu.memref_slice %arg4[%dma_wait3A_441] : memref<1664000xf32, #tpu.memory_space<hbm>> -> memref<8000xf32, #tpu.memory_space<hbm>>
      tpu.wait_dma2 semaphore(%arg17 : memref<!tpu.dma_semaphore, #tpu.memory_space<semaphore_mem>>) src(%dma_wait3A_442 : memref<8000xf32, #tpu.memory_space<hbm>>) dst(%arg9 : memref<8000xf32, #tpu.memory_space<vmem>>)
      %dma_wait3A_443 = arith.constant 0 : i32
      %dma_wait3A_444 = tpu.memref_slice %arg5[%dma_wait3A_443] : memref<1664000xf32, #tpu.memory_space<hbm>> -> memref<8000xf32, #tpu.memory_space<hbm>>
      %dma_wait3A_445 = arith.constant 0 : i32
      %dma_wait3A_446 = tpu.memref_slice %arg5[%dma_wait3A_445] : memref<1664000xf32, #tpu.memory_space<hbm>> -> memref<8000xf32, #tpu.memory_space<hbm>>
      tpu.wait_dma2 semaphore(%arg17 : memref<!tpu.dma_semaphore, #tpu.memory_space<semaphore_mem>>) src(%dma_wait3A_446 : memref<8000xf32, #tpu.memory_space<hbm>>) dst(%arg10 : memref<8000xf32, #tpu.memory_space<vmem>>)
      %add3A_447 = arith.constant 1 : i32
      %add3A_448 = arith.addi %add3A_342, %add3A_447 : i32
      %lt3A_449 = arith.constant 13 : i32
      %lt3A_450 = arith.cmpi slt, %add3A_448, %lt3A_449 : i32
      %convert_element_type3A_451 = arith.extui %lt3A_450 : i1 to i32
      %cond3A_452 = arith.constant 0 : i32
      %cond3A_453 = arith.cmpi ne, %convert_element_type3A_451, %cond3A_452 : i32
      scf.if %cond3A_453 {
        %add3A_461 = arith.constant 1 : i32
        %add3A_462 = arith.addi %add3A_342, %add3A_461 : i32
        %mul3A_463 = arith.constant 13 : i32
        %mul3A_464 = arith.muli %add3A, %mul3A_463 : i32
        %add3A_465 = arith.addi %mul3A_464, %add3A_462 : i32
        %jit3A_466 = arith.constant 16 : i32
        %div3A_467 = arith.divsi %add3A_465, %jit3A_466 : i32
        %sign3A_468 = arith.constant 0 : i32
        %sign3A_469 = arith.cmpi sgt, %add3A_465, %sign3A_468 : i32
        %sign3A_470 = arith.extui %sign3A_469 : i1 to i32
        %sign3A_471 = arith.constant 0 : i32
        %sign3A_472 = arith.cmpi slt, %add3A_465, %sign3A_471 : i32
        %sign3A_473 = arith.extui %sign3A_472 : i1 to i32
        %sign3A_474 = arith.subi %sign3A_470, %sign3A_473 : i32
        %sign3A_475 = arith.constant 0 : i32
        %sign3A_476 = arith.cmpi sgt, %jit3A_466, %sign3A_475 : i32
        %sign3A_477 = arith.extui %sign3A_476 : i1 to i32
        %sign3A_478 = arith.constant 0 : i32
        %sign3A_479 = arith.cmpi slt, %jit3A_466, %sign3A_478 : i32
        %sign3A_480 = arith.extui %sign3A_479 : i1 to i32
        %sign3A_481 = arith.subi %sign3A_477, %sign3A_480 : i32
        %ne3A_482 = arith.cmpi ne, %sign3A_474, %sign3A_481 : i32
        %rem3A_483 = arith.remsi %add3A_465, %jit3A_466 : i32
        %ne3A_484 = arith.constant 0 : i32
        %ne3A_485 = arith.cmpi ne, %rem3A_483, %ne3A_484 : i32
        %and3A_486 = arith.andi %ne3A_482, %ne3A_485 : i1
        %sub3A_487 = arith.constant 1 : i32
        %sub3A_488 = arith.subi %div3A_467, %sub3A_487 : i32
        %select_n3A_489 = arith.select %and3A_486, %sub3A_488, %div3A_467 : i32
        %jit3A_490 = arith.constant 16 : i32
        %eq3A_491 = arith.constant 0 : i32
        %eq3A_492 = arith.cmpi eq, %jit3A_490, %eq3A_491 : i32
        %jit3A_493 = arith.constant 1 : i32
        %select_n3A_494 = arith.select %eq3A_492, %jit3A_493, %jit3A_490 : i32
        %rem3A_495 = arith.remsi %add3A_465, %select_n3A_494 : i32
        %ne3A_496 = arith.constant 0 : i32
        %ne3A_497 = arith.cmpi ne, %rem3A_495, %ne3A_496 : i32
        %lt3A_498 = arith.constant 0 : i32
        %lt3A_499 = arith.cmpi slt, %rem3A_495, %lt3A_498 : i32
        %lt3A_500 = arith.constant 0 : i32
        %lt3A_501 = arith.cmpi slt, %select_n3A_494, %lt3A_500 : i32
        %ne3A_502 = arith.xori %lt3A_499, %lt3A_501 : i1
        %and3A_503 = arith.andi %ne3A_502, %ne3A_497 : i1
        %add3A_504 = arith.addi %rem3A_495, %select_n3A_494 : i32
        %select_n3A_505 = arith.select %and3A_503, %add3A_504, %rem3A_495 : i32
        %jit3A_506 = arith.constant 8 : i32
        %div3A_507 = arith.divsi %select_n3A_505, %jit3A_506 : i32
        %sign3A_508 = arith.constant 0 : i32
        %sign3A_509 = arith.cmpi sgt, %select_n3A_505, %sign3A_508 : i32
        %sign3A_510 = arith.extui %sign3A_509 : i1 to i32
        %sign3A_511 = arith.constant 0 : i32
        %sign3A_512 = arith.cmpi slt, %select_n3A_505, %sign3A_511 : i32
        %sign3A_513 = arith.extui %sign3A_512 : i1 to i32
        %sign3A_514 = arith.subi %sign3A_510, %sign3A_513 : i32
        %sign3A_515 = arith.constant 0 : i32
        %sign3A_516 = arith.cmpi sgt, %jit3A_506, %sign3A_515 : i32
        %sign3A_517 = arith.extui %sign3A_516 : i1 to i32
        %sign3A_518 = arith.constant 0 : i32
        %sign3A_519 = arith.cmpi slt, %jit3A_506, %sign3A_518 : i32
        %sign3A_520 = arith.extui %sign3A_519 : i1 to i32
        %sign3A_521 = arith.subi %sign3A_517, %sign3A_520 : i32
        %ne3A_522 = arith.cmpi ne, %sign3A_514, %sign3A_521 : i32
        %rem3A_523 = arith.remsi %select_n3A_505, %jit3A_506 : i32
        %ne3A_524 = arith.constant 0 : i32
        %ne3A_525 = arith.cmpi ne, %rem3A_523, %ne3A_524 : i32
        %and3A_526 = arith.andi %ne3A_522, %ne3A_525 : i1
        %sub3A_527 = arith.constant 1 : i32
        %sub3A_528 = arith.subi %div3A_507, %sub3A_527 : i32
        %select_n3A_529 = arith.select %and3A_526, %sub3A_528, %div3A_507 : i32
        %jit3A_530 = arith.constant 8 : i32
        %eq3A_531 = arith.constant 0 : i32
        %eq3A_532 = arith.cmpi eq, %jit3A_530, %eq3A_531 : i32
        %jit3A_533 = arith.constant 1 : i32
        %select_n3A_534 = arith.select %eq3A_532, %jit3A_533, %jit3A_530 : i32
        %rem3A_535 = arith.remsi %select_n3A_505, %select_n3A_534 : i32
        %ne3A_536 = arith.constant 0 : i32
        %ne3A_537 = arith.cmpi ne, %rem3A_535, %ne3A_536 : i32
        %lt3A_538 = arith.constant 0 : i32
        %lt3A_539 = arith.cmpi slt, %rem3A_535, %lt3A_538 : i32
        %lt3A_540 = arith.constant 0 : i32
        %lt3A_541 = arith.cmpi slt, %select_n3A_534, %lt3A_540 : i32
        %ne3A_542 = arith.xori %lt3A_539, %lt3A_541 : i1
        %and3A_543 = arith.andi %ne3A_542, %ne3A_537 : i1
        %add3A_544 = arith.addi %rem3A_535, %select_n3A_534 : i32
        %select_n3A_545 = arith.select %and3A_543, %add3A_544, %rem3A_535 : i32
        %mul3A_546 = arith.constant 64 : i32
        %mul3A_547 = arith.muli %select_n3A_489, %mul3A_546 : i32
        %mul3A_548 = arith.constant 8 : i32
        %mul3A_549 = arith.muli %select_n3A_545, %mul3A_548 : i32
        %add3A_550 = arith.addi %mul3A_547, %mul3A_549 : i32
        %mul3A_551 = arith.constant 1000 : i32
        %mul3A_552 = arith.muli %add3A_550, %mul3A_551 : i32
        %dma_start3A_553 = tpu.memref_slice %arg4[%mul3A_552] : memref<1664000xf32, #tpu.memory_space<hbm>> -> memref<8000xf32, #tpu.memory_space<hbm>>
        %dma_start3A_554 = tpu.memref_slice %arg4[%mul3A_552] : memref<1664000xf32, #tpu.memory_space<hbm>> -> memref<8000xf32, #tpu.memory_space<hbm>>
        tpu.enqueue_dma source(%dma_start3A_554 : memref<8000xf32, #tpu.memory_space<hbm>>) target(%arg7 : memref<8000xf32, #tpu.memory_space<vmem>>) target_semaphore(%arg16 : memref<!tpu.dma_semaphore, #tpu.memory_space<semaphore_mem>>)
        %mul3A_555 = arith.constant 1000 : i32
        %mul3A_556 = arith.muli %add3A_550, %mul3A_555 : i32
        %dma_start3A_557 = tpu.memref_slice %arg5[%mul3A_556] : memref<1664000xf32, #tpu.memory_space<hbm>> -> memref<8000xf32, #tpu.memory_space<hbm>>
        %dma_start3A_558 = tpu.memref_slice %arg5[%mul3A_556] : memref<1664000xf32, #tpu.memory_space<hbm>> -> memref<8000xf32, #tpu.memory_space<hbm>>
        tpu.enqueue_dma source(%dma_start3A_558 : memref<8000xf32, #tpu.memory_space<hbm>>) target(%arg8 : memref<8000xf32, #tpu.memory_space<vmem>>) target_semaphore(%arg16 : memref<!tpu.dma_semaphore, #tpu.memory_space<semaphore_mem>>)
      } else {
      }
      %mul3A_454 = arith.constant 64 : i32
      %mul3A_455 = arith.muli %select_n3A_409, %mul3A_454 : i32
      %scan3A_456 = arith.constant 0 : i32
      %scan3A_457 = arith.constant 8 : i32
      %scan3A_458 = arith.addi %scan3A_456, %scan3A_457 : i32
      %scan3A_459 = arith.constant 1 : i32
      scf.for %scan3A_461 = %scan3A_456 to %scan3A_458 step %scan3A_459  : i32 {
        %mul3A_462 = arith.constant 2 : i32
        %mul3A_463 = arith.muli %scan3A_461, %mul3A_462 : i32
        %eq3A_464 = arith.constant 0 : i32
        %eq3A_465 = arith.cmpi eq, %add3A_342, %eq3A_464 : i32
        %eq3A_466 = arith.constant 0 : i32
        %eq3A_467 = arith.cmpi eq, %scan3A_461, %eq3A_466 : i32
        %and3A_468 = arith.andi %eq3A_465, %eq3A_467 : i1
        %not3A = arith.constant true
        %not3A_469 = arith.xori %and3A_468, %not3A : i1
        %convert_element_type3A_470 = arith.extui %not3A_469 : i1 to i32
        %cond3A_471 = arith.constant 0 : i32
        %cond3A_472 = arith.cmpi ne, %convert_element_type3A_470, %cond3A_471 : i32
        scf.if %cond3A_472 {
          %dma_wait3A_515 = arith.constant 0 : i32
          %dma_wait3A_516 = arith.constant 0 : i32
          %dma_wait3A_517 = arith.constant 0 : i32
          %dma_wait3A_518 = arith.constant 0 : i32
          %dma_wait3A_519 = tpu.memref_slice %arg6[%dma_wait3A_515, %dma_wait3A_516, %dma_wait3A_517, %dma_wait3A_518] : memref<26x8x128x1024xf32, #tpu.memory_space<hbm>> -> memref<1x1x4x1024xf32, #tpu.memory_space<hbm>>
          %dma_wait3A_520 = tpu.memref_squeeze %dma_wait3A_519 : memref<1x1x4x1024xf32, #tpu.memory_space<hbm>> -> memref<4x1024xf32, #tpu.memory_space<hbm>>
          %dma_wait3A_521 = arith.constant 0 : i32
          %dma_wait3A_522 = arith.constant 0 : i32
          %dma_wait3A_523 = tpu.memref_slice %arg6[%dma_wait3A_515, %dma_wait3A_516, %dma_wait3A_521, %dma_wait3A_522] : memref<26x8x128x1024xf32, #tpu.memory_space<hbm>> -> memref<1x1x4x1024xf32, #tpu.memory_space<hbm>>
          %dma_wait3A_524 = tpu.memref_squeeze %dma_wait3A_523 : memref<1x1x4x1024xf32, #tpu.memory_space<hbm>> -> memref<4x1024xf32, #tpu.memory_space<hbm>>
          tpu.wait_dma2 semaphore(%arg18 : memref<!tpu.dma_semaphore, #tpu.memory_space<semaphore_mem>>) src(%arg13 : memref<4x1024xf32, #tpu.memory_space<vmem>>) dst(%dma_wait3A_524 : memref<4x1024xf32, #tpu.memory_space<hbm>>)
        } else {
        }
        %scan3A_473 = arith.constant 0 : i32
        %scan3A_474 = arith.constant 16 : i32
        %scan3A_475 = arith.addi %scan3A_473, %scan3A_474 : i32
        %scan3A_476 = arith.constant 1 : i32
        scf.for %scan3A_515 = %scan3A_473 to %scan3A_475 step %scan3A_476  : i32 {
          %mul3A_516 = arith.constant 2 : i32
          %mul3A_517 = arith.muli %scan3A_515, %mul3A_516 : i32
          %mul3A_518 = arith.constant 512 : i32
          %mul3A_519 = arith.muli %mul3A_463, %mul3A_518 : i32
          %mul3A_520 = arith.constant 16 : i32
          %mul3A_521 = arith.muli %mul3A_517, %mul3A_520 : i32
          %add3A_522 = arith.addi %mul3A_519, %mul3A_521 : i32
          %get3A = arith.index_cast %add3A_522 : i32 to index
          %get3A_523 = tpu.vector_load %arg11[%get3A] {strides = array<i32>} : memref<8192xi32, #tpu.memory_space<vmem>>, vector<16xi32>,
          %get3A_524 = arith.index_cast %add3A_522 : i32 to index
          %get3A_525 = tpu.vector_load %arg12[%get3A_524] {strides = array<i32>} : memref<8192xi32, #tpu.memory_space<vmem>>, vector<16xi32>,
          %jit3A_526 = arith.constant 8 : i32
          %div3A_527 = arith.divsi %mul3A_517, %jit3A_526 : i32
          %sign3A_528 = arith.constant 0 : i32
          %sign3A_529 = arith.cmpi sgt, %mul3A_517, %sign3A_528 : i32
          %sign3A_530 = arith.extui %sign3A_529 : i1 to i32
          %sign3A_531 = arith.constant 0 : i32
          %sign3A_532 = arith.cmpi slt, %mul3A_517, %sign3A_531 : i32
          %sign3A_533 = arith.extui %sign3A_532 : i1 to i32
          %sign3A_534 = arith.subi %sign3A_530, %sign3A_533 : i32
          %sign3A_535 = arith.constant 0 : i32
          %sign3A_536 = arith.cmpi sgt, %jit3A_526, %sign3A_535 : i32
          %sign3A_537 = arith.extui %sign3A_536 : i1 to i32
          %sign3A_538 = arith.constant 0 : i32
          %sign3A_539 = arith.cmpi slt, %jit3A_526, %sign3A_538 : i32
          %sign3A_540 = arith.extui %sign3A_539 : i1 to i32
          %sign3A_541 = arith.subi %sign3A_537, %sign3A_540 : i32
          %ne3A_542 = arith.cmpi ne, %sign3A_534, %sign3A_541 : i32
          %rem3A_543 = arith.remsi %mul3A_517, %jit3A_526 : i32
          %ne3A_544 = arith.constant 0 : i32
          %ne3A_545 = arith.cmpi ne, %rem3A_543, %ne3A_544 : i32
          %and3A_546 = arith.andi %ne3A_542, %ne3A_545 : i1
          %sub3A_547 = arith.constant 1 : i32
          %sub3A_548 = arith.subi %div3A_527, %sub3A_547 : i32
          %select_n3A_549 = arith.select %and3A_546, %sub3A_548, %div3A_527 : i32
          %jit3A_550 = arith.constant 8 : i32
          %eq3A_551 = arith.constant 0 : i32
          %eq3A_552 = arith.cmpi eq, %jit3A_550, %eq3A_551 : i32
          %jit3A_553 = arith.constant 1 : i32
          %select_n3A_554 = arith.select %eq3A_552, %jit3A_553, %jit3A_550 : i32
          %rem3A_555 = arith.remsi %mul3A_517, %select_n3A_554 : i32
          %ne3A_556 = arith.constant 0 : i32
          %ne3A_557 = arith.cmpi ne, %rem3A_555, %ne3A_556 : i32
          %lt3A_558 = arith.constant 0 : i32
          %lt3A_559 = arith.cmpi slt, %rem3A_555, %lt3A_558 : i32
          %lt3A_560 = arith.constant 0 : i32
          %lt3A_561 = arith.cmpi slt, %select_n3A_554, %lt3A_560 : i32
          %ne3A_562 = arith.xori %lt3A_559, %lt3A_561 : i1
          %and3A_563 = arith.andi %ne3A_562, %ne3A_557 : i1
          %add3A_564 = arith.addi %rem3A_555, %select_n3A_554 : i32
          %select_n3A_565 = arith.select %and3A_563, %add3A_564, %rem3A_555 : i32
          %mul3A_566 = arith.constant 16 : i32
          %mul3A_567 = arith.muli %select_n3A_565, %mul3A_566 : i32
          %gather3A = arith.constant 0 : i32
          %gather3A_568 = tpu.memref_slice %arg9[%gather3A] : memref<8000xf32, #tpu.memory_space<vmem>> -> memref<1000xf32, #tpu.memory_space<vmem>>
          %gather3A_569 = tpu.vector_load_idx %gather3A_568[%get3A_523] : memref<1000xf32, #tpu.memory_space<vmem>>[vector<16xi32>], vector<16xf32>,
          %gather3A_570 = arith.constant 1000 : i32
          %gather3A_571 = tpu.memref_slice %arg9[%gather3A_570] : memref<8000xf32, #tpu.memory_space<vmem>> -> memref<1000xf32, #tpu.memory_space<vmem>>
          %gather3A_572 = tpu.vector_load_idx %gather3A_571[%get3A_523] : memref<1000xf32, #tpu.memory_space<vmem>>[vector<16xi32>], vector<16xf32>,
          %gather3A_573 = arith.constant 2000 : i32
          %gather3A_574 = tpu.memref_slice %arg9[%gather3A_573] : memref<8000xf32, #tpu.memory_space<vmem>> -> memref<1000xf32, #tpu.memory_space<vmem>>
          %gather3A_575 = tpu.vector_load_idx %gather3A_574[%get3A_523] : memref<1000xf32, #tpu.memory_space<vmem>>[vector<16xi32>], vector<16xf32>,
          %gather3A_576 = arith.constant 3000 : i32
          %gather3A_577 = tpu.memref_slice %arg9[%gather3A_576] : memref<8000xf32, #tpu.memory_space<vmem>> -> memref<1000xf32, #tpu.memory_space<vmem>>
          %gather3A_578 = tpu.vector_load_idx %gather3A_577[%get3A_523] : memref<1000xf32, #tpu.memory_space<vmem>>[vector<16xi32>], vector<16xf32>,
          %gather3A_579 = arith.constant 4000 : i32
          %gather3A_580 = tpu.memref_slice %arg9[%gather3A_579] : memref<8000xf32, #tpu.memory_space<vmem>> -> memref<1000xf32, #tpu.memory_space<vmem>>
          %gather3A_581 = tpu.vector_load_idx %gather3A_580[%get3A_523] : memref<1000xf32, #tpu.memory_space<vmem>>[vector<16xi32>], vector<16xf32>,
          %gather3A_582 = arith.constant 5000 : i32
          %gather3A_583 = tpu.memref_slice %arg9[%gather3A_582] : memref<8000xf32, #tpu.memory_space<vmem>> -> memref<1000xf32, #tpu.memory_space<vmem>>
          %gather3A_584 = tpu.vector_load_idx %gather3A_583[%get3A_523] : memref<1000xf32, #tpu.memory_space<vmem>>[vector<16xi32>], vector<16xf32>,
          %gather3A_585 = arith.constant 6000 : i32
          %gather3A_586 = tpu.memref_slice %arg9[%gather3A_585] : memref<8000xf32, #tpu.memory_space<vmem>> -> memref<1000xf32, #tpu.memory_space<vmem>>
          %gather3A_587 = tpu.vector_load_idx %gather3A_586[%get3A_523] : memref<1000xf32, #tpu.memory_space<vmem>>[vector<16xi32>], vector<16xf32>,
          %gather3A_588 = arith.constant 7000 : i32
          %gather3A_589 = tpu.memref_slice %arg9[%gather3A_588] : memref<8000xf32, #tpu.memory_space<vmem>> -> memref<1000xf32, #tpu.memory_space<vmem>>
          %gather3A_590 = tpu.vector_load_idx %gather3A_589[%get3A_523] : memref<1000xf32, #tpu.memory_space<vmem>>[vector<16xi32>], vector<16xf32>,
          %gather3A_591 = arith.constant 0 : i32
          %gather3A_592 = tpu.memref_slice %arg10[%gather3A_591] : memref<8000xf32, #tpu.memory_space<vmem>> -> memref<1000xf32, #tpu.memory_space<vmem>>
          %gather3A_593 = tpu.vector_load_idx %gather3A_592[%get3A_525] : memref<1000xf32, #tpu.memory_space<vmem>>[vector<16xi32>], vector<16xf32>,
          %gather3A_594 = arith.constant 1000 : i32
          %gather3A_595 = tpu.memref_slice %arg10[%gather3A_594] : memref<8000xf32, #tpu.memory_space<vmem>> -> memref<1000xf32, #tpu.memory_space<vmem>>
          %gather3A_596 = tpu.vector_load_idx %gather3A_595[%get3A_525] : memref<1000xf32, #tpu.memory_space<vmem>>[vector<16xi32>], vector<16xf32>,
          %gather3A_597 = arith.constant 2000 : i32
          %gather3A_598 = tpu.memref_slice %arg10[%gather3A_597] : memref<8000xf32, #tpu.memory_space<vmem>> -> memref<1000xf32, #tpu.memory_space<vmem>>
          %gather3A_599 = tpu.vector_load_idx %gather3A_598[%get3A_525] : memref<1000xf32, #tpu.memory_space<vmem>>[vector<16xi32>], vector<16xf32>,
          %gather3A_600 = arith.constant 3000 : i32
          %gather3A_601 = tpu.memref_slice %arg10[%gather3A_600] : memref<8000xf32, #tpu.memory_space<vmem>> -> memref<1000xf32, #tpu.memory_space<vmem>>
          %gather3A_602 = tpu.vector_load_idx %gather3A_601[%get3A_525] : memref<1000xf32, #tpu.memory_space<vmem>>[vector<16xi32>], vector<16xf32>,
          %gather3A_603 = arith.constant 4000 : i32
          %gather3A_604 = tpu.memref_slice %arg10[%gather3A_603] : memref<8000xf32, #tpu.memory_space<vmem>> -> memref<1000xf32, #tpu.memory_space<vmem>>
          %gather3A_605 = tpu.vector_load_idx %gather3A_604[%get3A_525] : memref<1000xf32, #tpu.memory_space<vmem>>[vector<16xi32>], vector<16xf32>,
          %gather3A_606 = arith.constant 5000 : i32
          %gather3A_607 = tpu.memref_slice %arg10[%gather3A_606] : memref<8000xf32, #tpu.memory_space<vmem>> -> memref<1000xf32, #tpu.memory_space<vmem>>
          %gather3A_608 = tpu.vector_load_idx %gather3A_607[%get3A_525] : memref<1000xf32, #tpu.memory_space<vmem>>[vector<16xi32>], vector<16xf32>,
          %gather3A_609 = arith.constant 6000 : i32
          %gather3A_610 = tpu.memref_slice %arg10[%gather3A_609] : memref<8000xf32, #tpu.memory_space<vmem>> -> memref<1000xf32, #tpu.memory_space<vmem>>
          %gather3A_611 = tpu.vector_load_idx %gather3A_610[%get3A_525] : memref<1000xf32, #tpu.memory_space<vmem>>[vector<16xi32>], vector<16xf32>,
          %gather3A_612 = arith.constant 7000 : i32
          %gather3A_613 = tpu.memref_slice %arg10[%gather3A_612] : memref<8000xf32, #tpu.memory_space<vmem>> -> memref<1000xf32, #tpu.memory_space<vmem>>
          %gather3A_614 = tpu.vector_load_idx %gather3A_613[%get3A_525] : memref<1000xf32, #tpu.memory_space<vmem>>[vector<16xi32>], vector<16xf32>,
          %add3A_615 = arith.addf %gather3A_569, %gather3A_593 : vector<16xf32>
          %add3A_616 = arith.addf %gather3A_572, %gather3A_596 : vector<16xf32>
          %add3A_617 = arith.addf %gather3A_575, %gather3A_599 : vector<16xf32>
          %add3A_618 = arith.addf %gather3A_578, %gather3A_602 : vector<16xf32>
          %add3A_619 = arith.addf %gather3A_581, %gather3A_605 : vector<16xf32>
          %add3A_620 = arith.addf %gather3A_584, %gather3A_608 : vector<16xf32>
          %add3A_621 = arith.addf %gather3A_587, %gather3A_611 : vector<16xf32>
          %add3A_622 = arith.addf %gather3A_590, %gather3A_614 : vector<16xf32>
          %add3A_623 = arith.constant 0 : i32
          %add3A_624 = arith.addi %add3A_623, %mul3A_567 : i32
          %swap3A = arith.index_cast %select_n3A_549 : i32 to index
          %swap3A_625 = arith.index_cast %add3A_624 : i32 to index
          %swap3A_626 = tpu.vector_load %arg13[%swap3A, %swap3A_625] {strides = array<i32>} : memref<4x1024xf32, #tpu.memory_space<vmem>>, vector<16xf32>,
          tpu.vector_store %arg13[%swap3A, %swap3A_625], %add3A_615 {strides = array<i32>} : memref<4x1024xf32, #tpu.memory_space<vmem>>, vector<16xf32>,
          %add3A_627 = arith.constant 128 : i32
          %add3A_628 = arith.addi %add3A_627, %mul3A_567 : i32
          %swap3A_629 = arith.index_cast %select_n3A_549 : i32 to index
          %swap3A_630 = arith.index_cast %add3A_628 : i32 to index
          %swap3A_631 = tpu.vector_load %arg13[%swap3A_629, %swap3A_630] {strides = array<i32>} : memref<4x1024xf32, #tpu.memory_space<vmem>>, vector<16xf32>,
          tpu.vector_store %arg13[%swap3A_629, %swap3A_630], %add3A_616 {strides = array<i32>} : memref<4x1024xf32, #tpu.memory_space<vmem>>, vector<16xf32>,
          %add3A_632 = arith.constant 256 : i32
          %add3A_633 = arith.addi %add3A_632, %mul3A_567 : i32
          %swap3A_634 = arith.index_cast %select_n3A_549 : i32 to index
          %swap3A_635 = arith.index_cast %add3A_633 : i32 to index
          %swap3A_636 = tpu.vector_load %arg13[%swap3A_634, %swap3A_635] {strides = array<i32>} : memref<4x1024xf32, #tpu.memory_space<vmem>>, vector<16xf32>,
          tpu.vector_store %arg13[%swap3A_634, %swap3A_635], %add3A_617 {strides = array<i32>} : memref<4x1024xf32, #tpu.memory_space<vmem>>, vector<16xf32>,
          %add3A_637 = arith.constant 384 : i32
          %add3A_638 = arith.addi %add3A_637, %mul3A_567 : i32
          %swap3A_639 = arith.index_cast %select_n3A_549 : i32 to index
          %swap3A_640 = arith.index_cast %add3A_638 : i32 to index
          %swap3A_641 = tpu.vector_load %arg13[%swap3A_639, %swap3A_640] {strides = array<i32>} : memref<4x1024xf32, #tpu.memory_space<vmem>>, vector<16xf32>,
          tpu.vector_store %arg13[%swap3A_639, %swap3A_640], %add3A_618 {strides = array<i32>} : memref<4x1024xf32, #tpu.memory_space<vmem>>, vector<16xf32>,
          %add3A_642 = arith.constant 512 : i32
          %add3A_643 = arith.addi %add3A_642, %mul3A_567 : i32
          %swap3A_644 = arith.index_cast %select_n3A_549 : i32 to index
          %swap3A_645 = arith.index_cast %add3A_643 : i32 to index
          %swap3A_646 = tpu.vector_load %arg13[%swap3A_644, %swap3A_645] {strides = array<i32>} : memref<4x1024xf32, #tpu.memory_space<vmem>>, vector<16xf32>,
          tpu.vector_store %arg13[%swap3A_644, %swap3A_645], %add3A_619 {strides = array<i32>} : memref<4x1024xf32, #tpu.memory_space<vmem>>, vector<16xf32>,
          %add3A_647 = arith.constant 640 : i32
          %add3A_648 = arith.addi %add3A_647, %mul3A_567 : i32
          %swap3A_649 = arith.index_cast %select_n3A_549 : i32 to index
          %swap3A_650 = arith.index_cast %add3A_648 : i32 to index
          %swap3A_651 = tpu.vector_load %arg13[%swap3A_649, %swap3A_650] {strides = array<i32>} : memref<4x1024xf32, #tpu.memory_space<vmem>>, vector<16xf32>,
          tpu.vector_store %arg13[%swap3A_649, %swap3A_650], %add3A_620 {strides = array<i32>} : memref<4x1024xf32, #tpu.memory_space<vmem>>, vector<16xf32>,
          %add3A_652 = arith.constant 768 : i32
          %add3A_653 = arith.addi %add3A_652, %mul3A_567 : i32
          %swap3A_654 = arith.index_cast %select_n3A_549 : i32 to index
          %swap3A_655 = arith.index_cast %add3A_653 : i32 to index
          %swap3A_656 = tpu.vector_load %arg13[%swap3A_654, %swap3A_655] {strides = array<i32>} : memref<4x1024xf32, #tpu.memory_space<vmem>>, vector<16xf32>,
          tpu.vector_store %arg13[%swap3A_654, %swap3A_655], %add3A_621 {strides = array<i32>} : memref<4x1024xf32, #tpu.memory_space<vmem>>, vector<16xf32>,
          %add3A_657 = arith.constant 896 : i32
          %add3A_658 = arith.addi %add3A_657, %mul3A_567 : i32
          %swap3A_659 = arith.index_cast %select_n3A_549 : i32 to index
          %swap3A_660 = arith.index_cast %add3A_658 : i32 to index
          %swap3A_661 = tpu.vector_load %arg13[%swap3A_659, %swap3A_660] {strides = array<i32>} : memref<4x1024xf32, #tpu.memory_space<vmem>>, vector<16xf32>,
          tpu.vector_store %arg13[%swap3A_659, %swap3A_660], %add3A_622 {strides = array<i32>} : memref<4x1024xf32, #tpu.memory_space<vmem>>, vector<16xf32>,
          %mul3A_662 = arith.constant 2 : i32
          %mul3A_663 = arith.muli %scan3A_515, %mul3A_662 : i32
          %add3A_664 = arith.constant 1 : i32
          %add3A_665 = arith.addi %mul3A_663, %add3A_664 : i32
          %mul3A_666 = arith.constant 512 : i32
          %mul3A_667 = arith.muli %mul3A_463, %mul3A_666 : i32
          %mul3A_668 = arith.constant 16 : i32
          %mul3A_669 = arith.muli %add3A_665, %mul3A_668 : i32
          %add3A_670 = arith.addi %mul3A_667, %mul3A_669 : i32
          %get3A_671 = arith.index_cast %add3A_670 : i32 to index
          %get3A_672 = tpu.vector_load %arg11[%get3A_671] {strides = array<i32>} : memref<8192xi32, #tpu.memory_space<vmem>>, vector<16xi32>,
          %get3A_673 = arith.index_cast %add3A_670 : i32 to index
          %get3A_674 = tpu.vector_load %arg12[%get3A_673] {strides = array<i32>} : memref<8192xi32, #tpu.memory_space<vmem>>, vector<16xi32>,
          %jit3A_675 = arith.constant 8 : i32
          %div3A_676 = arith.divsi %add3A_665, %jit3A_675 : i32
          %sign3A_677 = arith.constant 0 : i32
          %sign3A_678 = arith.cmpi sgt, %add3A_665, %sign3A_677 : i32
          %sign3A_679 = arith.extui %sign3A_678 : i1 to i32
          %sign3A_680 = arith.constant 0 : i32
          %sign3A_681 = arith.cmpi slt, %add3A_665, %sign3A_680 : i32
          %sign3A_682 = arith.extui %sign3A_681 : i1 to i32
          %sign3A_683 = arith.subi %sign3A_679, %sign3A_682 : i32
          %sign3A_684 = arith.constant 0 : i32
          %sign3A_685 = arith.cmpi sgt, %jit3A_675, %sign3A_684 : i32
          %sign3A_686 = arith.extui %sign3A_685 : i1 to i32
          %sign3A_687 = arith.constant 0 : i32
          %sign3A_688 = arith.cmpi slt, %jit3A_675, %sign3A_687 : i32
          %sign3A_689 = arith.extui %sign3A_688 : i1 to i32
          %sign3A_690 = arith.subi %sign3A_686, %sign3A_689 : i32
          %ne3A_691 = arith.cmpi ne, %sign3A_683, %sign3A_690 : i32
          %rem3A_692 = arith.remsi %add3A_665, %jit3A_675 : i32
          %ne3A_693 = arith.constant 0 : i32
          %ne3A_694 = arith.cmpi ne, %rem3A_692, %ne3A_693 : i32
          %and3A_695 = arith.andi %ne3A_691, %ne3A_694 : i1
          %sub3A_696 = arith.constant 1 : i32
          %sub3A_697 = arith.subi %div3A_676, %sub3A_696 : i32
          %select_n3A_698 = arith.select %and3A_695, %sub3A_697, %div3A_676 : i32
          %jit3A_699 = arith.constant 8 : i32
          %eq3A_700 = arith.constant 0 : i32
          %eq3A_701 = arith.cmpi eq, %jit3A_699, %eq3A_700 : i32
          %jit3A_702 = arith.constant 1 : i32
          %select_n3A_703 = arith.select %eq3A_701, %jit3A_702, %jit3A_699 : i32
          %rem3A_704 = arith.remsi %add3A_665, %select_n3A_703 : i32
          %ne3A_705 = arith.constant 0 : i32
          %ne3A_706 = arith.cmpi ne, %rem3A_704, %ne3A_705 : i32
          %lt3A_707 = arith.constant 0 : i32
          %lt3A_708 = arith.cmpi slt, %rem3A_704, %lt3A_707 : i32
          %lt3A_709 = arith.constant 0 : i32
          %lt3A_710 = arith.cmpi slt, %select_n3A_703, %lt3A_709 : i32
          %ne3A_711 = arith.xori %lt3A_708, %lt3A_710 : i1
          %and3A_712 = arith.andi %ne3A_711, %ne3A_706 : i1
          %add3A_713 = arith.addi %rem3A_704, %select_n3A_703 : i32
          %select_n3A_714 = arith.select %and3A_712, %add3A_713, %rem3A_704 : i32
          %mul3A_715 = arith.constant 16 : i32
          %mul3A_716 = arith.muli %select_n3A_714, %mul3A_715 : i32
          %gather3A_717 = arith.constant 0 : i32
          %gather3A_718 = tpu.memref_slice %arg9[%gather3A_717] : memref<8000xf32, #tpu.memory_space<vmem>> -> memref<1000xf32, #tpu.memory_space<vmem>>
          %gather3A_719 = tpu.vector_load_idx %gather3A_718[%get3A_672] : memref<1000xf32, #tpu.memory_space<vmem>>[vector<16xi32>], vector<16xf32>,
          %gather3A_720 = arith.constant 1000 : i32
          %gather3A_721 = tpu.memref_slice %arg9[%gather3A_720] : memref<8000xf32, #tpu.memory_space<vmem>> -> memref<1000xf32, #tpu.memory_space<vmem>>
          %gather3A_722 = tpu.vector_load_idx %gather3A_721[%get3A_672] : memref<1000xf32, #tpu.memory_space<vmem>>[vector<16xi32>], vector<16xf32>,
          %gather3A_723 = arith.constant 2000 : i32
          %gather3A_724 = tpu.memref_slice %arg9[%gather3A_723] : memref<8000xf32, #tpu.memory_space<vmem>> -> memref<1000xf32, #tpu.memory_space<vmem>>
          %gather3A_725 = tpu.vector_load_idx %gather3A_724[%get3A_672] : memref<1000xf32, #tpu.memory_space<vmem>>[vector<16xi32>], vector<16xf32>,
          %gather3A_726 = arith.constant 3000 : i32
          %gather3A_727 = tpu.memref_slice %arg9[%gather3A_726] : memref<8000xf32, #tpu.memory_space<vmem>> -> memref<1000xf32, #tpu.memory_space<vmem>>
          %gather3A_728 = tpu.vector_load_idx %gather3A_727[%get3A_672] : memref<1000xf32, #tpu.memory_space<vmem>>[vector<16xi32>], vector<16xf32>,
          %gather3A_729 = arith.constant 4000 : i32
          %gather3A_730 = tpu.memref_slice %arg9[%gather3A_729] : memref<8000xf32, #tpu.memory_space<vmem>> -> memref<1000xf32, #tpu.memory_space<vmem>>
          %gather3A_731 = tpu.vector_load_idx %gather3A_730[%get3A_672] : memref<1000xf32, #tpu.memory_space<vmem>>[vector<16xi32>], vector<16xf32>,
          %gather3A_732 = arith.constant 5000 : i32
          %gather3A_733 = tpu.memref_slice %arg9[%gather3A_732] : memref<8000xf32, #tpu.memory_space<vmem>> -> memref<1000xf32, #tpu.memory_space<vmem>>
          %gather3A_734 = tpu.vector_load_idx %gather3A_733[%get3A_672] : memref<1000xf32, #tpu.memory_space<vmem>>[vector<16xi32>], vector<16xf32>,
          %gather3A_735 = arith.constant 6000 : i32
          %gather3A_736 = tpu.memref_slice %arg9[%gather3A_735] : memref<8000xf32, #tpu.memory_space<vmem>> -> memref<1000xf32, #tpu.memory_space<vmem>>
          %gather3A_737 = tpu.vector_load_idx %gather3A_736[%get3A_672] : memref<1000xf32, #tpu.memory_space<vmem>>[vector<16xi32>], vector<16xf32>,
          %gather3A_738 = arith.constant 7000 : i32
          %gather3A_739 = tpu.memref_slice %arg9[%gather3A_738] : memref<8000xf32, #tpu.memory_space<vmem>> -> memref<1000xf32, #tpu.memory_space<vmem>>
          %gather3A_740 = tpu.vector_load_idx %gather3A_739[%get3A_672] : memref<1000xf32, #tpu.memory_space<vmem>>[vector<16xi32>], vector<16xf32>,
          %gather3A_741 = arith.constant 0 : i32
          %gather3A_742 = tpu.memref_slice %arg10[%gather3A_741] : memref<8000xf32, #tpu.memory_space<vmem>> -> memref<1000xf32, #tpu.memory_space<vmem>>
          %gather3A_743 = tpu.vector_load_idx %gather3A_742[%get3A_674] : memref<1000xf32, #tpu.memory_space<vmem>>[vector<16xi32>], vector<16xf32>,
          %gather3A_744 = arith.constant 1000 : i32
          %gather3A_745 = tpu.memref_slice %arg10[%gather3A_744] : memref<8000xf32, #tpu.memory_space<vmem>> -> memref<1000xf32, #tpu.memory_space<vmem>>
          %gather3A_746 = tpu.vector_load_idx %gather3A_745[%get3A_674] : memref<1000xf32, #tpu.memory_space<vmem>>[vector<16xi32>], vector<16xf32>,
          %gather3A_747 = arith.constant 2000 : i32
          %gather3A_748 = tpu.memref_slice %arg10[%gather3A_747] : memref<8000xf32, #tpu.memory_space<vmem>> -> memref<1000xf32, #tpu.memory_space<vmem>>
          %gather3A_749 = tpu.vector_load_idx %gather3A_748[%get3A_674] : memref<1000xf32, #tpu.memory_space<vmem>>[vector<16xi32>], vector<16xf32>,
          %gather3A_750 = arith.constant 3000 : i32
          %gather3A_751 = tpu.memref_slice %arg10[%gather3A_750] : memref<8000xf32, #tpu.memory_space<vmem>> -> memref<1000xf32, #tpu.memory_space<vmem>>
          %gather3A_752 = tpu.vector_load_idx %gather3A_751[%get3A_674] : memref<1000xf32, #tpu.memory_space<vmem>>[vector<16xi32>], vector<16xf32>,
          %gather3A_753 = arith.constant 4000 : i32
          %gather3A_754 = tpu.memref_slice %arg10[%gather3A_753] : memref<8000xf32, #tpu.memory_space<vmem>> -> memref<1000xf32, #tpu.memory_space<vmem>>
          %gather3A_755 = tpu.vector_load_idx %gather3A_754[%get3A_674] : memref<1000xf32, #tpu.memory_space<vmem>>[vector<16xi32>], vector<16xf32>,
          %gather3A_756 = arith.constant 5000 : i32
          %gather3A_757 = tpu.memref_slice %arg10[%gather3A_756] : memref<8000xf32, #tpu.memory_space<vmem>> -> memref<1000xf32, #tpu.memory_space<vmem>>
          %gather3A_758 = tpu.vector_load_idx %gather3A_757[%get3A_674] : memref<1000xf32, #tpu.memory_space<vmem>>[vector<16xi32>], vector<16xf32>,
          %gather3A_759 = arith.constant 6000 : i32
          %gather3A_760 = tpu.memref_slice %arg10[%gather3A_759] : memref<8000xf32, #tpu.memory_space<vmem>> -> memref<1000xf32, #tpu.memory_space<vmem>>
          %gather3A_761 = tpu.vector_load_idx %gather3A_760[%get3A_674] : memref<1000xf32, #tpu.memory_space<vmem>>[vector<16xi32>], vector<16xf32>,
          %gather3A_762 = arith.constant 7000 : i32
          %gather3A_763 = tpu.memref_slice %arg10[%gather3A_762] : memref<8000xf32, #tpu.memory_space<vmem>> -> memref<1000xf32, #tpu.memory_space<vmem>>
          %gather3A_764 = tpu.vector_load_idx %gather3A_763[%get3A_674] : memref<1000xf32, #tpu.memory_space<vmem>>[vector<16xi32>], vector<16xf32>,
          %add3A_765 = arith.addf %gather3A_719, %gather3A_743 : vector<16xf32>
          %add3A_766 = arith.addf %gather3A_722, %gather3A_746 : vector<16xf32>
          %add3A_767 = arith.addf %gather3A_725, %gather3A_749 : vector<16xf32>
          %add3A_768 = arith.addf %gather3A_728, %gather3A_752 : vector<16xf32>
          %add3A_769 = arith.addf %gather3A_731, %gather3A_755 : vector<16xf32>
          %add3A_770 = arith.addf %gather3A_734, %gather3A_758 : vector<16xf32>
          %add3A_771 = arith.addf %gather3A_737, %gather3A_761 : vector<16xf32>
          %add3A_772 = arith.addf %gather3A_740, %gather3A_764 : vector<16xf32>
          %add3A_773 = arith.constant 0 : i32
          %add3A_774 = arith.addi %add3A_773, %mul3A_716 : i32
          %swap3A_775 = arith.index_cast %select_n3A_698 : i32 to index
          %swap3A_776 = arith.index_cast %add3A_774 : i32 to index
          %swap3A_777 = tpu.vector_load %arg13[%swap3A_775, %swap3A_776] {strides = array<i32>} : memref<4x1024xf32, #tpu.memory_space<vmem>>, vector<16xf32>,
          tpu.vector_store %arg13[%swap3A_775, %swap3A_776], %add3A_765 {strides = array<i32>} : memref<4x1024xf32, #tpu.memory_space<vmem>>, vector<16xf32>,
          %add3A_778 = arith.constant 128 : i32
          %add3A_779 = arith.addi %add3A_778, %mul3A_716 : i32
          %swap3A_780 = arith.index_cast %select_n3A_698 : i32 to index
          %swap3A_781 = arith.index_cast %add3A_779 : i32 to index
          %swap3A_782 = tpu.vector_load %arg13[%swap3A_780, %swap3A_781] {strides = array<i32>} : memref<4x1024xf32, #tpu.memory_space<vmem>>, vector<16xf32>,
          tpu.vector_store %arg13[%swap3A_780, %swap3A_781], %add3A_766 {strides = array<i32>} : memref<4x1024xf32, #tpu.memory_space<vmem>>, vector<16xf32>,
          %add3A_783 = arith.constant 256 : i32
          %add3A_784 = arith.addi %add3A_783, %mul3A_716 : i32
          %swap3A_785 = arith.index_cast %select_n3A_698 : i32 to index
          %swap3A_786 = arith.index_cast %add3A_784 : i32 to index
          %swap3A_787 = tpu.vector_load %arg13[%swap3A_785, %swap3A_786] {strides = array<i32>} : memref<4x1024xf32, #tpu.memory_space<vmem>>, vector<16xf32>,
          tpu.vector_store %arg13[%swap3A_785, %swap3A_786], %add3A_767 {strides = array<i32>} : memref<4x1024xf32, #tpu.memory_space<vmem>>, vector<16xf32>,
          %add3A_788 = arith.constant 384 : i32
          %add3A_789 = arith.addi %add3A_788, %mul3A_716 : i32
          %swap3A_790 = arith.index_cast %select_n3A_698 : i32 to index
          %swap3A_791 = arith.index_cast %add3A_789 : i32 to index
          %swap3A_792 = tpu.vector_load %arg13[%swap3A_790, %swap3A_791] {strides = array<i32>} : memref<4x1024xf32, #tpu.memory_space<vmem>>, vector<16xf32>,
          tpu.vector_store %arg13[%swap3A_790, %swap3A_791], %add3A_768 {strides = array<i32>} : memref<4x1024xf32, #tpu.memory_space<vmem>>, vector<16xf32>,
          %add3A_793 = arith.constant 512 : i32
          %add3A_794 = arith.addi %add3A_793, %mul3A_716 : i32
          %swap3A_795 = arith.index_cast %select_n3A_698 : i32 to index
          %swap3A_796 = arith.index_cast %add3A_794 : i32 to index
          %swap3A_797 = tpu.vector_load %arg13[%swap3A_795, %swap3A_796] {strides = array<i32>} : memref<4x1024xf32, #tpu.memory_space<vmem>>, vector<16xf32>,
          tpu.vector_store %arg13[%swap3A_795, %swap3A_796], %add3A_769 {strides = array<i32>} : memref<4x1024xf32, #tpu.memory_space<vmem>>, vector<16xf32>,
          %add3A_798 = arith.constant 640 : i32
          %add3A_799 = arith.addi %add3A_798, %mul3A_716 : i32
          %swap3A_800 = arith.index_cast %select_n3A_698 : i32 to index
          %swap3A_801 = arith.index_cast %add3A_799 : i32 to index
          %swap3A_802 = tpu.vector_load %arg13[%swap3A_800, %swap3A_801] {strides = array<i32>} : memref<4x1024xf32, #tpu.memory_space<vmem>>, vector<16xf32>,
          tpu.vector_store %arg13[%swap3A_800, %swap3A_801], %add3A_770 {strides = array<i32>} : memref<4x1024xf32, #tpu.memory_space<vmem>>, vector<16xf32>,
          %add3A_803 = arith.constant 768 : i32
          %add3A_804 = arith.addi %add3A_803, %mul3A_716 : i32
          %swap3A_805 = arith.index_cast %select_n3A_698 : i32 to index
          %swap3A_806 = arith.index_cast %add3A_804 : i32 to index
          %swap3A_807 = tpu.vector_load %arg13[%swap3A_805, %swap3A_806] {strides = array<i32>} : memref<4x1024xf32, #tpu.memory_space<vmem>>, vector<16xf32>,
          tpu.vector_store %arg13[%swap3A_805, %swap3A_806], %add3A_771 {strides = array<i32>} : memref<4x1024xf32, #tpu.memory_space<vmem>>, vector<16xf32>,
          %add3A_808 = arith.constant 896 : i32
          %add3A_809 = arith.addi %add3A_808, %mul3A_716 : i32
          %swap3A_810 = arith.index_cast %select_n3A_698 : i32 to index
          %swap3A_811 = arith.index_cast %add3A_809 : i32 to index
          %swap3A_812 = tpu.vector_load %arg13[%swap3A_810, %swap3A_811] {strides = array<i32>} : memref<4x1024xf32, #tpu.memory_space<vmem>>, vector<16xf32>,
          tpu.vector_store %arg13[%swap3A_810, %swap3A_811], %add3A_772 {strides = array<i32>} : memref<4x1024xf32, #tpu.memory_space<vmem>>, vector<16xf32>,
        }
        %scan3A_477 = arith.constant 16 : i32
        %mul3A_478 = arith.constant 4 : i32
        %mul3A_479 = arith.muli %mul3A_463, %mul3A_478 : i32
        %add3A_480 = arith.addi %mul3A_455, %mul3A_479 : i32
        %dma_start3A_481 = arith.constant 0 : i32
        %dma_start3A_482 = tpu.memref_slice %arg6[%select_n3A_369, %select_n3A_425, %add3A_480, %dma_start3A_481] : memref<26x8x128x1024xf32, #tpu.memory_space<hbm>> -> memref<1x1x4x1024xf32, #tpu.memory_space<hbm>>
        %dma_start3A_483 = tpu.memref_squeeze %dma_start3A_482 : memref<1x1x4x1024xf32, #tpu.memory_space<hbm>> -> memref<4x1024xf32, #tpu.memory_space<hbm>>
        %dma_start3A_484 = arith.constant 0 : i32
        %dma_start3A_485 = tpu.memref_slice %arg6[%select_n3A_369, %select_n3A_425, %add3A_480, %dma_start3A_484] : memref<26x8x128x1024xf32, #tpu.memory_space<hbm>> -> memref<1x1x4x1024xf32, #tpu.memory_space<hbm>>
        %dma_start3A_486 = tpu.memref_squeeze %dma_start3A_485 : memref<1x1x4x1024xf32, #tpu.memory_space<hbm>> -> memref<4x1024xf32, #tpu.memory_space<hbm>>
        tpu.enqueue_dma source(%arg13 : memref<4x1024xf32, #tpu.memory_space<vmem>>) target(%dma_start3A_486 : memref<4x1024xf32, #tpu.memory_space<hbm>>) target_semaphore(%arg18 : memref<!tpu.dma_semaphore, #tpu.memory_space<semaphore_mem>>)
        %mul3A_487 = arith.constant 2 : i32
        %mul3A_488 = arith.muli %scan3A_461, %mul3A_487 : i32
        %add3A_489 = arith.constant 1 : i32
        %add3A_490 = arith.addi %mul3A_488, %add3A_489 : i32
        %eq3A_491 = arith.constant 0 : i32
        %eq3A_492 = arith.cmpi eq, %add3A_342, %eq3A_491 : i32
        %eq3A_493 = arith.constant 0 : i32
        %eq3A_494 = arith.cmpi eq, %scan3A_461, %eq3A_493 : i32
        %and3A_495 = arith.andi %eq3A_492, %eq3A_494 : i1
        %not3A_496 = arith.constant true
        %not3A_497 = arith.xori %and3A_495, %not3A_496 : i1
        %convert_element_type3A_498 = arith.extui %not3A_497 : i1 to i32
        %cond3A_499 = arith.constant 0 : i32
        %cond3A_500 = arith.cmpi ne, %convert_element_type3A_498, %cond3A_499 : i32
        scf.if %cond3A_500 {
          %dma_wait3A_515 = arith.constant 0 : i32
          %dma_wait3A_516 = arith.constant 0 : i32
          %dma_wait3A_517 = arith.constant 0 : i32
          %dma_wait3A_518 = arith.constant 0 : i32
          %dma_wait3A_519 = tpu.memref_slice %arg6[%dma_wait3A_515, %dma_wait3A_516, %dma_wait3A_517, %dma_wait3A_518] : memref<26x8x128x1024xf32, #tpu.memory_space<hbm>> -> memref<1x1x4x1024xf32, #tpu.memory_space<hbm>>
          %dma_wait3A_520 = tpu.memref_squeeze %dma_wait3A_519 : memref<1x1x4x1024xf32, #tpu.memory_space<hbm>> -> memref<4x1024xf32, #tpu.memory_space<hbm>>
          %dma_wait3A_521 = arith.constant 0 : i32
          %dma_wait3A_522 = arith.constant 0 : i32
          %dma_wait3A_523 = tpu.memref_slice %arg6[%dma_wait3A_515, %dma_wait3A_516, %dma_wait3A_521, %dma_wait3A_522] : memref<26x8x128x1024xf32, #tpu.memory_space<hbm>> -> memref<1x1x4x1024xf32, #tpu.memory_space<hbm>>
          %dma_wait3A_524 = tpu.memref_squeeze %dma_wait3A_523 : memref<1x1x4x1024xf32, #tpu.memory_space<hbm>> -> memref<4x1024xf32, #tpu.memory_space<hbm>>
          tpu.wait_dma2 semaphore(%arg19 : memref<!tpu.dma_semaphore, #tpu.memory_space<semaphore_mem>>) src(%arg14 : memref<4x1024xf32, #tpu.memory_space<vmem>>) dst(%dma_wait3A_524 : memref<4x1024xf32, #tpu.memory_space<hbm>>)
        } else {
        }
        %scan3A_501 = arith.constant 0 : i32
        %scan3A_502 = arith.constant 16 : i32
        %scan3A_503 = arith.addi %scan3A_501, %scan3A_502 : i32
        %scan3A_504 = arith.constant 1 : i32
        scf.for %scan3A_515 = %scan3A_501 to %scan3A_503 step %scan3A_504  : i32 {
          %mul3A_516 = arith.constant 2 : i32
          %mul3A_517 = arith.muli %scan3A_515, %mul3A_516 : i32
          %mul3A_518 = arith.constant 512 : i32
          %mul3A_519 = arith.muli %add3A_490, %mul3A_518 : i32
          %mul3A_520 = arith.constant 16 : i32
          %mul3A_521 = arith.muli %mul3A_517, %mul3A_520 : i32
          %add3A_522 = arith.addi %mul3A_519, %mul3A_521 : i32
          %get3A = arith.index_cast %add3A_522 : i32 to index
          %get3A_523 = tpu.vector_load %arg11[%get3A] {strides = array<i32>} : memref<8192xi32, #tpu.memory_space<vmem>>, vector<16xi32>,
          %get3A_524 = arith.index_cast %add3A_522 : i32 to index
          %get3A_525 = tpu.vector_load %arg12[%get3A_524] {strides = array<i32>} : memref<8192xi32, #tpu.memory_space<vmem>>, vector<16xi32>,
          %jit3A_526 = arith.constant 8 : i32
          %div3A_527 = arith.divsi %mul3A_517, %jit3A_526 : i32
          %sign3A_528 = arith.constant 0 : i32
          %sign3A_529 = arith.cmpi sgt, %mul3A_517, %sign3A_528 : i32
          %sign3A_530 = arith.extui %sign3A_529 : i1 to i32
          %sign3A_531 = arith.constant 0 : i32
          %sign3A_532 = arith.cmpi slt, %mul3A_517, %sign3A_531 : i32
          %sign3A_533 = arith.extui %sign3A_532 : i1 to i32
          %sign3A_534 = arith.subi %sign3A_530, %sign3A_533 : i32
          %sign3A_535 = arith.constant 0 : i32
          %sign3A_536 = arith.cmpi sgt, %jit3A_526, %sign3A_535 : i32
          %sign3A_537 = arith.extui %sign3A_536 : i1 to i32
          %sign3A_538 = arith.constant 0 : i32
          %sign3A_539 = arith.cmpi slt, %jit3A_526, %sign3A_538 : i32
          %sign3A_540 = arith.extui %sign3A_539 : i1 to i32
          %sign3A_541 = arith.subi %sign3A_537, %sign3A_540 : i32
          %ne3A_542 = arith.cmpi ne, %sign3A_534, %sign3A_541 : i32
          %rem3A_543 = arith.remsi %mul3A_517, %jit3A_526 : i32
          %ne3A_544 = arith.constant 0 : i32
          %ne3A_545 = arith.cmpi ne, %rem3A_543, %ne3A_544 : i32
          %and3A_546 = arith.andi %ne3A_542, %ne3A_545 : i1
          %sub3A_547 = arith.constant 1 : i32
          %sub3A_548 = arith.subi %div3A_527, %sub3A_547 : i32
          %select_n3A_549 = arith.select %and3A_546, %sub3A_548, %div3A_527 : i32
          %jit3A_550 = arith.constant 8 : i32
          %eq3A_551 = arith.constant 0 : i32
          %eq3A_552 = arith.cmpi eq, %jit3A_550, %eq3A_551 : i32
          %jit3A_553 = arith.constant 1 : i32
          %select_n3A_554 = arith.select %eq3A_552, %jit3A_553, %jit3A_550 : i32
          %rem3A_555 = arith.remsi %mul3A_517, %select_n3A_554 : i32
          %ne3A_556 = arith.constant 0 : i32
          %ne3A_557 = arith.cmpi ne, %rem3A_555, %ne3A_556 : i32
          %lt3A_558 = arith.constant 0 : i32
          %lt3A_559 = arith.cmpi slt, %rem3A_555, %lt3A_558 : i32
          %lt3A_560 = arith.constant 0 : i32
          %lt3A_561 = arith.cmpi slt, %select_n3A_554, %lt3A_560 : i32
          %ne3A_562 = arith.xori %lt3A_559, %lt3A_561 : i1
          %and3A_563 = arith.andi %ne3A_562, %ne3A_557 : i1
          %add3A_564 = arith.addi %rem3A_555, %select_n3A_554 : i32
          %select_n3A_565 = arith.select %and3A_563, %add3A_564, %rem3A_555 : i32
          %mul3A_566 = arith.constant 16 : i32
          %mul3A_567 = arith.muli %select_n3A_565, %mul3A_566 : i32
          %gather3A = arith.constant 0 : i32
          %gather3A_568 = tpu.memref_slice %arg9[%gather3A] : memref<8000xf32, #tpu.memory_space<vmem>> -> memref<1000xf32, #tpu.memory_space<vmem>>
          %gather3A_569 = tpu.vector_load_idx %gather3A_568[%get3A_523] : memref<1000xf32, #tpu.memory_space<vmem>>[vector<16xi32>], vector<16xf32>,
          %gather3A_570 = arith.constant 1000 : i32
          %gather3A_571 = tpu.memref_slice %arg9[%gather3A_570] : memref<8000xf32, #tpu.memory_space<vmem>> -> memref<1000xf32, #tpu.memory_space<vmem>>
          %gather3A_572 = tpu.vector_load_idx %gather3A_571[%get3A_523] : memref<1000xf32, #tpu.memory_space<vmem>>[vector<16xi32>], vector<16xf32>,
          %gather3A_573 = arith.constant 2000 : i32
          %gather3A_574 = tpu.memref_slice %arg9[%gather3A_573] : memref<8000xf32, #tpu.memory_space<vmem>> -> memref<1000xf32, #tpu.memory_space<vmem>>
          %gather3A_575 = tpu.vector_load_idx %gather3A_574[%get3A_523] : memref<1000xf32, #tpu.memory_space<vmem>>[vector<16xi32>], vector<16xf32>,
          %gather3A_576 = arith.constant 3000 : i32
          %gather3A_577 = tpu.memref_slice %arg9[%gather3A_576] : memref<8000xf32, #tpu.memory_space<vmem>> -> memref<1000xf32, #tpu.memory_space<vmem>>
          %gather3A_578 = tpu.vector_load_idx %gather3A_577[%get3A_523] : memref<1000xf32, #tpu.memory_space<vmem>>[vector<16xi32>], vector<16xf32>,
          %gather3A_579 = arith.constant 4000 : i32
          %gather3A_580 = tpu.memref_slice %arg9[%gather3A_579] : memref<8000xf32, #tpu.memory_space<vmem>> -> memref<1000xf32, #tpu.memory_space<vmem>>
          %gather3A_581 = tpu.vector_load_idx %gather3A_580[%get3A_523] : memref<1000xf32, #tpu.memory_space<vmem>>[vector<16xi32>], vector<16xf32>,
          %gather3A_582 = arith.constant 5000 : i32
          %gather3A_583 = tpu.memref_slice %arg9[%gather3A_582] : memref<8000xf32, #tpu.memory_space<vmem>> -> memref<1000xf32, #tpu.memory_space<vmem>>
          %gather3A_584 = tpu.vector_load_idx %gather3A_583[%get3A_523] : memref<1000xf32, #tpu.memory_space<vmem>>[vector<16xi32>], vector<16xf32>,
          %gather3A_585 = arith.constant 6000 : i32
          %gather3A_586 = tpu.memref_slice %arg9[%gather3A_585] : memref<8000xf32, #tpu.memory_space<vmem>> -> memref<1000xf32, #tpu.memory_space<vmem>>
          %gather3A_587 = tpu.vector_load_idx %gather3A_586[%get3A_523] : memref<1000xf32, #tpu.memory_space<vmem>>[vector<16xi32>], vector<16xf32>,
          %gather3A_588 = arith.constant 7000 : i32
          %gather3A_589 = tpu.memref_slice %arg9[%gather3A_588] : memref<8000xf32, #tpu.memory_space<vmem>> -> memref<1000xf32, #tpu.memory_space<vmem>>
          %gather3A_590 = tpu.vector_load_idx %gather3A_589[%get3A_523] : memref<1000xf32, #tpu.memory_space<vmem>>[vector<16xi32>], vector<16xf32>,
          %gather3A_591 = arith.constant 0 : i32
          %gather3A_592 = tpu.memref_slice %arg10[%gather3A_591] : memref<8000xf32, #tpu.memory_space<vmem>> -> memref<1000xf32, #tpu.memory_space<vmem>>
          %gather3A_593 = tpu.vector_load_idx %gather3A_592[%get3A_525] : memref<1000xf32, #tpu.memory_space<vmem>>[vector<16xi32>], vector<16xf32>,
          %gather3A_594 = arith.constant 1000 : i32
          %gather3A_595 = tpu.memref_slice %arg10[%gather3A_594] : memref<8000xf32, #tpu.memory_space<vmem>> -> memref<1000xf32, #tpu.memory_space<vmem>>
          %gather3A_596 = tpu.vector_load_idx %gather3A_595[%get3A_525] : memref<1000xf32, #tpu.memory_space<vmem>>[vector<16xi32>], vector<16xf32>,
          %gather3A_597 = arith.constant 2000 : i32
          %gather3A_598 = tpu.memref_slice %arg10[%gather3A_597] : memref<8000xf32, #tpu.memory_space<vmem>> -> memref<1000xf32, #tpu.memory_space<vmem>>
          %gather3A_599 = tpu.vector_load_idx %gather3A_598[%get3A_525] : memref<1000xf32, #tpu.memory_space<vmem>>[vector<16xi32>], vector<16xf32>,
          %gather3A_600 = arith.constant 3000 : i32
          %gather3A_601 = tpu.memref_slice %arg10[%gather3A_600] : memref<8000xf32, #tpu.memory_space<vmem>> -> memref<1000xf32, #tpu.memory_space<vmem>>
          %gather3A_602 = tpu.vector_load_idx %gather3A_601[%get3A_525] : memref<1000xf32, #tpu.memory_space<vmem>>[vector<16xi32>], vector<16xf32>,
          %gather3A_603 = arith.constant 4000 : i32
          %gather3A_604 = tpu.memref_slice %arg10[%gather3A_603] : memref<8000xf32, #tpu.memory_space<vmem>> -> memref<1000xf32, #tpu.memory_space<vmem>>
          %gather3A_605 = tpu.vector_load_idx %gather3A_604[%get3A_525] : memref<1000xf32, #tpu.memory_space<vmem>>[vector<16xi32>], vector<16xf32>,
          %gather3A_606 = arith.constant 5000 : i32
          %gather3A_607 = tpu.memref_slice %arg10[%gather3A_606] : memref<8000xf32, #tpu.memory_space<vmem>> -> memref<1000xf32, #tpu.memory_space<vmem>>
          %gather3A_608 = tpu.vector_load_idx %gather3A_607[%get3A_525] : memref<1000xf32, #tpu.memory_space<vmem>>[vector<16xi32>], vector<16xf32>,
          %gather3A_609 = arith.constant 6000 : i32
          %gather3A_610 = tpu.memref_slice %arg10[%gather3A_609] : memref<8000xf32, #tpu.memory_space<vmem>> -> memref<1000xf32, #tpu.memory_space<vmem>>
          %gather3A_611 = tpu.vector_load_idx %gather3A_610[%get3A_525] : memref<1000xf32, #tpu.memory_space<vmem>>[vector<16xi32>], vector<16xf32>,
          %gather3A_612 = arith.constant 7000 : i32
          %gather3A_613 = tpu.memref_slice %arg10[%gather3A_612] : memref<8000xf32, #tpu.memory_space<vmem>> -> memref<1000xf32, #tpu.memory_space<vmem>>
          %gather3A_614 = tpu.vector_load_idx %gather3A_613[%get3A_525] : memref<1000xf32, #tpu.memory_space<vmem>>[vector<16xi32>], vector<16xf32>,
          %add3A_615 = arith.addf %gather3A_569, %gather3A_593 : vector<16xf32>
          %add3A_616 = arith.addf %gather3A_572, %gather3A_596 : vector<16xf32>
          %add3A_617 = arith.addf %gather3A_575, %gather3A_599 : vector<16xf32>
          %add3A_618 = arith.addf %gather3A_578, %gather3A_602 : vector<16xf32>
          %add3A_619 = arith.addf %gather3A_581, %gather3A_605 : vector<16xf32>
          %add3A_620 = arith.addf %gather3A_584, %gather3A_608 : vector<16xf32>
          %add3A_621 = arith.addf %gather3A_587, %gather3A_611 : vector<16xf32>
          %add3A_622 = arith.addf %gather3A_590, %gather3A_614 : vector<16xf32>
          %add3A_623 = arith.constant 0 : i32
          %add3A_624 = arith.addi %add3A_623, %mul3A_567 : i32
          %swap3A = arith.index_cast %select_n3A_549 : i32 to index
          %swap3A_625 = arith.index_cast %add3A_624 : i32 to index
          %swap3A_626 = tpu.vector_load %arg14[%swap3A, %swap3A_625] {strides = array<i32>} : memref<4x1024xf32, #tpu.memory_space<vmem>>, vector<16xf32>,
          tpu.vector_store %arg14[%swap3A, %swap3A_625], %add3A_615 {strides = array<i32>} : memref<4x1024xf32, #tpu.memory_space<vmem>>, vector<16xf32>,
          %add3A_627 = arith.constant 128 : i32
          %add3A_628 = arith.addi %add3A_627, %mul3A_567 : i32
          %swap3A_629 = arith.index_cast %select_n3A_549 : i32 to index
          %swap3A_630 = arith.index_cast %add3A_628 : i32 to index
          %swap3A_631 = tpu.vector_load %arg14[%swap3A_629, %swap3A_630] {strides = array<i32>} : memref<4x1024xf32, #tpu.memory_space<vmem>>, vector<16xf32>,
          tpu.vector_store %arg14[%swap3A_629, %swap3A_630], %add3A_616 {strides = array<i32>} : memref<4x1024xf32, #tpu.memory_space<vmem>>, vector<16xf32>,
          %add3A_632 = arith.constant 256 : i32
          %add3A_633 = arith.addi %add3A_632, %mul3A_567 : i32
          %swap3A_634 = arith.index_cast %select_n3A_549 : i32 to index
          %swap3A_635 = arith.index_cast %add3A_633 : i32 to index
          %swap3A_636 = tpu.vector_load %arg14[%swap3A_634, %swap3A_635] {strides = array<i32>} : memref<4x1024xf32, #tpu.memory_space<vmem>>, vector<16xf32>,
          tpu.vector_store %arg14[%swap3A_634, %swap3A_635], %add3A_617 {strides = array<i32>} : memref<4x1024xf32, #tpu.memory_space<vmem>>, vector<16xf32>,
          %add3A_637 = arith.constant 384 : i32
          %add3A_638 = arith.addi %add3A_637, %mul3A_567 : i32
          %swap3A_639 = arith.index_cast %select_n3A_549 : i32 to index
          %swap3A_640 = arith.index_cast %add3A_638 : i32 to index
          %swap3A_641 = tpu.vector_load %arg14[%swap3A_639, %swap3A_640] {strides = array<i32>} : memref<4x1024xf32, #tpu.memory_space<vmem>>, vector<16xf32>,
          tpu.vector_store %arg14[%swap3A_639, %swap3A_640], %add3A_618 {strides = array<i32>} : memref<4x1024xf32, #tpu.memory_space<vmem>>, vector<16xf32>,
          %add3A_642 = arith.constant 512 : i32
          %add3A_643 = arith.addi %add3A_642, %mul3A_567 : i32
          %swap3A_644 = arith.index_cast %select_n3A_549 : i32 to index
          %swap3A_645 = arith.index_cast %add3A_643 : i32 to index
          %swap3A_646 = tpu.vector_load %arg14[%swap3A_644, %swap3A_645] {strides = array<i32>} : memref<4x1024xf32, #tpu.memory_space<vmem>>, vector<16xf32>,
          tpu.vector_store %arg14[%swap3A_644, %swap3A_645], %add3A_619 {strides = array<i32>} : memref<4x1024xf32, #tpu.memory_space<vmem>>, vector<16xf32>,
          %add3A_647 = arith.constant 640 : i32
          %add3A_648 = arith.addi %add3A_647, %mul3A_567 : i32
          %swap3A_649 = arith.index_cast %select_n3A_549 : i32 to index
          %swap3A_650 = arith.index_cast %add3A_648 : i32 to index
          %swap3A_651 = tpu.vector_load %arg14[%swap3A_649, %swap3A_650] {strides = array<i32>} : memref<4x1024xf32, #tpu.memory_space<vmem>>, vector<16xf32>,
          tpu.vector_store %arg14[%swap3A_649, %swap3A_650], %add3A_620 {strides = array<i32>} : memref<4x1024xf32, #tpu.memory_space<vmem>>, vector<16xf32>,
          %add3A_652 = arith.constant 768 : i32
          %add3A_653 = arith.addi %add3A_652, %mul3A_567 : i32
          %swap3A_654 = arith.index_cast %select_n3A_549 : i32 to index
          %swap3A_655 = arith.index_cast %add3A_653 : i32 to index
          %swap3A_656 = tpu.vector_load %arg14[%swap3A_654, %swap3A_655] {strides = array<i32>} : memref<4x1024xf32, #tpu.memory_space<vmem>>, vector<16xf32>,
          tpu.vector_store %arg14[%swap3A_654, %swap3A_655], %add3A_621 {strides = array<i32>} : memref<4x1024xf32, #tpu.memory_space<vmem>>, vector<16xf32>,
          %add3A_657 = arith.constant 896 : i32
          %add3A_658 = arith.addi %add3A_657, %mul3A_567 : i32
          %swap3A_659 = arith.index_cast %select_n3A_549 : i32 to index
          %swap3A_660 = arith.index_cast %add3A_658 : i32 to index
          %swap3A_661 = tpu.vector_load %arg14[%swap3A_659, %swap3A_660] {strides = array<i32>} : memref<4x1024xf32, #tpu.memory_space<vmem>>, vector<16xf32>,
          tpu.vector_store %arg14[%swap3A_659, %swap3A_660], %add3A_622 {strides = array<i32>} : memref<4x1024xf32, #tpu.memory_space<vmem>>, vector<16xf32>,
          %mul3A_662 = arith.constant 2 : i32
          %mul3A_663 = arith.muli %scan3A_515, %mul3A_662 : i32
          %add3A_664 = arith.constant 1 : i32
          %add3A_665 = arith.addi %mul3A_663, %add3A_664 : i32
          %mul3A_666 = arith.constant 512 : i32
          %mul3A_667 = arith.muli %add3A_490, %mul3A_666 : i32
          %mul3A_668 = arith.constant 16 : i32
          %mul3A_669 = arith.muli %add3A_665, %mul3A_668 : i32
          %add3A_670 = arith.addi %mul3A_667, %mul3A_669 : i32
          %get3A_671 = arith.index_cast %add3A_670 : i32 to index
          %get3A_672 = tpu.vector_load %arg11[%get3A_671] {strides = array<i32>} : memref<8192xi32, #tpu.memory_space<vmem>>, vector<16xi32>,
          %get3A_673 = arith.index_cast %add3A_670 : i32 to index
          %get3A_674 = tpu.vector_load %arg12[%get3A_673] {strides = array<i32>} : memref<8192xi32, #tpu.memory_space<vmem>>, vector<16xi32>,
          %jit3A_675 = arith.constant 8 : i32
          %div3A_676 = arith.divsi %add3A_665, %jit3A_675 : i32
          %sign3A_677 = arith.constant 0 : i32
          %sign3A_678 = arith.cmpi sgt, %add3A_665, %sign3A_677 : i32
          %sign3A_679 = arith.extui %sign3A_678 : i1 to i32
          %sign3A_680 = arith.constant 0 : i32
          %sign3A_681 = arith.cmpi slt, %add3A_665, %sign3A_680 : i32
          %sign3A_682 = arith.extui %sign3A_681 : i1 to i32
          %sign3A_683 = arith.subi %sign3A_679, %sign3A_682 : i32
          %sign3A_684 = arith.constant 0 : i32
          %sign3A_685 = arith.cmpi sgt, %jit3A_675, %sign3A_684 : i32
          %sign3A_686 = arith.extui %sign3A_685 : i1 to i32
          %sign3A_687 = arith.constant 0 : i32
          %sign3A_688 = arith.cmpi slt, %jit3A_675, %sign3A_687 : i32
          %sign3A_689 = arith.extui %sign3A_688 : i1 to i32
          %sign3A_690 = arith.subi %sign3A_686, %sign3A_689 : i32
          %ne3A_691 = arith.cmpi ne, %sign3A_683, %sign3A_690 : i32
          %rem3A_692 = arith.remsi %add3A_665, %jit3A_675 : i32
          %ne3A_693 = arith.constant 0 : i32
          %ne3A_694 = arith.cmpi ne, %rem3A_692, %ne3A_693 : i32
          %and3A_695 = arith.andi %ne3A_691, %ne3A_694 : i1
          %sub3A_696 = arith.constant 1 : i32
          %sub3A_697 = arith.subi %div3A_676, %sub3A_696 : i32
          %select_n3A_698 = arith.select %and3A_695, %sub3A_697, %div3A_676 : i32
          %jit3A_699 = arith.constant 8 : i32
          %eq3A_700 = arith.constant 0 : i32
          %eq3A_701 = arith.cmpi eq, %jit3A_699, %eq3A_700 : i32
          %jit3A_702 = arith.constant 1 : i32
          %select_n3A_703 = arith.select %eq3A_701, %jit3A_702, %jit3A_699 : i32
          %rem3A_704 = arith.remsi %add3A_665, %select_n3A_703 : i32
          %ne3A_705 = arith.constant 0 : i32
          %ne3A_706 = arith.cmpi ne, %rem3A_704, %ne3A_705 : i32
          %lt3A_707 = arith.constant 0 : i32
          %lt3A_708 = arith.cmpi slt, %rem3A_704, %lt3A_707 : i32
          %lt3A_709 = arith.constant 0 : i32
          %lt3A_710 = arith.cmpi slt, %select_n3A_703, %lt3A_709 : i32
          %ne3A_711 = arith.xori %lt3A_708, %lt3A_710 : i1
          %and3A_712 = arith.andi %ne3A_711, %ne3A_706 : i1
          %add3A_713 = arith.addi %rem3A_704, %select_n3A_703 : i32
          %select_n3A_714 = arith.select %and3A_712, %add3A_713, %rem3A_704 : i32
          %mul3A_715 = arith.constant 16 : i32
          %mul3A_716 = arith.muli %select_n3A_714, %mul3A_715 : i32
          %gather3A_717 = arith.constant 0 : i32
          %gather3A_718 = tpu.memref_slice %arg9[%gather3A_717] : memref<8000xf32, #tpu.memory_space<vmem>> -> memref<1000xf32, #tpu.memory_space<vmem>>
          %gather3A_719 = tpu.vector_load_idx %gather3A_718[%get3A_672] : memref<1000xf32, #tpu.memory_space<vmem>>[vector<16xi32>], vector<16xf32>,
          %gather3A_720 = arith.constant 1000 : i32
          %gather3A_721 = tpu.memref_slice %arg9[%gather3A_720] : memref<8000xf32, #tpu.memory_space<vmem>> -> memref<1000xf32, #tpu.memory_space<vmem>>
          %gather3A_722 = tpu.vector_load_idx %gather3A_721[%get3A_672] : memref<1000xf32, #tpu.memory_space<vmem>>[vector<16xi32>], vector<16xf32>,
          %gather3A_723 = arith.constant 2000 : i32
          %gather3A_724 = tpu.memref_slice %arg9[%gather3A_723] : memref<8000xf32, #tpu.memory_space<vmem>> -> memref<1000xf32, #tpu.memory_space<vmem>>
          %gather3A_725 = tpu.vector_load_idx %gather3A_724[%get3A_672] : memref<1000xf32, #tpu.memory_space<vmem>>[vector<16xi32>], vector<16xf32>,
          %gather3A_726 = arith.constant 3000 : i32
          %gather3A_727 = tpu.memref_slice %arg9[%gather3A_726] : memref<8000xf32, #tpu.memory_space<vmem>> -> memref<1000xf32, #tpu.memory_space<vmem>>
          %gather3A_728 = tpu.vector_load_idx %gather3A_727[%get3A_672] : memref<1000xf32, #tpu.memory_space<vmem>>[vector<16xi32>], vector<16xf32>,
          %gather3A_729 = arith.constant 4000 : i32
          %gather3A_730 = tpu.memref_slice %arg9[%gather3A_729] : memref<8000xf32, #tpu.memory_space<vmem>> -> memref<1000xf32, #tpu.memory_space<vmem>>
          %gather3A_731 = tpu.vector_load_idx %gather3A_730[%get3A_672] : memref<1000xf32, #tpu.memory_space<vmem>>[vector<16xi32>], vector<16xf32>,
          %gather3A_732 = arith.constant 5000 : i32
          %gather3A_733 = tpu.memref_slice %arg9[%gather3A_732] : memref<8000xf32, #tpu.memory_space<vmem>> -> memref<1000xf32, #tpu.memory_space<vmem>>
          %gather3A_734 = tpu.vector_load_idx %gather3A_733[%get3A_672] : memref<1000xf32, #tpu.memory_space<vmem>>[vector<16xi32>], vector<16xf32>,
          %gather3A_735 = arith.constant 6000 : i32
          %gather3A_736 = tpu.memref_slice %arg9[%gather3A_735] : memref<8000xf32, #tpu.memory_space<vmem>> -> memref<1000xf32, #tpu.memory_space<vmem>>
          %gather3A_737 = tpu.vector_load_idx %gather3A_736[%get3A_672] : memref<1000xf32, #tpu.memory_space<vmem>>[vector<16xi32>], vector<16xf32>,
          %gather3A_738 = arith.constant 7000 : i32
          %gather3A_739 = tpu.memref_slice %arg9[%gather3A_738] : memref<8000xf32, #tpu.memory_space<vmem>> -> memref<1000xf32, #tpu.memory_space<vmem>>
          %gather3A_740 = tpu.vector_load_idx %gather3A_739[%get3A_672] : memref<1000xf32, #tpu.memory_space<vmem>>[vector<16xi32>], vector<16xf32>,
          %gather3A_741 = arith.constant 0 : i32
          %gather3A_742 = tpu.memref_slice %arg10[%gather3A_741] : memref<8000xf32, #tpu.memory_space<vmem>> -> memref<1000xf32, #tpu.memory_space<vmem>>
          %gather3A_743 = tpu.vector_load_idx %gather3A_742[%get3A_674] : memref<1000xf32, #tpu.memory_space<vmem>>[vector<16xi32>], vector<16xf32>,
          %gather3A_744 = arith.constant 1000 : i32
          %gather3A_745 = tpu.memref_slice %arg10[%gather3A_744] : memref<8000xf32, #tpu.memory_space<vmem>> -> memref<1000xf32, #tpu.memory_space<vmem>>
          %gather3A_746 = tpu.vector_load_idx %gather3A_745[%get3A_674] : memref<1000xf32, #tpu.memory_space<vmem>>[vector<16xi32>], vector<16xf32>,
          %gather3A_747 = arith.constant 2000 : i32
          %gather3A_748 = tpu.memref_slice %arg10[%gather3A_747] : memref<8000xf32, #tpu.memory_space<vmem>> -> memref<1000xf32, #tpu.memory_space<vmem>>
          %gather3A_749 = tpu.vector_load_idx %gather3A_748[%get3A_674] : memref<1000xf32, #tpu.memory_space<vmem>>[vector<16xi32>], vector<16xf32>,
          %gather3A_750 = arith.constant 3000 : i32
          %gather3A_751 = tpu.memref_slice %arg10[%gather3A_750] : memref<8000xf32, #tpu.memory_space<vmem>> -> memref<1000xf32, #tpu.memory_space<vmem>>
          %gather3A_752 = tpu.vector_load_idx %gather3A_751[%get3A_674] : memref<1000xf32, #tpu.memory_space<vmem>>[vector<16xi32>], vector<16xf32>,
          %gather3A_753 = arith.constant 4000 : i32
          %gather3A_754 = tpu.memref_slice %arg10[%gather3A_753] : memref<8000xf32, #tpu.memory_space<vmem>> -> memref<1000xf32, #tpu.memory_space<vmem>>
          %gather3A_755 = tpu.vector_load_idx %gather3A_754[%get3A_674] : memref<1000xf32, #tpu.memory_space<vmem>>[vector<16xi32>], vector<16xf32>,
          %gather3A_756 = arith.constant 5000 : i32
          %gather3A_757 = tpu.memref_slice %arg10[%gather3A_756] : memref<8000xf32, #tpu.memory_space<vmem>> -> memref<1000xf32, #tpu.memory_space<vmem>>
          %gather3A_758 = tpu.vector_load_idx %gather3A_757[%get3A_674] : memref<1000xf32, #tpu.memory_space<vmem>>[vector<16xi32>], vector<16xf32>,
          %gather3A_759 = arith.constant 6000 : i32
          %gather3A_760 = tpu.memref_slice %arg10[%gather3A_759] : memref<8000xf32, #tpu.memory_space<vmem>> -> memref<1000xf32, #tpu.memory_space<vmem>>
          %gather3A_761 = tpu.vector_load_idx %gather3A_760[%get3A_674] : memref<1000xf32, #tpu.memory_space<vmem>>[vector<16xi32>], vector<16xf32>,
          %gather3A_762 = arith.constant 7000 : i32
          %gather3A_763 = tpu.memref_slice %arg10[%gather3A_762] : memref<8000xf32, #tpu.memory_space<vmem>> -> memref<1000xf32, #tpu.memory_space<vmem>>
          %gather3A_764 = tpu.vector_load_idx %gather3A_763[%get3A_674] : memref<1000xf32, #tpu.memory_space<vmem>>[vector<16xi32>], vector<16xf32>,
          %add3A_765 = arith.addf %gather3A_719, %gather3A_743 : vector<16xf32>
          %add3A_766 = arith.addf %gather3A_722, %gather3A_746 : vector<16xf32>
          %add3A_767 = arith.addf %gather3A_725, %gather3A_749 : vector<16xf32>
          %add3A_768 = arith.addf %gather3A_728, %gather3A_752 : vector<16xf32>
          %add3A_769 = arith.addf %gather3A_731, %gather3A_755 : vector<16xf32>
          %add3A_770 = arith.addf %gather3A_734, %gather3A_758 : vector<16xf32>
          %add3A_771 = arith.addf %gather3A_737, %gather3A_761 : vector<16xf32>
          %add3A_772 = arith.addf %gather3A_740, %gather3A_764 : vector<16xf32>
          %add3A_773 = arith.constant 0 : i32
          %add3A_774 = arith.addi %add3A_773, %mul3A_716 : i32
          %swap3A_775 = arith.index_cast %select_n3A_698 : i32 to index
          %swap3A_776 = arith.index_cast %add3A_774 : i32 to index
          %swap3A_777 = tpu.vector_load %arg14[%swap3A_775, %swap3A_776] {strides = array<i32>} : memref<4x1024xf32, #tpu.memory_space<vmem>>, vector<16xf32>,
          tpu.vector_store %arg14[%swap3A_775, %swap3A_776], %add3A_765 {strides = array<i32>} : memref<4x1024xf32, #tpu.memory_space<vmem>>, vector<16xf32>,
          %add3A_778 = arith.constant 128 : i32
          %add3A_779 = arith.addi %add3A_778, %mul3A_716 : i32
          %swap3A_780 = arith.index_cast %select_n3A_698 : i32 to index
          %swap3A_781 = arith.index_cast %add3A_779 : i32 to index
          %swap3A_782 = tpu.vector_load %arg14[%swap3A_780, %swap3A_781] {strides = array<i32>} : memref<4x1024xf32, #tpu.memory_space<vmem>>, vector<16xf32>,
          tpu.vector_store %arg14[%swap3A_780, %swap3A_781], %add3A_766 {strides = array<i32>} : memref<4x1024xf32, #tpu.memory_space<vmem>>, vector<16xf32>,
          %add3A_783 = arith.constant 256 : i32
          %add3A_784 = arith.addi %add3A_783, %mul3A_716 : i32
          %swap3A_785 = arith.index_cast %select_n3A_698 : i32 to index
          %swap3A_786 = arith.index_cast %add3A_784 : i32 to index
          %swap3A_787 = tpu.vector_load %arg14[%swap3A_785, %swap3A_786] {strides = array<i32>} : memref<4x1024xf32, #tpu.memory_space<vmem>>, vector<16xf32>,
          tpu.vector_store %arg14[%swap3A_785, %swap3A_786], %add3A_767 {strides = array<i32>} : memref<4x1024xf32, #tpu.memory_space<vmem>>, vector<16xf32>,
          %add3A_788 = arith.constant 384 : i32
          %add3A_789 = arith.addi %add3A_788, %mul3A_716 : i32
          %swap3A_790 = arith.index_cast %select_n3A_698 : i32 to index
          %swap3A_791 = arith.index_cast %add3A_789 : i32 to index
          %swap3A_792 = tpu.vector_load %arg14[%swap3A_790, %swap3A_791] {strides = array<i32>} : memref<4x1024xf32, #tpu.memory_space<vmem>>, vector<16xf32>,
          tpu.vector_store %arg14[%swap3A_790, %swap3A_791], %add3A_768 {strides = array<i32>} : memref<4x1024xf32, #tpu.memory_space<vmem>>, vector<16xf32>,
          %add3A_793 = arith.constant 512 : i32
          %add3A_794 = arith.addi %add3A_793, %mul3A_716 : i32
          %swap3A_795 = arith.index_cast %select_n3A_698 : i32 to index
          %swap3A_796 = arith.index_cast %add3A_794 : i32 to index
          %swap3A_797 = tpu.vector_load %arg14[%swap3A_795, %swap3A_796] {strides = array<i32>} : memref<4x1024xf32, #tpu.memory_space<vmem>>, vector<16xf32>,
          tpu.vector_store %arg14[%swap3A_795, %swap3A_796], %add3A_769 {strides = array<i32>} : memref<4x1024xf32, #tpu.memory_space<vmem>>, vector<16xf32>,
          %add3A_798 = arith.constant 640 : i32
          %add3A_799 = arith.addi %add3A_798, %mul3A_716 : i32
          %swap3A_800 = arith.index_cast %select_n3A_698 : i32 to index
          %swap3A_801 = arith.index_cast %add3A_799 : i32 to index
          %swap3A_802 = tpu.vector_load %arg14[%swap3A_800, %swap3A_801] {strides = array<i32>} : memref<4x1024xf32, #tpu.memory_space<vmem>>, vector<16xf32>,
          tpu.vector_store %arg14[%swap3A_800, %swap3A_801], %add3A_770 {strides = array<i32>} : memref<4x1024xf32, #tpu.memory_space<vmem>>, vector<16xf32>,
          %add3A_803 = arith.constant 768 : i32
          %add3A_804 = arith.addi %add3A_803, %mul3A_716 : i32
          %swap3A_805 = arith.index_cast %select_n3A_698 : i32 to index
          %swap3A_806 = arith.index_cast %add3A_804 : i32 to index
          %swap3A_807 = tpu.vector_load %arg14[%swap3A_805, %swap3A_806] {strides = array<i32>} : memref<4x1024xf32, #tpu.memory_space<vmem>>, vector<16xf32>,
          tpu.vector_store %arg14[%swap3A_805, %swap3A_806], %add3A_771 {strides = array<i32>} : memref<4x1024xf32, #tpu.memory_space<vmem>>, vector<16xf32>,
          %add3A_808 = arith.constant 896 : i32
          %add3A_809 = arith.addi %add3A_808, %mul3A_716 : i32
          %swap3A_810 = arith.index_cast %select_n3A_698 : i32 to index
          %swap3A_811 = arith.index_cast %add3A_809 : i32 to index
          %swap3A_812 = tpu.vector_load %arg14[%swap3A_810, %swap3A_811] {strides = array<i32>} : memref<4x1024xf32, #tpu.memory_space<vmem>>, vector<16xf32>,
          tpu.vector_store %arg14[%swap3A_810, %swap3A_811], %add3A_772 {strides = array<i32>} : memref<4x1024xf32, #tpu.memory_space<vmem>>, vector<16xf32>,
        }
        %scan3A_505 = arith.constant 16 : i32
        %mul3A_506 = arith.constant 4 : i32
        %mul3A_507 = arith.muli %add3A_490, %mul3A_506 : i32
        %add3A_508 = arith.addi %mul3A_455, %mul3A_507 : i32
        %dma_start3A_509 = arith.constant 0 : i32
        %dma_start3A_510 = tpu.memref_slice %arg6[%select_n3A_369, %select_n3A_425, %add3A_508, %dma_start3A_509] : memref<26x8x128x1024xf32, #tpu.memory_space<hbm>> -> memref<1x1x4x1024xf32, #tpu.memory_space<hbm>>
        %dma_start3A_511 = tpu.memref_squeeze %dma_start3A_510 : memref<1x1x4x1024xf32, #tpu.memory_space<hbm>> -> memref<4x1024xf32, #tpu.memory_space<hbm>>
        %dma_start3A_512 = arith.constant 0 : i32
        %dma_start3A_513 = tpu.memref_slice %arg6[%select_n3A_369, %select_n3A_425, %add3A_508, %dma_start3A_512] : memref<26x8x128x1024xf32, #tpu.memory_space<hbm>> -> memref<1x1x4x1024xf32, #tpu.memory_space<hbm>>
        %dma_start3A_514 = tpu.memref_squeeze %dma_start3A_513 : memref<1x1x4x1024xf32, #tpu.memory_space<hbm>> -> memref<4x1024xf32, #tpu.memory_space<hbm>>
        tpu.enqueue_dma source(%arg14 : memref<4x1024xf32, #tpu.memory_space<vmem>>) target(%dma_start3A_514 : memref<4x1024xf32, #tpu.memory_space<hbm>>) target_semaphore(%arg19 : memref<!tpu.dma_semaphore, #tpu.memory_space<semaphore_mem>>)
      }
      %scan3A_460 = arith.constant 8 : i32
    }
    %scan3A_90 = arith.constant 6 : i32
    %mul3A_91 = arith.constant 13 : i32
    %mul3A_92 = arith.muli %add3A, %mul3A_91 : i32
    %add3A_93 = arith.constant 12 : i32
    %add3A_94 = arith.addi %mul3A_92, %add3A_93 : i32
    %jit3A_95 = arith.constant 16 : i32
    %div3A_96 = arith.divsi %add3A_94, %jit3A_95 : i32
    %sign3A_97 = arith.constant 0 : i32
    %sign3A_98 = arith.cmpi sgt, %add3A_94, %sign3A_97 : i32
    %sign3A_99 = arith.extui %sign3A_98 : i1 to i32
    %sign3A_100 = arith.constant 0 : i32
    %sign3A_101 = arith.cmpi slt, %add3A_94, %sign3A_100 : i32
    %sign3A_102 = arith.extui %sign3A_101 : i1 to i32
    %sign3A_103 = arith.subi %sign3A_99, %sign3A_102 : i32
    %sign3A_104 = arith.constant 0 : i32
    %sign3A_105 = arith.cmpi sgt, %jit3A_95, %sign3A_104 : i32
    %sign3A_106 = arith.extui %sign3A_105 : i1 to i32
    %sign3A_107 = arith.constant 0 : i32
    %sign3A_108 = arith.cmpi slt, %jit3A_95, %sign3A_107 : i32
    %sign3A_109 = arith.extui %sign3A_108 : i1 to i32
    %sign3A_110 = arith.subi %sign3A_106, %sign3A_109 : i32
    %ne3A_111 = arith.cmpi ne, %sign3A_103, %sign3A_110 : i32
    %rem3A_112 = arith.remsi %add3A_94, %jit3A_95 : i32
    %ne3A_113 = arith.constant 0 : i32
    %ne3A_114 = arith.cmpi ne, %rem3A_112, %ne3A_113 : i32
    %and3A_115 = arith.andi %ne3A_111, %ne3A_114 : i1
    %sub3A_116 = arith.constant 1 : i32
    %sub3A_117 = arith.subi %div3A_96, %sub3A_116 : i32
    %select_n3A_118 = arith.select %and3A_115, %sub3A_117, %div3A_96 : i32
    %jit3A_119 = arith.constant 16 : i32
    %eq3A_120 = arith.constant 0 : i32
    %eq3A_121 = arith.cmpi eq, %jit3A_119, %eq3A_120 : i32
    %jit3A_122 = arith.constant 1 : i32
    %select_n3A_123 = arith.select %eq3A_121, %jit3A_122, %jit3A_119 : i32
    %rem3A_124 = arith.remsi %add3A_94, %select_n3A_123 : i32
    %ne3A_125 = arith.constant 0 : i32
    %ne3A_126 = arith.cmpi ne, %rem3A_124, %ne3A_125 : i32
    %lt3A_127 = arith.constant 0 : i32
    %lt3A_128 = arith.cmpi slt, %rem3A_124, %lt3A_127 : i32
    %lt3A_129 = arith.constant 0 : i32
    %lt3A_130 = arith.cmpi slt, %select_n3A_123, %lt3A_129 : i32
    %ne3A_131 = arith.xori %lt3A_128, %lt3A_130 : i1
    %and3A_132 = arith.andi %ne3A_131, %ne3A_126 : i1
    %add3A_133 = arith.addi %rem3A_124, %select_n3A_123 : i32
    %select_n3A_134 = arith.select %and3A_132, %add3A_133, %rem3A_124 : i32
    %jit3A_135 = arith.constant 8 : i32
    %div3A_136 = arith.divsi %select_n3A_134, %jit3A_135 : i32
    %sign3A_137 = arith.constant 0 : i32
    %sign3A_138 = arith.cmpi sgt, %select_n3A_134, %sign3A_137 : i32
    %sign3A_139 = arith.extui %sign3A_138 : i1 to i32
    %sign3A_140 = arith.constant 0 : i32
    %sign3A_141 = arith.cmpi slt, %select_n3A_134, %sign3A_140 : i32
    %sign3A_142 = arith.extui %sign3A_141 : i1 to i32
    %sign3A_143 = arith.subi %sign3A_139, %sign3A_142 : i32
    %sign3A_144 = arith.constant 0 : i32
    %sign3A_145 = arith.cmpi sgt, %jit3A_135, %sign3A_144 : i32
    %sign3A_146 = arith.extui %sign3A_145 : i1 to i32
    %sign3A_147 = arith.constant 0 : i32
    %sign3A_148 = arith.cmpi slt, %jit3A_135, %sign3A_147 : i32
    %sign3A_149 = arith.extui %sign3A_148 : i1 to i32
    %sign3A_150 = arith.subi %sign3A_146, %sign3A_149 : i32
    %ne3A_151 = arith.cmpi ne, %sign3A_143, %sign3A_150 : i32
    %rem3A_152 = arith.remsi %select_n3A_134, %jit3A_135 : i32
    %ne3A_153 = arith.constant 0 : i32
    %ne3A_154 = arith.cmpi ne, %rem3A_152, %ne3A_153 : i32
    %and3A_155 = arith.andi %ne3A_151, %ne3A_154 : i1
    %sub3A_156 = arith.constant 1 : i32
    %sub3A_157 = arith.subi %div3A_136, %sub3A_156 : i32
    %select_n3A_158 = arith.select %and3A_155, %sub3A_157, %div3A_136 : i32
    %jit3A_159 = arith.constant 8 : i32
    %eq3A_160 = arith.constant 0 : i32
    %eq3A_161 = arith.cmpi eq, %jit3A_159, %eq3A_160 : i32
    %jit3A_162 = arith.constant 1 : i32
    %select_n3A_163 = arith.select %eq3A_161, %jit3A_162, %jit3A_159 : i32
    %rem3A_164 = arith.remsi %select_n3A_134, %select_n3A_163 : i32
    %ne3A_165 = arith.constant 0 : i32
    %ne3A_166 = arith.cmpi ne, %rem3A_164, %ne3A_165 : i32
    %lt3A_167 = arith.constant 0 : i32
    %lt3A_168 = arith.cmpi slt, %rem3A_164, %lt3A_167 : i32
    %lt3A_169 = arith.constant 0 : i32
    %lt3A_170 = arith.cmpi slt, %select_n3A_163, %lt3A_169 : i32
    %ne3A_171 = arith.xori %lt3A_168, %lt3A_170 : i1
    %and3A_172 = arith.andi %ne3A_171, %ne3A_166 : i1
    %add3A_173 = arith.addi %rem3A_164, %select_n3A_163 : i32
    %select_n3A_174 = arith.select %and3A_172, %add3A_173, %rem3A_164 : i32
    %mul3A_175 = arith.constant 16384 : i32
    %mul3A_176 = arith.muli %select_n3A_118, %mul3A_175 : i32
    %mul3A_177 = arith.constant 8192 : i32
    %mul3A_178 = arith.muli %select_n3A_158, %mul3A_177 : i32
    %add3A_179 = arith.addi %mul3A_176, %mul3A_178 : i32
    %eq3A_180 = arith.constant 0 : i32
    %eq3A_181 = arith.cmpi eq, %select_n3A_174, %eq3A_180 : i32
    %or3A = arith.constant false
    %or3A_182 = arith.ori %or3A, %eq3A_181 : i1
    %convert_element_type3A = arith.extui %or3A_182 : i1 to i32
    %cond3A = arith.constant 0 : i32
    %cond3A_183 = arith.cmpi ne, %convert_element_type3A, %cond3A : i32
    scf.if %cond3A_183 {
      %dma_start3A_218 = tpu.memref_slice %arg2[%add3A_179] : memref<425984xi32, #tpu.memory_space<hbm>> -> memref<8192xi32, #tpu.memory_space<hbm>>
      %dma_start3A_219 = tpu.memref_slice %arg2[%add3A_179] : memref<425984xi32, #tpu.memory_space<hbm>> -> memref<8192xi32, #tpu.memory_space<hbm>>
      tpu.enqueue_dma source(%dma_start3A_219 : memref<8192xi32, #tpu.memory_space<hbm>>) target(%arg11 : memref<8192xi32, #tpu.memory_space<vmem>>) target_semaphore(%arg15 : memref<!tpu.dma_semaphore, #tpu.memory_space<semaphore_mem>>)
      %dma_start3A_220 = tpu.memref_slice %arg3[%add3A_179] : memref<425984xi32, #tpu.memory_space<hbm>> -> memref<8192xi32, #tpu.memory_space<hbm>>
      %dma_start3A_221 = tpu.memref_slice %arg3[%add3A_179] : memref<425984xi32, #tpu.memory_space<hbm>> -> memref<8192xi32, #tpu.memory_space<hbm>>
      tpu.enqueue_dma source(%dma_start3A_221 : memref<8192xi32, #tpu.memory_space<hbm>>) target(%arg12 : memref<8192xi32, #tpu.memory_space<vmem>>) target_semaphore(%arg15 : memref<!tpu.dma_semaphore, #tpu.memory_space<semaphore_mem>>)
      %dma_wait3A_222 = tpu.memref_slice %arg2[%add3A_179] : memref<425984xi32, #tpu.memory_space<hbm>> -> memref<8192xi32, #tpu.memory_space<hbm>>
      %dma_wait3A_223 = tpu.memref_slice %arg2[%add3A_179] : memref<425984xi32, #tpu.memory_space<hbm>> -> memref<8192xi32, #tpu.memory_space<hbm>>
      tpu.wait_dma2 semaphore(%arg15 : memref<!tpu.dma_semaphore, #tpu.memory_space<semaphore_mem>>) src(%dma_wait3A_223 : memref<8192xi32, #tpu.memory_space<hbm>>) dst(%arg11 : memref<8192xi32, #tpu.memory_space<vmem>>)
      %dma_wait3A_224 = tpu.memref_slice %arg3[%add3A_179] : memref<425984xi32, #tpu.memory_space<hbm>> -> memref<8192xi32, #tpu.memory_space<hbm>>
      %dma_wait3A_225 = tpu.memref_slice %arg3[%add3A_179] : memref<425984xi32, #tpu.memory_space<hbm>> -> memref<8192xi32, #tpu.memory_space<hbm>>
      tpu.wait_dma2 semaphore(%arg15 : memref<!tpu.dma_semaphore, #tpu.memory_space<semaphore_mem>>) src(%dma_wait3A_225 : memref<8192xi32, #tpu.memory_space<hbm>>) dst(%arg12 : memref<8192xi32, #tpu.memory_space<vmem>>)
    } else {
    }
    %dma_wait3A = arith.constant 0 : i32
    %dma_wait3A_184 = tpu.memref_slice %arg4[%dma_wait3A] : memref<1664000xf32, #tpu.memory_space<hbm>> -> memref<8000xf32, #tpu.memory_space<hbm>>
    %dma_wait3A_185 = arith.constant 0 : i32
    %dma_wait3A_186 = tpu.memref_slice %arg4[%dma_wait3A_185] : memref<1664000xf32, #tpu.memory_space<hbm>> -> memref<8000xf32, #tpu.memory_space<hbm>>
    tpu.wait_dma2 semaphore(%arg16 : memref<!tpu.dma_semaphore, #tpu.memory_space<semaphore_mem>>) src(%dma_wait3A_186 : memref<8000xf32, #tpu.memory_space<hbm>>) dst(%arg7 : memref<8000xf32, #tpu.memory_space<vmem>>)
    %dma_wait3A_187 = arith.constant 0 : i32
    %dma_wait3A_188 = tpu.memref_slice %arg5[%dma_wait3A_187] : memref<1664000xf32, #tpu.memory_space<hbm>> -> memref<8000xf32, #tpu.memory_space<hbm>>
    %dma_wait3A_189 = arith.constant 0 : i32
    %dma_wait3A_190 = tpu.memref_slice %arg5[%dma_wait3A_189] : memref<1664000xf32, #tpu.memory_space<hbm>> -> memref<8000xf32, #tpu.memory_space<hbm>>
    tpu.wait_dma2 semaphore(%arg16 : memref<!tpu.dma_semaphore, #tpu.memory_space<semaphore_mem>>) src(%dma_wait3A_190 : memref<8000xf32, #tpu.memory_space<hbm>>) dst(%arg8 : memref<8000xf32, #tpu.memory_space<vmem>>)
    %mul3A_191 = arith.constant 64 : i32
    %mul3A_192 = arith.muli %select_n3A_158, %mul3A_191 : i32
    %scan3A_193 = arith.constant 0 : i32
    %scan3A_194 = arith.constant 8 : i32
    %scan3A_195 = arith.addi %scan3A_193, %scan3A_194 : i32
    %scan3A_196 = arith.constant 1 : i32
    scf.for %scan3A_218 = %scan3A_193 to %scan3A_195 step %scan3A_196  : i32 {
      %mul3A_219 = arith.constant 2 : i32
      %mul3A_220 = arith.muli %scan3A_218, %mul3A_219 : i32
      %eq3A_221 = arith.constant 0 : i32
      %eq3A_222 = arith.cmpi eq, %scan3A_218, %eq3A_221 : i32
      %and3A_223 = arith.constant false
      %and3A_224 = arith.andi %and3A_223, %eq3A_222 : i1
      %not3A = arith.constant true
      %not3A_225 = arith.xori %and3A_224, %not3A : i1
      %convert_element_type3A_226 = arith.extui %not3A_225 : i1 to i32
      %cond3A_227 = arith.constant 0 : i32
      %cond3A_228 = arith.cmpi ne, %convert_element_type3A_226, %cond3A_227 : i32
      scf.if %cond3A_228 {
        %dma_wait3A_270 = arith.constant 0 : i32
        %dma_wait3A_271 = arith.constant 0 : i32
        %dma_wait3A_272 = arith.constant 0 : i32
        %dma_wait3A_273 = arith.constant 0 : i32
        %dma_wait3A_274 = tpu.memref_slice %arg6[%dma_wait3A_270, %dma_wait3A_271, %dma_wait3A_272, %dma_wait3A_273] : memref<26x8x128x1024xf32, #tpu.memory_space<hbm>> -> memref<1x1x4x1024xf32, #tpu.memory_space<hbm>>
        %dma_wait3A_275 = tpu.memref_squeeze %dma_wait3A_274 : memref<1x1x4x1024xf32, #tpu.memory_space<hbm>> -> memref<4x1024xf32, #tpu.memory_space<hbm>>
        %dma_wait3A_276 = arith.constant 0 : i32
        %dma_wait3A_277 = arith.constant 0 : i32
        %dma_wait3A_278 = tpu.memref_slice %arg6[%dma_wait3A_270, %dma_wait3A_271, %dma_wait3A_276, %dma_wait3A_277] : memref<26x8x128x1024xf32, #tpu.memory_space<hbm>> -> memref<1x1x4x1024xf32, #tpu.memory_space<hbm>>
        %dma_wait3A_279 = tpu.memref_squeeze %dma_wait3A_278 : memref<1x1x4x1024xf32, #tpu.memory_space<hbm>> -> memref<4x1024xf32, #tpu.memory_space<hbm>>
        tpu.wait_dma2 semaphore(%arg18 : memref<!tpu.dma_semaphore, #tpu.memory_space<semaphore_mem>>) src(%arg13 : memref<4x1024xf32, #tpu.memory_space<vmem>>) dst(%dma_wait3A_279 : memref<4x1024xf32, #tpu.memory_space<hbm>>)
      } else {
      }
      %scan3A_229 = arith.constant 0 : i32
      %scan3A_230 = arith.constant 16 : i32
      %scan3A_231 = arith.addi %scan3A_229, %scan3A_230 : i32
      %scan3A_232 = arith.constant 1 : i32
      scf.for %scan3A_270 = %scan3A_229 to %scan3A_231 step %scan3A_232  : i32 {
        %mul3A_271 = arith.constant 2 : i32
        %mul3A_272 = arith.muli %scan3A_270, %mul3A_271 : i32
        %mul3A_273 = arith.constant 512 : i32
        %mul3A_274 = arith.muli %mul3A_220, %mul3A_273 : i32
        %mul3A_275 = arith.constant 16 : i32
        %mul3A_276 = arith.muli %mul3A_272, %mul3A_275 : i32
        %add3A_277 = arith.addi %mul3A_274, %mul3A_276 : i32
        %get3A = arith.index_cast %add3A_277 : i32 to index
        %get3A_278 = tpu.vector_load %arg11[%get3A] {strides = array<i32>} : memref<8192xi32, #tpu.memory_space<vmem>>, vector<16xi32>,
        %get3A_279 = arith.index_cast %add3A_277 : i32 to index
        %get3A_280 = tpu.vector_load %arg12[%get3A_279] {strides = array<i32>} : memref<8192xi32, #tpu.memory_space<vmem>>, vector<16xi32>,
        %jit3A_281 = arith.constant 8 : i32
        %div3A_282 = arith.divsi %mul3A_272, %jit3A_281 : i32
        %sign3A_283 = arith.constant 0 : i32
        %sign3A_284 = arith.cmpi sgt, %mul3A_272, %sign3A_283 : i32
        %sign3A_285 = arith.extui %sign3A_284 : i1 to i32
        %sign3A_286 = arith.constant 0 : i32
        %sign3A_287 = arith.cmpi slt, %mul3A_272, %sign3A_286 : i32
        %sign3A_288 = arith.extui %sign3A_287 : i1 to i32
        %sign3A_289 = arith.subi %sign3A_285, %sign3A_288 : i32
        %sign3A_290 = arith.constant 0 : i32
        %sign3A_291 = arith.cmpi sgt, %jit3A_281, %sign3A_290 : i32
        %sign3A_292 = arith.extui %sign3A_291 : i1 to i32
        %sign3A_293 = arith.constant 0 : i32
        %sign3A_294 = arith.cmpi slt, %jit3A_281, %sign3A_293 : i32
        %sign3A_295 = arith.extui %sign3A_294 : i1 to i32
        %sign3A_296 = arith.subi %sign3A_292, %sign3A_295 : i32
        %ne3A_297 = arith.cmpi ne, %sign3A_289, %sign3A_296 : i32
        %rem3A_298 = arith.remsi %mul3A_272, %jit3A_281 : i32
        %ne3A_299 = arith.constant 0 : i32
        %ne3A_300 = arith.cmpi ne, %rem3A_298, %ne3A_299 : i32
        %and3A_301 = arith.andi %ne3A_297, %ne3A_300 : i1
        %sub3A_302 = arith.constant 1 : i32
        %sub3A_303 = arith.subi %div3A_282, %sub3A_302 : i32
        %select_n3A_304 = arith.select %and3A_301, %sub3A_303, %div3A_282 : i32
        %jit3A_305 = arith.constant 8 : i32
        %eq3A_306 = arith.constant 0 : i32
        %eq3A_307 = arith.cmpi eq, %jit3A_305, %eq3A_306 : i32
        %jit3A_308 = arith.constant 1 : i32
        %select_n3A_309 = arith.select %eq3A_307, %jit3A_308, %jit3A_305 : i32
        %rem3A_310 = arith.remsi %mul3A_272, %select_n3A_309 : i32
        %ne3A_311 = arith.constant 0 : i32
        %ne3A_312 = arith.cmpi ne, %rem3A_310, %ne3A_311 : i32
        %lt3A_313 = arith.constant 0 : i32
        %lt3A_314 = arith.cmpi slt, %rem3A_310, %lt3A_313 : i32
        %lt3A_315 = arith.constant 0 : i32
        %lt3A_316 = arith.cmpi slt, %select_n3A_309, %lt3A_315 : i32
        %ne3A_317 = arith.xori %lt3A_314, %lt3A_316 : i1
        %and3A_318 = arith.andi %ne3A_317, %ne3A_312 : i1
        %add3A_319 = arith.addi %rem3A_310, %select_n3A_309 : i32
        %select_n3A_320 = arith.select %and3A_318, %add3A_319, %rem3A_310 : i32
        %mul3A_321 = arith.constant 16 : i32
        %mul3A_322 = arith.muli %select_n3A_320, %mul3A_321 : i32
        %gather3A = arith.constant 0 : i32
        %gather3A_323 = tpu.memref_slice %arg7[%gather3A] : memref<8000xf32, #tpu.memory_space<vmem>> -> memref<1000xf32, #tpu.memory_space<vmem>>
        %gather3A_324 = tpu.vector_load_idx %gather3A_323[%get3A_278] : memref<1000xf32, #tpu.memory_space<vmem>>[vector<16xi32>], vector<16xf32>,
        %gather3A_325 = arith.constant 1000 : i32
        %gather3A_326 = tpu.memref_slice %arg7[%gather3A_325] : memref<8000xf32, #tpu.memory_space<vmem>> -> memref<1000xf32, #tpu.memory_space<vmem>>
        %gather3A_327 = tpu.vector_load_idx %gather3A_326[%get3A_278] : memref<1000xf32, #tpu.memory_space<vmem>>[vector<16xi32>], vector<16xf32>,
        %gather3A_328 = arith.constant 2000 : i32
        %gather3A_329 = tpu.memref_slice %arg7[%gather3A_328] : memref<8000xf32, #tpu.memory_space<vmem>> -> memref<1000xf32, #tpu.memory_space<vmem>>
        %gather3A_330 = tpu.vector_load_idx %gather3A_329[%get3A_278] : memref<1000xf32, #tpu.memory_space<vmem>>[vector<16xi32>], vector<16xf32>,
        %gather3A_331 = arith.constant 3000 : i32
        %gather3A_332 = tpu.memref_slice %arg7[%gather3A_331] : memref<8000xf32, #tpu.memory_space<vmem>> -> memref<1000xf32, #tpu.memory_space<vmem>>
        %gather3A_333 = tpu.vector_load_idx %gather3A_332[%get3A_278] : memref<1000xf32, #tpu.memory_space<vmem>>[vector<16xi32>], vector<16xf32>,
        %gather3A_334 = arith.constant 4000 : i32
        %gather3A_335 = tpu.memref_slice %arg7[%gather3A_334] : memref<8000xf32, #tpu.memory_space<vmem>> -> memref<1000xf32, #tpu.memory_space<vmem>>
        %gather3A_336 = tpu.vector_load_idx %gather3A_335[%get3A_278] : memref<1000xf32, #tpu.memory_space<vmem>>[vector<16xi32>], vector<16xf32>,
        %gather3A_337 = arith.constant 5000 : i32
        %gather3A_338 = tpu.memref_slice %arg7[%gather3A_337] : memref<8000xf32, #tpu.memory_space<vmem>> -> memref<1000xf32, #tpu.memory_space<vmem>>
        %gather3A_339 = tpu.vector_load_idx %gather3A_338[%get3A_278] : memref<1000xf32, #tpu.memory_space<vmem>>[vector<16xi32>], vector<16xf32>,
        %gather3A_340 = arith.constant 6000 : i32
        %gather3A_341 = tpu.memref_slice %arg7[%gather3A_340] : memref<8000xf32, #tpu.memory_space<vmem>> -> memref<1000xf32, #tpu.memory_space<vmem>>
        %gather3A_342 = tpu.vector_load_idx %gather3A_341[%get3A_278] : memref<1000xf32, #tpu.memory_space<vmem>>[vector<16xi32>], vector<16xf32>,
        %gather3A_343 = arith.constant 7000 : i32
        %gather3A_344 = tpu.memref_slice %arg7[%gather3A_343] : memref<8000xf32, #tpu.memory_space<vmem>> -> memref<1000xf32, #tpu.memory_space<vmem>>
        %gather3A_345 = tpu.vector_load_idx %gather3A_344[%get3A_278] : memref<1000xf32, #tpu.memory_space<vmem>>[vector<16xi32>], vector<16xf32>,
        %gather3A_346 = arith.constant 0 : i32
        %gather3A_347 = tpu.memref_slice %arg8[%gather3A_346] : memref<8000xf32, #tpu.memory_space<vmem>> -> memref<1000xf32, #tpu.memory_space<vmem>>
        %gather3A_348 = tpu.vector_load_idx %gather3A_347[%get3A_280] : memref<1000xf32, #tpu.memory_space<vmem>>[vector<16xi32>], vector<16xf32>,
        %gather3A_349 = arith.constant 1000 : i32
        %gather3A_350 = tpu.memref_slice %arg8[%gather3A_349] : memref<8000xf32, #tpu.memory_space<vmem>> -> memref<1000xf32, #tpu.memory_space<vmem>>
        %gather3A_351 = tpu.vector_load_idx %gather3A_350[%get3A_280] : memref<1000xf32, #tpu.memory_space<vmem>>[vector<16xi32>], vector<16xf32>,
        %gather3A_352 = arith.constant 2000 : i32
        %gather3A_353 = tpu.memref_slice %arg8[%gather3A_352] : memref<8000xf32, #tpu.memory_space<vmem>> -> memref<1000xf32, #tpu.memory_space<vmem>>
        %gather3A_354 = tpu.vector_load_idx %gather3A_353[%get3A_280] : memref<1000xf32, #tpu.memory_space<vmem>>[vector<16xi32>], vector<16xf32>,
        %gather3A_355 = arith.constant 3000 : i32
        %gather3A_356 = tpu.memref_slice %arg8[%gather3A_355] : memref<8000xf32, #tpu.memory_space<vmem>> -> memref<1000xf32, #tpu.memory_space<vmem>>
        %gather3A_357 = tpu.vector_load_idx %gather3A_356[%get3A_280] : memref<1000xf32, #tpu.memory_space<vmem>>[vector<16xi32>], vector<16xf32>,
        %gather3A_358 = arith.constant 4000 : i32
        %gather3A_359 = tpu.memref_slice %arg8[%gather3A_358] : memref<8000xf32, #tpu.memory_space<vmem>> -> memref<1000xf32, #tpu.memory_space<vmem>>
        %gather3A_360 = tpu.vector_load_idx %gather3A_359[%get3A_280] : memref<1000xf32, #tpu.memory_space<vmem>>[vector<16xi32>], vector<16xf32>,
        %gather3A_361 = arith.constant 5000 : i32
        %gather3A_362 = tpu.memref_slice %arg8[%gather3A_361] : memref<8000xf32, #tpu.memory_space<vmem>> -> memref<1000xf32, #tpu.memory_space<vmem>>
        %gather3A_363 = tpu.vector_load_idx %gather3A_362[%get3A_280] : memref<1000xf32, #tpu.memory_space<vmem>>[vector<16xi32>], vector<16xf32>,
        %gather3A_364 = arith.constant 6000 : i32
        %gather3A_365 = tpu.memref_slice %arg8[%gather3A_364] : memref<8000xf32, #tpu.memory_space<vmem>> -> memref<1000xf32, #tpu.memory_space<vmem>>
        %gather3A_366 = tpu.vector_load_idx %gather3A_365[%get3A_280] : memref<1000xf32, #tpu.memory_space<vmem>>[vector<16xi32>], vector<16xf32>,
        %gather3A_367 = arith.constant 7000 : i32
        %gather3A_368 = tpu.memref_slice %arg8[%gather3A_367] : memref<8000xf32, #tpu.memory_space<vmem>> -> memref<1000xf32, #tpu.memory_space<vmem>>
        %gather3A_369 = tpu.vector_load_idx %gather3A_368[%get3A_280] : memref<1000xf32, #tpu.memory_space<vmem>>[vector<16xi32>], vector<16xf32>,
        %add3A_370 = arith.addf %gather3A_324, %gather3A_348 : vector<16xf32>
        %add3A_371 = arith.addf %gather3A_327, %gather3A_351 : vector<16xf32>
        %add3A_372 = arith.addf %gather3A_330, %gather3A_354 : vector<16xf32>
        %add3A_373 = arith.addf %gather3A_333, %gather3A_357 : vector<16xf32>
        %add3A_374 = arith.addf %gather3A_336, %gather3A_360 : vector<16xf32>
        %add3A_375 = arith.addf %gather3A_339, %gather3A_363 : vector<16xf32>
        %add3A_376 = arith.addf %gather3A_342, %gather3A_366 : vector<16xf32>
        %add3A_377 = arith.addf %gather3A_345, %gather3A_369 : vector<16xf32>
        %add3A_378 = arith.constant 0 : i32
        %add3A_379 = arith.addi %add3A_378, %mul3A_322 : i32
        %swap3A = arith.index_cast %select_n3A_304 : i32 to index
        %swap3A_380 = arith.index_cast %add3A_379 : i32 to index
        %swap3A_381 = tpu.vector_load %arg13[%swap3A, %swap3A_380] {strides = array<i32>} : memref<4x1024xf32, #tpu.memory_space<vmem>>, vector<16xf32>,
        tpu.vector_store %arg13[%swap3A, %swap3A_380], %add3A_370 {strides = array<i32>} : memref<4x1024xf32, #tpu.memory_space<vmem>>, vector<16xf32>,
        %add3A_382 = arith.constant 128 : i32
        %add3A_383 = arith.addi %add3A_382, %mul3A_322 : i32
        %swap3A_384 = arith.index_cast %select_n3A_304 : i32 to index
        %swap3A_385 = arith.index_cast %add3A_383 : i32 to index
        %swap3A_386 = tpu.vector_load %arg13[%swap3A_384, %swap3A_385] {strides = array<i32>} : memref<4x1024xf32, #tpu.memory_space<vmem>>, vector<16xf32>,
        tpu.vector_store %arg13[%swap3A_384, %swap3A_385], %add3A_371 {strides = array<i32>} : memref<4x1024xf32, #tpu.memory_space<vmem>>, vector<16xf32>,
        %add3A_387 = arith.constant 256 : i32
        %add3A_388 = arith.addi %add3A_387, %mul3A_322 : i32
        %swap3A_389 = arith.index_cast %select_n3A_304 : i32 to index
        %swap3A_390 = arith.index_cast %add3A_388 : i32 to index
        %swap3A_391 = tpu.vector_load %arg13[%swap3A_389, %swap3A_390] {strides = array<i32>} : memref<4x1024xf32, #tpu.memory_space<vmem>>, vector<16xf32>,
        tpu.vector_store %arg13[%swap3A_389, %swap3A_390], %add3A_372 {strides = array<i32>} : memref<4x1024xf32, #tpu.memory_space<vmem>>, vector<16xf32>,
        %add3A_392 = arith.constant 384 : i32
        %add3A_393 = arith.addi %add3A_392, %mul3A_322 : i32
        %swap3A_394 = arith.index_cast %select_n3A_304 : i32 to index
        %swap3A_395 = arith.index_cast %add3A_393 : i32 to index
        %swap3A_396 = tpu.vector_load %arg13[%swap3A_394, %swap3A_395] {strides = array<i32>} : memref<4x1024xf32, #tpu.memory_space<vmem>>, vector<16xf32>,
        tpu.vector_store %arg13[%swap3A_394, %swap3A_395], %add3A_373 {strides = array<i32>} : memref<4x1024xf32, #tpu.memory_space<vmem>>, vector<16xf32>,
        %add3A_397 = arith.constant 512 : i32
        %add3A_398 = arith.addi %add3A_397, %mul3A_322 : i32
        %swap3A_399 = arith.index_cast %select_n3A_304 : i32 to index
        %swap3A_400 = arith.index_cast %add3A_398 : i32 to index
        %swap3A_401 = tpu.vector_load %arg13[%swap3A_399, %swap3A_400] {strides = array<i32>} : memref<4x1024xf32, #tpu.memory_space<vmem>>, vector<16xf32>,
        tpu.vector_store %arg13[%swap3A_399, %swap3A_400], %add3A_374 {strides = array<i32>} : memref<4x1024xf32, #tpu.memory_space<vmem>>, vector<16xf32>,
        %add3A_402 = arith.constant 640 : i32
        %add3A_403 = arith.addi %add3A_402, %mul3A_322 : i32
        %swap3A_404 = arith.index_cast %select_n3A_304 : i32 to index
        %swap3A_405 = arith.index_cast %add3A_403 : i32 to index
        %swap3A_406 = tpu.vector_load %arg13[%swap3A_404, %swap3A_405] {strides = array<i32>} : memref<4x1024xf32, #tpu.memory_space<vmem>>, vector<16xf32>,
        tpu.vector_store %arg13[%swap3A_404, %swap3A_405], %add3A_375 {strides = array<i32>} : memref<4x1024xf32, #tpu.memory_space<vmem>>, vector<16xf32>,
        %add3A_407 = arith.constant 768 : i32
        %add3A_408 = arith.addi %add3A_407, %mul3A_322 : i32
        %swap3A_409 = arith.index_cast %select_n3A_304 : i32 to index
        %swap3A_410 = arith.index_cast %add3A_408 : i32 to index
        %swap3A_411 = tpu.vector_load %arg13[%swap3A_409, %swap3A_410] {strides = array<i32>} : memref<4x1024xf32, #tpu.memory_space<vmem>>, vector<16xf32>,
        tpu.vector_store %arg13[%swap3A_409, %swap3A_410], %add3A_376 {strides = array<i32>} : memref<4x1024xf32, #tpu.memory_space<vmem>>, vector<16xf32>,
        %add3A_412 = arith.constant 896 : i32
        %add3A_413 = arith.addi %add3A_412, %mul3A_322 : i32
        %swap3A_414 = arith.index_cast %select_n3A_304 : i32 to index
        %swap3A_415 = arith.index_cast %add3A_413 : i32 to index
        %swap3A_416 = tpu.vector_load %arg13[%swap3A_414, %swap3A_415] {strides = array<i32>} : memref<4x1024xf32, #tpu.memory_space<vmem>>, vector<16xf32>,
        tpu.vector_store %arg13[%swap3A_414, %swap3A_415], %add3A_377 {strides = array<i32>} : memref<4x1024xf32, #tpu.memory_space<vmem>>, vector<16xf32>,
        %mul3A_417 = arith.constant 2 : i32
        %mul3A_418 = arith.muli %scan3A_270, %mul3A_417 : i32
        %add3A_419 = arith.constant 1 : i32
        %add3A_420 = arith.addi %mul3A_418, %add3A_419 : i32
        %mul3A_421 = arith.constant 512 : i32
        %mul3A_422 = arith.muli %mul3A_220, %mul3A_421 : i32
        %mul3A_423 = arith.constant 16 : i32
        %mul3A_424 = arith.muli %add3A_420, %mul3A_423 : i32
        %add3A_425 = arith.addi %mul3A_422, %mul3A_424 : i32
        %get3A_426 = arith.index_cast %add3A_425 : i32 to index
        %get3A_427 = tpu.vector_load %arg11[%get3A_426] {strides = array<i32>} : memref<8192xi32, #tpu.memory_space<vmem>>, vector<16xi32>,
        %get3A_428 = arith.index_cast %add3A_425 : i32 to index
        %get3A_429 = tpu.vector_load %arg12[%get3A_428] {strides = array<i32>} : memref<8192xi32, #tpu.memory_space<vmem>>, vector<16xi32>,
        %jit3A_430 = arith.constant 8 : i32
        %div3A_431 = arith.divsi %add3A_420, %jit3A_430 : i32
        %sign3A_432 = arith.constant 0 : i32
        %sign3A_433 = arith.cmpi sgt, %add3A_420, %sign3A_432 : i32
        %sign3A_434 = arith.extui %sign3A_433 : i1 to i32
        %sign3A_435 = arith.constant 0 : i32
        %sign3A_436 = arith.cmpi slt, %add3A_420, %sign3A_435 : i32
        %sign3A_437 = arith.extui %sign3A_436 : i1 to i32
        %sign3A_438 = arith.subi %sign3A_434, %sign3A_437 : i32
        %sign3A_439 = arith.constant 0 : i32
        %sign3A_440 = arith.cmpi sgt, %jit3A_430, %sign3A_439 : i32
        %sign3A_441 = arith.extui %sign3A_440 : i1 to i32
        %sign3A_442 = arith.constant 0 : i32
        %sign3A_443 = arith.cmpi slt, %jit3A_430, %sign3A_442 : i32
        %sign3A_444 = arith.extui %sign3A_443 : i1 to i32
        %sign3A_445 = arith.subi %sign3A_441, %sign3A_444 : i32
        %ne3A_446 = arith.cmpi ne, %sign3A_438, %sign3A_445 : i32
        %rem3A_447 = arith.remsi %add3A_420, %jit3A_430 : i32
        %ne3A_448 = arith.constant 0 : i32
        %ne3A_449 = arith.cmpi ne, %rem3A_447, %ne3A_448 : i32
        %and3A_450 = arith.andi %ne3A_446, %ne3A_449 : i1
        %sub3A_451 = arith.constant 1 : i32
        %sub3A_452 = arith.subi %div3A_431, %sub3A_451 : i32
        %select_n3A_453 = arith.select %and3A_450, %sub3A_452, %div3A_431 : i32
        %jit3A_454 = arith.constant 8 : i32
        %eq3A_455 = arith.constant 0 : i32
        %eq3A_456 = arith.cmpi eq, %jit3A_454, %eq3A_455 : i32
        %jit3A_457 = arith.constant 1 : i32
        %select_n3A_458 = arith.select %eq3A_456, %jit3A_457, %jit3A_454 : i32
        %rem3A_459 = arith.remsi %add3A_420, %select_n3A_458 : i32
        %ne3A_460 = arith.constant 0 : i32
        %ne3A_461 = arith.cmpi ne, %rem3A_459, %ne3A_460 : i32
        %lt3A_462 = arith.constant 0 : i32
        %lt3A_463 = arith.cmpi slt, %rem3A_459, %lt3A_462 : i32
        %lt3A_464 = arith.constant 0 : i32
        %lt3A_465 = arith.cmpi slt, %select_n3A_458, %lt3A_464 : i32
        %ne3A_466 = arith.xori %lt3A_463, %lt3A_465 : i1
        %and3A_467 = arith.andi %ne3A_466, %ne3A_461 : i1
        %add3A_468 = arith.addi %rem3A_459, %select_n3A_458 : i32
        %select_n3A_469 = arith.select %and3A_467, %add3A_468, %rem3A_459 : i32
        %mul3A_470 = arith.constant 16 : i32
        %mul3A_471 = arith.muli %select_n3A_469, %mul3A_470 : i32
        %gather3A_472 = arith.constant 0 : i32
        %gather3A_473 = tpu.memref_slice %arg7[%gather3A_472] : memref<8000xf32, #tpu.memory_space<vmem>> -> memref<1000xf32, #tpu.memory_space<vmem>>
        %gather3A_474 = tpu.vector_load_idx %gather3A_473[%get3A_427] : memref<1000xf32, #tpu.memory_space<vmem>>[vector<16xi32>], vector<16xf32>,
        %gather3A_475 = arith.constant 1000 : i32
        %gather3A_476 = tpu.memref_slice %arg7[%gather3A_475] : memref<8000xf32, #tpu.memory_space<vmem>> -> memref<1000xf32, #tpu.memory_space<vmem>>
        %gather3A_477 = tpu.vector_load_idx %gather3A_476[%get3A_427] : memref<1000xf32, #tpu.memory_space<vmem>>[vector<16xi32>], vector<16xf32>,
        %gather3A_478 = arith.constant 2000 : i32
        %gather3A_479 = tpu.memref_slice %arg7[%gather3A_478] : memref<8000xf32, #tpu.memory_space<vmem>> -> memref<1000xf32, #tpu.memory_space<vmem>>
        %gather3A_480 = tpu.vector_load_idx %gather3A_479[%get3A_427] : memref<1000xf32, #tpu.memory_space<vmem>>[vector<16xi32>], vector<16xf32>,
        %gather3A_481 = arith.constant 3000 : i32
        %gather3A_482 = tpu.memref_slice %arg7[%gather3A_481] : memref<8000xf32, #tpu.memory_space<vmem>> -> memref<1000xf32, #tpu.memory_space<vmem>>
        %gather3A_483 = tpu.vector_load_idx %gather3A_482[%get3A_427] : memref<1000xf32, #tpu.memory_space<vmem>>[vector<16xi32>], vector<16xf32>,
        %gather3A_484 = arith.constant 4000 : i32
        %gather3A_485 = tpu.memref_slice %arg7[%gather3A_484] : memref<8000xf32, #tpu.memory_space<vmem>> -> memref<1000xf32, #tpu.memory_space<vmem>>
        %gather3A_486 = tpu.vector_load_idx %gather3A_485[%get3A_427] : memref<1000xf32, #tpu.memory_space<vmem>>[vector<16xi32>], vector<16xf32>,
        %gather3A_487 = arith.constant 5000 : i32
        %gather3A_488 = tpu.memref_slice %arg7[%gather3A_487] : memref<8000xf32, #tpu.memory_space<vmem>> -> memref<1000xf32, #tpu.memory_space<vmem>>
        %gather3A_489 = tpu.vector_load_idx %gather3A_488[%get3A_427] : memref<1000xf32, #tpu.memory_space<vmem>>[vector<16xi32>], vector<16xf32>,
        %gather3A_490 = arith.constant 6000 : i32
        %gather3A_491 = tpu.memref_slice %arg7[%gather3A_490] : memref<8000xf32, #tpu.memory_space<vmem>> -> memref<1000xf32, #tpu.memory_space<vmem>>
        %gather3A_492 = tpu.vector_load_idx %gather3A_491[%get3A_427] : memref<1000xf32, #tpu.memory_space<vmem>>[vector<16xi32>], vector<16xf32>,
        %gather3A_493 = arith.constant 7000 : i32
        %gather3A_494 = tpu.memref_slice %arg7[%gather3A_493] : memref<8000xf32, #tpu.memory_space<vmem>> -> memref<1000xf32, #tpu.memory_space<vmem>>
        %gather3A_495 = tpu.vector_load_idx %gather3A_494[%get3A_427] : memref<1000xf32, #tpu.memory_space<vmem>>[vector<16xi32>], vector<16xf32>,
        %gather3A_496 = arith.constant 0 : i32
        %gather3A_497 = tpu.memref_slice %arg8[%gather3A_496] : memref<8000xf32, #tpu.memory_space<vmem>> -> memref<1000xf32, #tpu.memory_space<vmem>>
        %gather3A_498 = tpu.vector_load_idx %gather3A_497[%get3A_429] : memref<1000xf32, #tpu.memory_space<vmem>>[vector<16xi32>], vector<16xf32>,
        %gather3A_499 = arith.constant 1000 : i32
        %gather3A_500 = tpu.memref_slice %arg8[%gather3A_499] : memref<8000xf32, #tpu.memory_space<vmem>> -> memref<1000xf32, #tpu.memory_space<vmem>>
        %gather3A_501 = tpu.vector_load_idx %gather3A_500[%get3A_429] : memref<1000xf32, #tpu.memory_space<vmem>>[vector<16xi32>], vector<16xf32>,
        %gather3A_502 = arith.constant 2000 : i32
        %gather3A_503 = tpu.memref_slice %arg8[%gather3A_502] : memref<8000xf32, #tpu.memory_space<vmem>> -> memref<1000xf32, #tpu.memory_space<vmem>>
        %gather3A_504 = tpu.vector_load_idx %gather3A_503[%get3A_429] : memref<1000xf32, #tpu.memory_space<vmem>>[vector<16xi32>], vector<16xf32>,
        %gather3A_505 = arith.constant 3000 : i32
        %gather3A_506 = tpu.memref_slice %arg8[%gather3A_505] : memref<8000xf32, #tpu.memory_space<vmem>> -> memref<1000xf32, #tpu.memory_space<vmem>>
        %gather3A_507 = tpu.vector_load_idx %gather3A_506[%get3A_429] : memref<1000xf32, #tpu.memory_space<vmem>>[vector<16xi32>], vector<16xf32>,
        %gather3A_508 = arith.constant 4000 : i32
        %gather3A_509 = tpu.memref_slice %arg8[%gather3A_508] : memref<8000xf32, #tpu.memory_space<vmem>> -> memref<1000xf32, #tpu.memory_space<vmem>>
        %gather3A_510 = tpu.vector_load_idx %gather3A_509[%get3A_429] : memref<1000xf32, #tpu.memory_space<vmem>>[vector<16xi32>], vector<16xf32>,
        %gather3A_511 = arith.constant 5000 : i32
        %gather3A_512 = tpu.memref_slice %arg8[%gather3A_511] : memref<8000xf32, #tpu.memory_space<vmem>> -> memref<1000xf32, #tpu.memory_space<vmem>>
        %gather3A_513 = tpu.vector_load_idx %gather3A_512[%get3A_429] : memref<1000xf32, #tpu.memory_space<vmem>>[vector<16xi32>], vector<16xf32>,
        %gather3A_514 = arith.constant 6000 : i32
        %gather3A_515 = tpu.memref_slice %arg8[%gather3A_514] : memref<8000xf32, #tpu.memory_space<vmem>> -> memref<1000xf32, #tpu.memory_space<vmem>>
        %gather3A_516 = tpu.vector_load_idx %gather3A_515[%get3A_429] : memref<1000xf32, #tpu.memory_space<vmem>>[vector<16xi32>], vector<16xf32>,
        %gather3A_517 = arith.constant 7000 : i32
        %gather3A_518 = tpu.memref_slice %arg8[%gather3A_517] : memref<8000xf32, #tpu.memory_space<vmem>> -> memref<1000xf32, #tpu.memory_space<vmem>>
        %gather3A_519 = tpu.vector_load_idx %gather3A_518[%get3A_429] : memref<1000xf32, #tpu.memory_space<vmem>>[vector<16xi32>], vector<16xf32>,
        %add3A_520 = arith.addf %gather3A_474, %gather3A_498 : vector<16xf32>
        %add3A_521 = arith.addf %gather3A_477, %gather3A_501 : vector<16xf32>
        %add3A_522 = arith.addf %gather3A_480, %gather3A_504 : vector<16xf32>
        %add3A_523 = arith.addf %gather3A_483, %gather3A_507 : vector<16xf32>
        %add3A_524 = arith.addf %gather3A_486, %gather3A_510 : vector<16xf32>
        %add3A_525 = arith.addf %gather3A_489, %gather3A_513 : vector<16xf32>
        %add3A_526 = arith.addf %gather3A_492, %gather3A_516 : vector<16xf32>
        %add3A_527 = arith.addf %gather3A_495, %gather3A_519 : vector<16xf32>
        %add3A_528 = arith.constant 0 : i32
        %add3A_529 = arith.addi %add3A_528, %mul3A_471 : i32
        %swap3A_530 = arith.index_cast %select_n3A_453 : i32 to index
        %swap3A_531 = arith.index_cast %add3A_529 : i32 to index
        %swap3A_532 = tpu.vector_load %arg13[%swap3A_530, %swap3A_531] {strides = array<i32>} : memref<4x1024xf32, #tpu.memory_space<vmem>>, vector<16xf32>,
        tpu.vector_store %arg13[%swap3A_530, %swap3A_531], %add3A_520 {strides = array<i32>} : memref<4x1024xf32, #tpu.memory_space<vmem>>, vector<16xf32>,
        %add3A_533 = arith.constant 128 : i32
        %add3A_534 = arith.addi %add3A_533, %mul3A_471 : i32
        %swap3A_535 = arith.index_cast %select_n3A_453 : i32 to index
        %swap3A_536 = arith.index_cast %add3A_534 : i32 to index
        %swap3A_537 = tpu.vector_load %arg13[%swap3A_535, %swap3A_536] {strides = array<i32>} : memref<4x1024xf32, #tpu.memory_space<vmem>>, vector<16xf32>,
        tpu.vector_store %arg13[%swap3A_535, %swap3A_536], %add3A_521 {strides = array<i32>} : memref<4x1024xf32, #tpu.memory_space<vmem>>, vector<16xf32>,
        %add3A_538 = arith.constant 256 : i32
        %add3A_539 = arith.addi %add3A_538, %mul3A_471 : i32
        %swap3A_540 = arith.index_cast %select_n3A_453 : i32 to index
        %swap3A_541 = arith.index_cast %add3A_539 : i32 to index
        %swap3A_542 = tpu.vector_load %arg13[%swap3A_540, %swap3A_541] {strides = array<i32>} : memref<4x1024xf32, #tpu.memory_space<vmem>>, vector<16xf32>,
        tpu.vector_store %arg13[%swap3A_540, %swap3A_541], %add3A_522 {strides = array<i32>} : memref<4x1024xf32, #tpu.memory_space<vmem>>, vector<16xf32>,
        %add3A_543 = arith.constant 384 : i32
        %add3A_544 = arith.addi %add3A_543, %mul3A_471 : i32
        %swap3A_545 = arith.index_cast %select_n3A_453 : i32 to index
        %swap3A_546 = arith.index_cast %add3A_544 : i32 to index
        %swap3A_547 = tpu.vector_load %arg13[%swap3A_545, %swap3A_546] {strides = array<i32>} : memref<4x1024xf32, #tpu.memory_space<vmem>>, vector<16xf32>,
        tpu.vector_store %arg13[%swap3A_545, %swap3A_546], %add3A_523 {strides = array<i32>} : memref<4x1024xf32, #tpu.memory_space<vmem>>, vector<16xf32>,
        %add3A_548 = arith.constant 512 : i32
        %add3A_549 = arith.addi %add3A_548, %mul3A_471 : i32
        %swap3A_550 = arith.index_cast %select_n3A_453 : i32 to index
        %swap3A_551 = arith.index_cast %add3A_549 : i32 to index
        %swap3A_552 = tpu.vector_load %arg13[%swap3A_550, %swap3A_551] {strides = array<i32>} : memref<4x1024xf32, #tpu.memory_space<vmem>>, vector<16xf32>,
        tpu.vector_store %arg13[%swap3A_550, %swap3A_551], %add3A_524 {strides = array<i32>} : memref<4x1024xf32, #tpu.memory_space<vmem>>, vector<16xf32>,
        %add3A_553 = arith.constant 640 : i32
        %add3A_554 = arith.addi %add3A_553, %mul3A_471 : i32
        %swap3A_555 = arith.index_cast %select_n3A_453 : i32 to index
        %swap3A_556 = arith.index_cast %add3A_554 : i32 to index
        %swap3A_557 = tpu.vector_load %arg13[%swap3A_555, %swap3A_556] {strides = array<i32>} : memref<4x1024xf32, #tpu.memory_space<vmem>>, vector<16xf32>,
        tpu.vector_store %arg13[%swap3A_555, %swap3A_556], %add3A_525 {strides = array<i32>} : memref<4x1024xf32, #tpu.memory_space<vmem>>, vector<16xf32>,
        %add3A_558 = arith.constant 768 : i32
        %add3A_559 = arith.addi %add3A_558, %mul3A_471 : i32
        %swap3A_560 = arith.index_cast %select_n3A_453 : i32 to index
        %swap3A_561 = arith.index_cast %add3A_559 : i32 to index
        %swap3A_562 = tpu.vector_load %arg13[%swap3A_560, %swap3A_561] {strides = array<i32>} : memref<4x1024xf32, #tpu.memory_space<vmem>>, vector<16xf32>,
        tpu.vector_store %arg13[%swap3A_560, %swap3A_561], %add3A_526 {strides = array<i32>} : memref<4x1024xf32, #tpu.memory_space<vmem>>, vector<16xf32>,
        %add3A_563 = arith.constant 896 : i32
        %add3A_564 = arith.addi %add3A_563, %mul3A_471 : i32
        %swap3A_565 = arith.index_cast %select_n3A_453 : i32 to index
        %swap3A_566 = arith.index_cast %add3A_564 : i32 to index
        %swap3A_567 = tpu.vector_load %arg13[%swap3A_565, %swap3A_566] {strides = array<i32>} : memref<4x1024xf32, #tpu.memory_space<vmem>>, vector<16xf32>,
        tpu.vector_store %arg13[%swap3A_565, %swap3A_566], %add3A_527 {strides = array<i32>} : memref<4x1024xf32, #tpu.memory_space<vmem>>, vector<16xf32>,
      }
      %scan3A_233 = arith.constant 16 : i32
      %mul3A_234 = arith.constant 4 : i32
      %mul3A_235 = arith.muli %mul3A_220, %mul3A_234 : i32
      %add3A_236 = arith.addi %mul3A_192, %mul3A_235 : i32
      %dma_start3A_237 = arith.constant 0 : i32
      %dma_start3A_238 = tpu.memref_slice %arg6[%select_n3A_118, %select_n3A_174, %add3A_236, %dma_start3A_237] : memref<26x8x128x1024xf32, #tpu.memory_space<hbm>> -> memref<1x1x4x1024xf32, #tpu.memory_space<hbm>>
      %dma_start3A_239 = tpu.memref_squeeze %dma_start3A_238 : memref<1x1x4x1024xf32, #tpu.memory_space<hbm>> -> memref<4x1024xf32, #tpu.memory_space<hbm>>
      %dma_start3A_240 = arith.constant 0 : i32
      %dma_start3A_241 = tpu.memref_slice %arg6[%select_n3A_118, %select_n3A_174, %add3A_236, %dma_start3A_240] : memref<26x8x128x1024xf32, #tpu.memory_space<hbm>> -> memref<1x1x4x1024xf32, #tpu.memory_space<hbm>>
      %dma_start3A_242 = tpu.memref_squeeze %dma_start3A_241 : memref<1x1x4x1024xf32, #tpu.memory_space<hbm>> -> memref<4x1024xf32, #tpu.memory_space<hbm>>
      tpu.enqueue_dma source(%arg13 : memref<4x1024xf32, #tpu.memory_space<vmem>>) target(%dma_start3A_242 : memref<4x1024xf32, #tpu.memory_space<hbm>>) target_semaphore(%arg18 : memref<!tpu.dma_semaphore, #tpu.memory_space<semaphore_mem>>)
      %mul3A_243 = arith.constant 2 : i32
      %mul3A_244 = arith.muli %scan3A_218, %mul3A_243 : i32
      %add3A_245 = arith.constant 1 : i32
      %add3A_246 = arith.addi %mul3A_244, %add3A_245 : i32
      %eq3A_247 = arith.constant 0 : i32
      %eq3A_248 = arith.cmpi eq, %scan3A_218, %eq3A_247 : i32
      %and3A_249 = arith.constant false
      %and3A_250 = arith.andi %and3A_249, %eq3A_248 : i1
      %not3A_251 = arith.constant true
      %not3A_252 = arith.xori %and3A_250, %not3A_251 : i1
      %convert_element_type3A_253 = arith.extui %not3A_252 : i1 to i32
      %cond3A_254 = arith.constant 0 : i32
      %cond3A_255 = arith.cmpi ne, %convert_element_type3A_253, %cond3A_254 : i32
      scf.if %cond3A_255 {
        %dma_wait3A_270 = arith.constant 0 : i32
        %dma_wait3A_271 = arith.constant 0 : i32
        %dma_wait3A_272 = arith.constant 0 : i32
        %dma_wait3A_273 = arith.constant 0 : i32
        %dma_wait3A_274 = tpu.memref_slice %arg6[%dma_wait3A_270, %dma_wait3A_271, %dma_wait3A_272, %dma_wait3A_273] : memref<26x8x128x1024xf32, #tpu.memory_space<hbm>> -> memref<1x1x4x1024xf32, #tpu.memory_space<hbm>>
        %dma_wait3A_275 = tpu.memref_squeeze %dma_wait3A_274 : memref<1x1x4x1024xf32, #tpu.memory_space<hbm>> -> memref<4x1024xf32, #tpu.memory_space<hbm>>
        %dma_wait3A_276 = arith.constant 0 : i32
        %dma_wait3A_277 = arith.constant 0 : i32
        %dma_wait3A_278 = tpu.memref_slice %arg6[%dma_wait3A_270, %dma_wait3A_271, %dma_wait3A_276, %dma_wait3A_277] : memref<26x8x128x1024xf32, #tpu.memory_space<hbm>> -> memref<1x1x4x1024xf32, #tpu.memory_space<hbm>>
        %dma_wait3A_279 = tpu.memref_squeeze %dma_wait3A_278 : memref<1x1x4x1024xf32, #tpu.memory_space<hbm>> -> memref<4x1024xf32, #tpu.memory_space<hbm>>
        tpu.wait_dma2 semaphore(%arg19 : memref<!tpu.dma_semaphore, #tpu.memory_space<semaphore_mem>>) src(%arg14 : memref<4x1024xf32, #tpu.memory_space<vmem>>) dst(%dma_wait3A_279 : memref<4x1024xf32, #tpu.memory_space<hbm>>)
      } else {
      }
      %scan3A_256 = arith.constant 0 : i32
      %scan3A_257 = arith.constant 16 : i32
      %scan3A_258 = arith.addi %scan3A_256, %scan3A_257 : i32
      %scan3A_259 = arith.constant 1 : i32
      scf.for %scan3A_270 = %scan3A_256 to %scan3A_258 step %scan3A_259  : i32 {
        %mul3A_271 = arith.constant 2 : i32
        %mul3A_272 = arith.muli %scan3A_270, %mul3A_271 : i32
        %mul3A_273 = arith.constant 512 : i32
        %mul3A_274 = arith.muli %add3A_246, %mul3A_273 : i32
        %mul3A_275 = arith.constant 16 : i32
        %mul3A_276 = arith.muli %mul3A_272, %mul3A_275 : i32
        %add3A_277 = arith.addi %mul3A_274, %mul3A_276 : i32
        %get3A = arith.index_cast %add3A_277 : i32 to index
        %get3A_278 = tpu.vector_load %arg11[%get3A] {strides = array<i32>} : memref<8192xi32, #tpu.memory_space<vmem>>, vector<16xi32>,
        %get3A_279 = arith.index_cast %add3A_277 : i32 to index
        %get3A_280 = tpu.vector_load %arg12[%get3A_279] {strides = array<i32>} : memref<8192xi32, #tpu.memory_space<vmem>>, vector<16xi32>,
        %jit3A_281 = arith.constant 8 : i32
        %div3A_282 = arith.divsi %mul3A_272, %jit3A_281 : i32
        %sign3A_283 = arith.constant 0 : i32
        %sign3A_284 = arith.cmpi sgt, %mul3A_272, %sign3A_283 : i32
        %sign3A_285 = arith.extui %sign3A_284 : i1 to i32
        %sign3A_286 = arith.constant 0 : i32
        %sign3A_287 = arith.cmpi slt, %mul3A_272, %sign3A_286 : i32
        %sign3A_288 = arith.extui %sign3A_287 : i1 to i32
        %sign3A_289 = arith.subi %sign3A_285, %sign3A_288 : i32
        %sign3A_290 = arith.constant 0 : i32
        %sign3A_291 = arith.cmpi sgt, %jit3A_281, %sign3A_290 : i32
        %sign3A_292 = arith.extui %sign3A_291 : i1 to i32
        %sign3A_293 = arith.constant 0 : i32
        %sign3A_294 = arith.cmpi slt, %jit3A_281, %sign3A_293 : i32
        %sign3A_295 = arith.extui %sign3A_294 : i1 to i32
        %sign3A_296 = arith.subi %sign3A_292, %sign3A_295 : i32
        %ne3A_297 = arith.cmpi ne, %sign3A_289, %sign3A_296 : i32
        %rem3A_298 = arith.remsi %mul3A_272, %jit3A_281 : i32
        %ne3A_299 = arith.constant 0 : i32
        %ne3A_300 = arith.cmpi ne, %rem3A_298, %ne3A_299 : i32
        %and3A_301 = arith.andi %ne3A_297, %ne3A_300 : i1
        %sub3A_302 = arith.constant 1 : i32
        %sub3A_303 = arith.subi %div3A_282, %sub3A_302 : i32
        %select_n3A_304 = arith.select %and3A_301, %sub3A_303, %div3A_282 : i32
        %jit3A_305 = arith.constant 8 : i32
        %eq3A_306 = arith.constant 0 : i32
        %eq3A_307 = arith.cmpi eq, %jit3A_305, %eq3A_306 : i32
        %jit3A_308 = arith.constant 1 : i32
        %select_n3A_309 = arith.select %eq3A_307, %jit3A_308, %jit3A_305 : i32
        %rem3A_310 = arith.remsi %mul3A_272, %select_n3A_309 : i32
        %ne3A_311 = arith.constant 0 : i32
        %ne3A_312 = arith.cmpi ne, %rem3A_310, %ne3A_311 : i32
        %lt3A_313 = arith.constant 0 : i32
        %lt3A_314 = arith.cmpi slt, %rem3A_310, %lt3A_313 : i32
        %lt3A_315 = arith.constant 0 : i32
        %lt3A_316 = arith.cmpi slt, %select_n3A_309, %lt3A_315 : i32
        %ne3A_317 = arith.xori %lt3A_314, %lt3A_316 : i1
        %and3A_318 = arith.andi %ne3A_317, %ne3A_312 : i1
        %add3A_319 = arith.addi %rem3A_310, %select_n3A_309 : i32
        %select_n3A_320 = arith.select %and3A_318, %add3A_319, %rem3A_310 : i32
        %mul3A_321 = arith.constant 16 : i32
        %mul3A_322 = arith.muli %select_n3A_320, %mul3A_321 : i32
        %gather3A = arith.constant 0 : i32
        %gather3A_323 = tpu.memref_slice %arg7[%gather3A] : memref<8000xf32, #tpu.memory_space<vmem>> -> memref<1000xf32, #tpu.memory_space<vmem>>
        %gather3A_324 = tpu.vector_load_idx %gather3A_323[%get3A_278] : memref<1000xf32, #tpu.memory_space<vmem>>[vector<16xi32>], vector<16xf32>,
        %gather3A_325 = arith.constant 1000 : i32
        %gather3A_326 = tpu.memref_slice %arg7[%gather3A_325] : memref<8000xf32, #tpu.memory_space<vmem>> -> memref<1000xf32, #tpu.memory_space<vmem>>
        %gather3A_327 = tpu.vector_load_idx %gather3A_326[%get3A_278] : memref<1000xf32, #tpu.memory_space<vmem>>[vector<16xi32>], vector<16xf32>,
        %gather3A_328 = arith.constant 2000 : i32
        %gather3A_329 = tpu.memref_slice %arg7[%gather3A_328] : memref<8000xf32, #tpu.memory_space<vmem>> -> memref<1000xf32, #tpu.memory_space<vmem>>
        %gather3A_330 = tpu.vector_load_idx %gather3A_329[%get3A_278] : memref<1000xf32, #tpu.memory_space<vmem>>[vector<16xi32>], vector<16xf32>,
        %gather3A_331 = arith.constant 3000 : i32
        %gather3A_332 = tpu.memref_slice %arg7[%gather3A_331] : memref<8000xf32, #tpu.memory_space<vmem>> -> memref<1000xf32, #tpu.memory_space<vmem>>
        %gather3A_333 = tpu.vector_load_idx %gather3A_332[%get3A_278] : memref<1000xf32, #tpu.memory_space<vmem>>[vector<16xi32>], vector<16xf32>,
        %gather3A_334 = arith.constant 4000 : i32
        %gather3A_335 = tpu.memref_slice %arg7[%gather3A_334] : memref<8000xf32, #tpu.memory_space<vmem>> -> memref<1000xf32, #tpu.memory_space<vmem>>
        %gather3A_336 = tpu.vector_load_idx %gather3A_335[%get3A_278] : memref<1000xf32, #tpu.memory_space<vmem>>[vector<16xi32>], vector<16xf32>,
        %gather3A_337 = arith.constant 5000 : i32
        %gather3A_338 = tpu.memref_slice %arg7[%gather3A_337] : memref<8000xf32, #tpu.memory_space<vmem>> -> memref<1000xf32, #tpu.memory_space<vmem>>
        %gather3A_339 = tpu.vector_load_idx %gather3A_338[%get3A_278] : memref<1000xf32, #tpu.memory_space<vmem>>[vector<16xi32>], vector<16xf32>,
        %gather3A_340 = arith.constant 6000 : i32
        %gather3A_341 = tpu.memref_slice %arg7[%gather3A_340] : memref<8000xf32, #tpu.memory_space<vmem>> -> memref<1000xf32, #tpu.memory_space<vmem>>
        %gather3A_342 = tpu.vector_load_idx %gather3A_341[%get3A_278] : memref<1000xf32, #tpu.memory_space<vmem>>[vector<16xi32>], vector<16xf32>,
        %gather3A_343 = arith.constant 7000 : i32
        %gather3A_344 = tpu.memref_slice %arg7[%gather3A_343] : memref<8000xf32, #tpu.memory_space<vmem>> -> memref<1000xf32, #tpu.memory_space<vmem>>
        %gather3A_345 = tpu.vector_load_idx %gather3A_344[%get3A_278] : memref<1000xf32, #tpu.memory_space<vmem>>[vector<16xi32>], vector<16xf32>,
        %gather3A_346 = arith.constant 0 : i32
        %gather3A_347 = tpu.memref_slice %arg8[%gather3A_346] : memref<8000xf32, #tpu.memory_space<vmem>> -> memref<1000xf32, #tpu.memory_space<vmem>>
        %gather3A_348 = tpu.vector_load_idx %gather3A_347[%get3A_280] : memref<1000xf32, #tpu.memory_space<vmem>>[vector<16xi32>], vector<16xf32>,
        %gather3A_349 = arith.constant 1000 : i32
        %gather3A_350 = tpu.memref_slice %arg8[%gather3A_349] : memref<8000xf32, #tpu.memory_space<vmem>> -> memref<1000xf32, #tpu.memory_space<vmem>>
        %gather3A_351 = tpu.vector_load_idx %gather3A_350[%get3A_280] : memref<1000xf32, #tpu.memory_space<vmem>>[vector<16xi32>], vector<16xf32>,
        %gather3A_352 = arith.constant 2000 : i32
        %gather3A_353 = tpu.memref_slice %arg8[%gather3A_352] : memref<8000xf32, #tpu.memory_space<vmem>> -> memref<1000xf32, #tpu.memory_space<vmem>>
        %gather3A_354 = tpu.vector_load_idx %gather3A_353[%get3A_280] : memref<1000xf32, #tpu.memory_space<vmem>>[vector<16xi32>], vector<16xf32>,
        %gather3A_355 = arith.constant 3000 : i32
        %gather3A_356 = tpu.memref_slice %arg8[%gather3A_355] : memref<8000xf32, #tpu.memory_space<vmem>> -> memref<1000xf32, #tpu.memory_space<vmem>>
        %gather3A_357 = tpu.vector_load_idx %gather3A_356[%get3A_280] : memref<1000xf32, #tpu.memory_space<vmem>>[vector<16xi32>], vector<16xf32>,
        %gather3A_358 = arith.constant 4000 : i32
        %gather3A_359 = tpu.memref_slice %arg8[%gather3A_358] : memref<8000xf32, #tpu.memory_space<vmem>> -> memref<1000xf32, #tpu.memory_space<vmem>>
        %gather3A_360 = tpu.vector_load_idx %gather3A_359[%get3A_280] : memref<1000xf32, #tpu.memory_space<vmem>>[vector<16xi32>], vector<16xf32>,
        %gather3A_361 = arith.constant 5000 : i32
        %gather3A_362 = tpu.memref_slice %arg8[%gather3A_361] : memref<8000xf32, #tpu.memory_space<vmem>> -> memref<1000xf32, #tpu.memory_space<vmem>>
        %gather3A_363 = tpu.vector_load_idx %gather3A_362[%get3A_280] : memref<1000xf32, #tpu.memory_space<vmem>>[vector<16xi32>], vector<16xf32>,
        %gather3A_364 = arith.constant 6000 : i32
        %gather3A_365 = tpu.memref_slice %arg8[%gather3A_364] : memref<8000xf32, #tpu.memory_space<vmem>> -> memref<1000xf32, #tpu.memory_space<vmem>>
        %gather3A_366 = tpu.vector_load_idx %gather3A_365[%get3A_280] : memref<1000xf32, #tpu.memory_space<vmem>>[vector<16xi32>], vector<16xf32>,
        %gather3A_367 = arith.constant 7000 : i32
        %gather3A_368 = tpu.memref_slice %arg8[%gather3A_367] : memref<8000xf32, #tpu.memory_space<vmem>> -> memref<1000xf32, #tpu.memory_space<vmem>>
        %gather3A_369 = tpu.vector_load_idx %gather3A_368[%get3A_280] : memref<1000xf32, #tpu.memory_space<vmem>>[vector<16xi32>], vector<16xf32>,
        %add3A_370 = arith.addf %gather3A_324, %gather3A_348 : vector<16xf32>
        %add3A_371 = arith.addf %gather3A_327, %gather3A_351 : vector<16xf32>
        %add3A_372 = arith.addf %gather3A_330, %gather3A_354 : vector<16xf32>
        %add3A_373 = arith.addf %gather3A_333, %gather3A_357 : vector<16xf32>
        %add3A_374 = arith.addf %gather3A_336, %gather3A_360 : vector<16xf32>
        %add3A_375 = arith.addf %gather3A_339, %gather3A_363 : vector<16xf32>
        %add3A_376 = arith.addf %gather3A_342, %gather3A_366 : vector<16xf32>
        %add3A_377 = arith.addf %gather3A_345, %gather3A_369 : vector<16xf32>
        %add3A_378 = arith.constant 0 : i32
        %add3A_379 = arith.addi %add3A_378, %mul3A_322 : i32
        %swap3A = arith.index_cast %select_n3A_304 : i32 to index
        %swap3A_380 = arith.index_cast %add3A_379 : i32 to index
        %swap3A_381 = tpu.vector_load %arg14[%swap3A, %swap3A_380] {strides = array<i32>} : memref<4x1024xf32, #tpu.memory_space<vmem>>, vector<16xf32>,
        tpu.vector_store %arg14[%swap3A, %swap3A_380], %add3A_370 {strides = array<i32>} : memref<4x1024xf32, #tpu.memory_space<vmem>>, vector<16xf32>,
        %add3A_382 = arith.constant 128 : i32
        %add3A_383 = arith.addi %add3A_382, %mul3A_322 : i32
        %swap3A_384 = arith.index_cast %select_n3A_304 : i32 to index
        %swap3A_385 = arith.index_cast %add3A_383 : i32 to index
        %swap3A_386 = tpu.vector_load %arg14[%swap3A_384, %swap3A_385] {strides = array<i32>} : memref<4x1024xf32, #tpu.memory_space<vmem>>, vector<16xf32>,
        tpu.vector_store %arg14[%swap3A_384, %swap3A_385], %add3A_371 {strides = array<i32>} : memref<4x1024xf32, #tpu.memory_space<vmem>>, vector<16xf32>,
        %add3A_387 = arith.constant 256 : i32
        %add3A_388 = arith.addi %add3A_387, %mul3A_322 : i32
        %swap3A_389 = arith.index_cast %select_n3A_304 : i32 to index
        %swap3A_390 = arith.index_cast %add3A_388 : i32 to index
        %swap3A_391 = tpu.vector_load %arg14[%swap3A_389, %swap3A_390] {strides = array<i32>} : memref<4x1024xf32, #tpu.memory_space<vmem>>, vector<16xf32>,
        tpu.vector_store %arg14[%swap3A_389, %swap3A_390], %add3A_372 {strides = array<i32>} : memref<4x1024xf32, #tpu.memory_space<vmem>>, vector<16xf32>,
        %add3A_392 = arith.constant 384 : i32
        %add3A_393 = arith.addi %add3A_392, %mul3A_322 : i32
        %swap3A_394 = arith.index_cast %select_n3A_304 : i32 to index
        %swap3A_395 = arith.index_cast %add3A_393 : i32 to index
        %swap3A_396 = tpu.vector_load %arg14[%swap3A_394, %swap3A_395] {strides = array<i32>} : memref<4x1024xf32, #tpu.memory_space<vmem>>, vector<16xf32>,
        tpu.vector_store %arg14[%swap3A_394, %swap3A_395], %add3A_373 {strides = array<i32>} : memref<4x1024xf32, #tpu.memory_space<vmem>>, vector<16xf32>,
        %add3A_397 = arith.constant 512 : i32
        %add3A_398 = arith.addi %add3A_397, %mul3A_322 : i32
        %swap3A_399 = arith.index_cast %select_n3A_304 : i32 to index
        %swap3A_400 = arith.index_cast %add3A_398 : i32 to index
        %swap3A_401 = tpu.vector_load %arg14[%swap3A_399, %swap3A_400] {strides = array<i32>} : memref<4x1024xf32, #tpu.memory_space<vmem>>, vector<16xf32>,
        tpu.vector_store %arg14[%swap3A_399, %swap3A_400], %add3A_374 {strides = array<i32>} : memref<4x1024xf32, #tpu.memory_space<vmem>>, vector<16xf32>,
        %add3A_402 = arith.constant 640 : i32
        %add3A_403 = arith.addi %add3A_402, %mul3A_322 : i32
        %swap3A_404 = arith.index_cast %select_n3A_304 : i32 to index
        %swap3A_405 = arith.index_cast %add3A_403 : i32 to index
        %swap3A_406 = tpu.vector_load %arg14[%swap3A_404, %swap3A_405] {strides = array<i32>} : memref<4x1024xf32, #tpu.memory_space<vmem>>, vector<16xf32>,
        tpu.vector_store %arg14[%swap3A_404, %swap3A_405], %add3A_375 {strides = array<i32>} : memref<4x1024xf32, #tpu.memory_space<vmem>>, vector<16xf32>,
        %add3A_407 = arith.constant 768 : i32
        %add3A_408 = arith.addi %add3A_407, %mul3A_322 : i32
        %swap3A_409 = arith.index_cast %select_n3A_304 : i32 to index
        %swap3A_410 = arith.index_cast %add3A_408 : i32 to index
        %swap3A_411 = tpu.vector_load %arg14[%swap3A_409, %swap3A_410] {strides = array<i32>} : memref<4x1024xf32, #tpu.memory_space<vmem>>, vector<16xf32>,
        tpu.vector_store %arg14[%swap3A_409, %swap3A_410], %add3A_376 {strides = array<i32>} : memref<4x1024xf32, #tpu.memory_space<vmem>>, vector<16xf32>,
        %add3A_412 = arith.constant 896 : i32
        %add3A_413 = arith.addi %add3A_412, %mul3A_322 : i32
        %swap3A_414 = arith.index_cast %select_n3A_304 : i32 to index
        %swap3A_415 = arith.index_cast %add3A_413 : i32 to index
        %swap3A_416 = tpu.vector_load %arg14[%swap3A_414, %swap3A_415] {strides = array<i32>} : memref<4x1024xf32, #tpu.memory_space<vmem>>, vector<16xf32>,
        tpu.vector_store %arg14[%swap3A_414, %swap3A_415], %add3A_377 {strides = array<i32>} : memref<4x1024xf32, #tpu.memory_space<vmem>>, vector<16xf32>,
        %mul3A_417 = arith.constant 2 : i32
        %mul3A_418 = arith.muli %scan3A_270, %mul3A_417 : i32
        %add3A_419 = arith.constant 1 : i32
        %add3A_420 = arith.addi %mul3A_418, %add3A_419 : i32
        %mul3A_421 = arith.constant 512 : i32
        %mul3A_422 = arith.muli %add3A_246, %mul3A_421 : i32
        %mul3A_423 = arith.constant 16 : i32
        %mul3A_424 = arith.muli %add3A_420, %mul3A_423 : i32
        %add3A_425 = arith.addi %mul3A_422, %mul3A_424 : i32
        %get3A_426 = arith.index_cast %add3A_425 : i32 to index
        %get3A_427 = tpu.vector_load %arg11[%get3A_426] {strides = array<i32>} : memref<8192xi32, #tpu.memory_space<vmem>>, vector<16xi32>,
        %get3A_428 = arith.index_cast %add3A_425 : i32 to index
        %get3A_429 = tpu.vector_load %arg12[%get3A_428] {strides = array<i32>} : memref<8192xi32, #tpu.memory_space<vmem>>, vector<16xi32>,
        %jit3A_430 = arith.constant 8 : i32
        %div3A_431 = arith.divsi %add3A_420, %jit3A_430 : i32
        %sign3A_432 = arith.constant 0 : i32
        %sign3A_433 = arith.cmpi sgt, %add3A_420, %sign3A_432 : i32
        %sign3A_434 = arith.extui %sign3A_433 : i1 to i32
        %sign3A_435 = arith.constant 0 : i32
        %sign3A_436 = arith.cmpi slt, %add3A_420, %sign3A_435 : i32
        %sign3A_437 = arith.extui %sign3A_436 : i1 to i32
        %sign3A_438 = arith.subi %sign3A_434, %sign3A_437 : i32
        %sign3A_439 = arith.constant 0 : i32
        %sign3A_440 = arith.cmpi sgt, %jit3A_430, %sign3A_439 : i32
        %sign3A_441 = arith.extui %sign3A_440 : i1 to i32
        %sign3A_442 = arith.constant 0 : i32
        %sign3A_443 = arith.cmpi slt, %jit3A_430, %sign3A_442 : i32
        %sign3A_444 = arith.extui %sign3A_443 : i1 to i32
        %sign3A_445 = arith.subi %sign3A_441, %sign3A_444 : i32
        %ne3A_446 = arith.cmpi ne, %sign3A_438, %sign3A_445 : i32
        %rem3A_447 = arith.remsi %add3A_420, %jit3A_430 : i32
        %ne3A_448 = arith.constant 0 : i32
        %ne3A_449 = arith.cmpi ne, %rem3A_447, %ne3A_448 : i32
        %and3A_450 = arith.andi %ne3A_446, %ne3A_449 : i1
        %sub3A_451 = arith.constant 1 : i32
        %sub3A_452 = arith.subi %div3A_431, %sub3A_451 : i32
        %select_n3A_453 = arith.select %and3A_450, %sub3A_452, %div3A_431 : i32
        %jit3A_454 = arith.constant 8 : i32
        %eq3A_455 = arith.constant 0 : i32
        %eq3A_456 = arith.cmpi eq, %jit3A_454, %eq3A_455 : i32
        %jit3A_457 = arith.constant 1 : i32
        %select_n3A_458 = arith.select %eq3A_456, %jit3A_457, %jit3A_454 : i32
        %rem3A_459 = arith.remsi %add3A_420, %select_n3A_458 : i32
        %ne3A_460 = arith.constant 0 : i32
        %ne3A_461 = arith.cmpi ne, %rem3A_459, %ne3A_460 : i32
        %lt3A_462 = arith.constant 0 : i32
        %lt3A_463 = arith.cmpi slt, %rem3A_459, %lt3A_462 : i32
        %lt3A_464 = arith.constant 0 : i32
        %lt3A_465 = arith.cmpi slt, %select_n3A_458, %lt3A_464 : i32
        %ne3A_466 = arith.xori %lt3A_463, %lt3A_465 : i1
        %and3A_467 = arith.andi %ne3A_466, %ne3A_461 : i1
        %add3A_468 = arith.addi %rem3A_459, %select_n3A_458 : i32
        %select_n3A_469 = arith.select %and3A_467, %add3A_468, %rem3A_459 : i32
        %mul3A_470 = arith.constant 16 : i32
        %mul3A_471 = arith.muli %select_n3A_469, %mul3A_470 : i32
        %gather3A_472 = arith.constant 0 : i32
        %gather3A_473 = tpu.memref_slice %arg7[%gather3A_472] : memref<8000xf32, #tpu.memory_space<vmem>> -> memref<1000xf32, #tpu.memory_space<vmem>>
        %gather3A_474 = tpu.vector_load_idx %gather3A_473[%get3A_427] : memref<1000xf32, #tpu.memory_space<vmem>>[vector<16xi32>], vector<16xf32>,
        %gather3A_475 = arith.constant 1000 : i32
        %gather3A_476 = tpu.memref_slice %arg7[%gather3A_475] : memref<8000xf32, #tpu.memory_space<vmem>> -> memref<1000xf32, #tpu.memory_space<vmem>>
        %gather3A_477 = tpu.vector_load_idx %gather3A_476[%get3A_427] : memref<1000xf32, #tpu.memory_space<vmem>>[vector<16xi32>], vector<16xf32>,
        %gather3A_478 = arith.constant 2000 : i32
        %gather3A_479 = tpu.memref_slice %arg7[%gather3A_478] : memref<8000xf32, #tpu.memory_space<vmem>> -> memref<1000xf32, #tpu.memory_space<vmem>>
        %gather3A_480 = tpu.vector_load_idx %gather3A_479[%get3A_427] : memref<1000xf32, #tpu.memory_space<vmem>>[vector<16xi32>], vector<16xf32>,
        %gather3A_481 = arith.constant 3000 : i32
        %gather3A_482 = tpu.memref_slice %arg7[%gather3A_481] : memref<8000xf32, #tpu.memory_space<vmem>> -> memref<1000xf32, #tpu.memory_space<vmem>>
        %gather3A_483 = tpu.vector_load_idx %gather3A_482[%get3A_427] : memref<1000xf32, #tpu.memory_space<vmem>>[vector<16xi32>], vector<16xf32>,
        %gather3A_484 = arith.constant 4000 : i32
        %gather3A_485 = tpu.memref_slice %arg7[%gather3A_484] : memref<8000xf32, #tpu.memory_space<vmem>> -> memref<1000xf32, #tpu.memory_space<vmem>>
        %gather3A_486 = tpu.vector_load_idx %gather3A_485[%get3A_427] : memref<1000xf32, #tpu.memory_space<vmem>>[vector<16xi32>], vector<16xf32>,
        %gather3A_487 = arith.constant 5000 : i32
        %gather3A_488 = tpu.memref_slice %arg7[%gather3A_487] : memref<8000xf32, #tpu.memory_space<vmem>> -> memref<1000xf32, #tpu.memory_space<vmem>>
        %gather3A_489 = tpu.vector_load_idx %gather3A_488[%get3A_427] : memref<1000xf32, #tpu.memory_space<vmem>>[vector<16xi32>], vector<16xf32>,
        %gather3A_490 = arith.constant 6000 : i32
        %gather3A_491 = tpu.memref_slice %arg7[%gather3A_490] : memref<8000xf32, #tpu.memory_space<vmem>> -> memref<1000xf32, #tpu.memory_space<vmem>>
        %gather3A_492 = tpu.vector_load_idx %gather3A_491[%get3A_427] : memref<1000xf32, #tpu.memory_space<vmem>>[vector<16xi32>], vector<16xf32>,
        %gather3A_493 = arith.constant 7000 : i32
        %gather3A_494 = tpu.memref_slice %arg7[%gather3A_493] : memref<8000xf32, #tpu.memory_space<vmem>> -> memref<1000xf32, #tpu.memory_space<vmem>>
        %gather3A_495 = tpu.vector_load_idx %gather3A_494[%get3A_427] : memref<1000xf32, #tpu.memory_space<vmem>>[vector<16xi32>], vector<16xf32>,
        %gather3A_496 = arith.constant 0 : i32
        %gather3A_497 = tpu.memref_slice %arg8[%gather3A_496] : memref<8000xf32, #tpu.memory_space<vmem>> -> memref<1000xf32, #tpu.memory_space<vmem>>
        %gather3A_498 = tpu.vector_load_idx %gather3A_497[%get3A_429] : memref<1000xf32, #tpu.memory_space<vmem>>[vector<16xi32>], vector<16xf32>,
        %gather3A_499 = arith.constant 1000 : i32
        %gather3A_500 = tpu.memref_slice %arg8[%gather3A_499] : memref<8000xf32, #tpu.memory_space<vmem>> -> memref<1000xf32, #tpu.memory_space<vmem>>
        %gather3A_501 = tpu.vector_load_idx %gather3A_500[%get3A_429] : memref<1000xf32, #tpu.memory_space<vmem>>[vector<16xi32>], vector<16xf32>,
        %gather3A_502 = arith.constant 2000 : i32
        %gather3A_503 = tpu.memref_slice %arg8[%gather3A_502] : memref<8000xf32, #tpu.memory_space<vmem>> -> memref<1000xf32, #tpu.memory_space<vmem>>
        %gather3A_504 = tpu.vector_load_idx %gather3A_503[%get3A_429] : memref<1000xf32, #tpu.memory_space<vmem>>[vector<16xi32>], vector<16xf32>,
        %gather3A_505 = arith.constant 3000 : i32
        %gather3A_506 = tpu.memref_slice %arg8[%gather3A_505] : memref<8000xf32, #tpu.memory_space<vmem>> -> memref<1000xf32, #tpu.memory_space<vmem>>
        %gather3A_507 = tpu.vector_load_idx %gather3A_506[%get3A_429] : memref<1000xf32, #tpu.memory_space<vmem>>[vector<16xi32>], vector<16xf32>,
        %gather3A_508 = arith.constant 4000 : i32
        %gather3A_509 = tpu.memref_slice %arg8[%gather3A_508] : memref<8000xf32, #tpu.memory_space<vmem>> -> memref<1000xf32, #tpu.memory_space<vmem>>
        %gather3A_510 = tpu.vector_load_idx %gather3A_509[%get3A_429] : memref<1000xf32, #tpu.memory_space<vmem>>[vector<16xi32>], vector<16xf32>,
        %gather3A_511 = arith.constant 5000 : i32
        %gather3A_512 = tpu.memref_slice %arg8[%gather3A_511] : memref<8000xf32, #tpu.memory_space<vmem>> -> memref<1000xf32, #tpu.memory_space<vmem>>
        %gather3A_513 = tpu.vector_load_idx %gather3A_512[%get3A_429] : memref<1000xf32, #tpu.memory_space<vmem>>[vector<16xi32>], vector<16xf32>,
        %gather3A_514 = arith.constant 6000 : i32
        %gather3A_515 = tpu.memref_slice %arg8[%gather3A_514] : memref<8000xf32, #tpu.memory_space<vmem>> -> memref<1000xf32, #tpu.memory_space<vmem>>
        %gather3A_516 = tpu.vector_load_idx %gather3A_515[%get3A_429] : memref<1000xf32, #tpu.memory_space<vmem>>[vector<16xi32>], vector<16xf32>,
        %gather3A_517 = arith.constant 7000 : i32
        %gather3A_518 = tpu.memref_slice %arg8[%gather3A_517] : memref<8000xf32, #tpu.memory_space<vmem>> -> memref<1000xf32, #tpu.memory_space<vmem>>
        %gather3A_519 = tpu.vector_load_idx %gather3A_518[%get3A_429] : memref<1000xf32, #tpu.memory_space<vmem>>[vector<16xi32>], vector<16xf32>,
        %add3A_520 = arith.addf %gather3A_474, %gather3A_498 : vector<16xf32>
        %add3A_521 = arith.addf %gather3A_477, %gather3A_501 : vector<16xf32>
        %add3A_522 = arith.addf %gather3A_480, %gather3A_504 : vector<16xf32>
        %add3A_523 = arith.addf %gather3A_483, %gather3A_507 : vector<16xf32>
        %add3A_524 = arith.addf %gather3A_486, %gather3A_510 : vector<16xf32>
        %add3A_525 = arith.addf %gather3A_489, %gather3A_513 : vector<16xf32>
        %add3A_526 = arith.addf %gather3A_492, %gather3A_516 : vector<16xf32>
        %add3A_527 = arith.addf %gather3A_495, %gather3A_519 : vector<16xf32>
        %add3A_528 = arith.constant 0 : i32
        %add3A_529 = arith.addi %add3A_528, %mul3A_471 : i32
        %swap3A_530 = arith.index_cast %select_n3A_453 : i32 to index
        %swap3A_531 = arith.index_cast %add3A_529 : i32 to index
        %swap3A_532 = tpu.vector_load %arg14[%swap3A_530, %swap3A_531] {strides = array<i32>} : memref<4x1024xf32, #tpu.memory_space<vmem>>, vector<16xf32>,
        tpu.vector_store %arg14[%swap3A_530, %swap3A_531], %add3A_520 {strides = array<i32>} : memref<4x1024xf32, #tpu.memory_space<vmem>>, vector<16xf32>,
        %add3A_533 = arith.constant 128 : i32
        %add3A_534 = arith.addi %add3A_533, %mul3A_471 : i32
        %swap3A_535 = arith.index_cast %select_n3A_453 : i32 to index
        %swap3A_536 = arith.index_cast %add3A_534 : i32 to index
        %swap3A_537 = tpu.vector_load %arg14[%swap3A_535, %swap3A_536] {strides = array<i32>} : memref<4x1024xf32, #tpu.memory_space<vmem>>, vector<16xf32>,
        tpu.vector_store %arg14[%swap3A_535, %swap3A_536], %add3A_521 {strides = array<i32>} : memref<4x1024xf32, #tpu.memory_space<vmem>>, vector<16xf32>,
        %add3A_538 = arith.constant 256 : i32
        %add3A_539 = arith.addi %add3A_538, %mul3A_471 : i32
        %swap3A_540 = arith.index_cast %select_n3A_453 : i32 to index
        %swap3A_541 = arith.index_cast %add3A_539 : i32 to index
        %swap3A_542 = tpu.vector_load %arg14[%swap3A_540, %swap3A_541] {strides = array<i32>} : memref<4x1024xf32, #tpu.memory_space<vmem>>, vector<16xf32>,
        tpu.vector_store %arg14[%swap3A_540, %swap3A_541], %add3A_522 {strides = array<i32>} : memref<4x1024xf32, #tpu.memory_space<vmem>>, vector<16xf32>,
        %add3A_543 = arith.constant 384 : i32
        %add3A_544 = arith.addi %add3A_543, %mul3A_471 : i32
        %swap3A_545 = arith.index_cast %select_n3A_453 : i32 to index
        %swap3A_546 = arith.index_cast %add3A_544 : i32 to index
        %swap3A_547 = tpu.vector_load %arg14[%swap3A_545, %swap3A_546] {strides = array<i32>} : memref<4x1024xf32, #tpu.memory_space<vmem>>, vector<16xf32>,
        tpu.vector_store %arg14[%swap3A_545, %swap3A_546], %add3A_523 {strides = array<i32>} : memref<4x1024xf32, #tpu.memory_space<vmem>>, vector<16xf32>,
        %add3A_548 = arith.constant 512 : i32
        %add3A_549 = arith.addi %add3A_548, %mul3A_471 : i32
        %swap3A_550 = arith.index_cast %select_n3A_453 : i32 to index
        %swap3A_551 = arith.index_cast %add3A_549 : i32 to index
        %swap3A_552 = tpu.vector_load %arg14[%swap3A_550, %swap3A_551] {strides = array<i32>} : memref<4x1024xf32, #tpu.memory_space<vmem>>, vector<16xf32>,
        tpu.vector_store %arg14[%swap3A_550, %swap3A_551], %add3A_524 {strides = array<i32>} : memref<4x1024xf32, #tpu.memory_space<vmem>>, vector<16xf32>,
        %add3A_553 = arith.constant 640 : i32
        %add3A_554 = arith.addi %add3A_553, %mul3A_471 : i32
        %swap3A_555 = arith.index_cast %select_n3A_453 : i32 to index
        %swap3A_556 = arith.index_cast %add3A_554 : i32 to index
        %swap3A_557 = tpu.vector_load %arg14[%swap3A_555, %swap3A_556] {strides = array<i32>} : memref<4x1024xf32, #tpu.memory_space<vmem>>, vector<16xf32>,
        tpu.vector_store %arg14[%swap3A_555, %swap3A_556], %add3A_525 {strides = array<i32>} : memref<4x1024xf32, #tpu.memory_space<vmem>>, vector<16xf32>,
        %add3A_558 = arith.constant 768 : i32
        %add3A_559 = arith.addi %add3A_558, %mul3A_471 : i32
        %swap3A_560 = arith.index_cast %select_n3A_453 : i32 to index
        %swap3A_561 = arith.index_cast %add3A_559 : i32 to index
        %swap3A_562 = tpu.vector_load %arg14[%swap3A_560, %swap3A_561] {strides = array<i32>} : memref<4x1024xf32, #tpu.memory_space<vmem>>, vector<16xf32>,
        tpu.vector_store %arg14[%swap3A_560, %swap3A_561], %add3A_526 {strides = array<i32>} : memref<4x1024xf32, #tpu.memory_space<vmem>>, vector<16xf32>,
        %add3A_563 = arith.constant 896 : i32
        %add3A_564 = arith.addi %add3A_563, %mul3A_471 : i32
        %swap3A_565 = arith.index_cast %select_n3A_453 : i32 to index
        %swap3A_566 = arith.index_cast %add3A_564 : i32 to index
        %swap3A_567 = tpu.vector_load %arg14[%swap3A_565, %swap3A_566] {strides = array<i32>} : memref<4x1024xf32, #tpu.memory_space<vmem>>, vector<16xf32>,
        tpu.vector_store %arg14[%swap3A_565, %swap3A_566], %add3A_527 {strides = array<i32>} : memref<4x1024xf32, #tpu.memory_space<vmem>>, vector<16xf32>,
      }
      %scan3A_260 = arith.constant 16 : i32
      %mul3A_261 = arith.constant 4 : i32
      %mul3A_262 = arith.muli %add3A_246, %mul3A_261 : i32
      %add3A_263 = arith.addi %mul3A_192, %mul3A_262 : i32
      %dma_start3A_264 = arith.constant 0 : i32
      %dma_start3A_265 = tpu.memref_slice %arg6[%select_n3A_118, %select_n3A_174, %add3A_263, %dma_start3A_264] : memref<26x8x128x1024xf32, #tpu.memory_space<hbm>> -> memref<1x1x4x1024xf32, #tpu.memory_space<hbm>>
      %dma_start3A_266 = tpu.memref_squeeze %dma_start3A_265 : memref<1x1x4x1024xf32, #tpu.memory_space<hbm>> -> memref<4x1024xf32, #tpu.memory_space<hbm>>
      %dma_start3A_267 = arith.constant 0 : i32
      %dma_start3A_268 = tpu.memref_slice %arg6[%select_n3A_118, %select_n3A_174, %add3A_263, %dma_start3A_267] : memref<26x8x128x1024xf32, #tpu.memory_space<hbm>> -> memref<1x1x4x1024xf32, #tpu.memory_space<hbm>>
      %dma_start3A_269 = tpu.memref_squeeze %dma_start3A_268 : memref<1x1x4x1024xf32, #tpu.memory_space<hbm>> -> memref<4x1024xf32, #tpu.memory_space<hbm>>
      tpu.enqueue_dma source(%arg14 : memref<4x1024xf32, #tpu.memory_space<vmem>>) target(%dma_start3A_269 : memref<4x1024xf32, #tpu.memory_space<hbm>>) target_semaphore(%arg19 : memref<!tpu.dma_semaphore, #tpu.memory_space<semaphore_mem>>)
    }
    %scan3A_197 = arith.constant 8 : i32
    %dma_wait3A_198 = arith.constant 0 : i32
    %dma_wait3A_199 = arith.constant 0 : i32
    %dma_wait3A_200 = arith.constant 0 : i32
    %dma_wait3A_201 = arith.constant 0 : i32
    %dma_wait3A_202 = tpu.memref_slice %arg6[%dma_wait3A_198, %dma_wait3A_199, %dma_wait3A_200, %dma_wait3A_201] : memref<26x8x128x1024xf32, #tpu.memory_space<hbm>> -> memref<1x1x4x1024xf32, #tpu.memory_space<hbm>>
    %dma_wait3A_203 = tpu.memref_squeeze %dma_wait3A_202 : memref<1x1x4x1024xf32, #tpu.memory_space<hbm>> -> memref<4x1024xf32, #tpu.memory_space<hbm>>
    %dma_wait3A_204 = arith.constant 0 : i32
    %dma_wait3A_205 = arith.constant 0 : i32
    %dma_wait3A_206 = tpu.memref_slice %arg6[%dma_wait3A_198, %dma_wait3A_199, %dma_wait3A_204, %dma_wait3A_205] : memref<26x8x128x1024xf32, #tpu.memory_space<hbm>> -> memref<1x1x4x1024xf32, #tpu.memory_space<hbm>>
    %dma_wait3A_207 = tpu.memref_squeeze %dma_wait3A_206 : memref<1x1x4x1024xf32, #tpu.memory_space<hbm>> -> memref<4x1024xf32, #tpu.memory_space<hbm>>
    tpu.wait_dma2 semaphore(%arg18 : memref<!tpu.dma_semaphore, #tpu.memory_space<semaphore_mem>>) src(%arg13 : memref<4x1024xf32, #tpu.memory_space<vmem>>) dst(%dma_wait3A_207 : memref<4x1024xf32, #tpu.memory_space<hbm>>)
    %dma_wait3A_208 = arith.constant 0 : i32
    %dma_wait3A_209 = arith.constant 0 : i32
    %dma_wait3A_210 = arith.constant 0 : i32
    %dma_wait3A_211 = arith.constant 0 : i32
    %dma_wait3A_212 = tpu.memref_slice %arg6[%dma_wait3A_208, %dma_wait3A_209, %dma_wait3A_210, %dma_wait3A_211] : memref<26x8x128x1024xf32, #tpu.memory_space<hbm>> -> memref<1x1x4x1024xf32, #tpu.memory_space<hbm>>
    %dma_wait3A_213 = tpu.memref_squeeze %dma_wait3A_212 : memref<1x1x4x1024xf32, #tpu.memory_space<hbm>> -> memref<4x1024xf32, #tpu.memory_space<hbm>>
    %dma_wait3A_214 = arith.constant 0 : i32
    %dma_wait3A_215 = arith.constant 0 : i32
    %dma_wait3A_216 = tpu.memref_slice %arg6[%dma_wait3A_208, %dma_wait3A_209, %dma_wait3A_214, %dma_wait3A_215] : memref<26x8x128x1024xf32, #tpu.memory_space<hbm>> -> memref<1x1x4x1024xf32, #tpu.memory_space<hbm>>
    %dma_wait3A_217 = tpu.memref_squeeze %dma_wait3A_216 : memref<1x1x4x1024xf32, #tpu.memory_space<hbm>> -> memref<4x1024xf32, #tpu.memory_space<hbm>>
    tpu.wait_dma2 semaphore(%arg19 : memref<!tpu.dma_semaphore, #tpu.memory_space<semaphore_mem>>) src(%arg14 : memref<4x1024xf32, #tpu.memory_space<vmem>>) dst(%dma_wait3A_217 : memref<4x1024xf32, #tpu.memory_space<hbm>>)
    return
  }
}

</mosaic_0001>

<sc_bundles>
// kernel: kernel.3.cloned.1.call-start
scs
__scs_entry_jumppad:
0x0: {  	(pc) =	sbr.rel $0x88, $3  }
0x1: {  	(tag) =	ssettag $0x0;
	lr =	simm.s32 $0x1  }
0x2: {  	[smem:$0x3F9D] =	sst lr;
	_ =	strace $0xD0000000  }
0x3: {  	_ = 	snop  }
0x4: {  	_ = 	snop  }
0x5: {  	_ = 	snop  }
0x6: {  	_ = 	snop  }
0x7: {  	_ = 	snop  }
__scs_overlays_trampoline_lowered:
0x8: {  	[smem:$0x3FAC] =	sst s0  }
0x9: {  	[smem:$0x3FAD] =	sst s1  }
0xa: {  	[smem:$0x3FAE] =	sst s2  }
0xb: {  	[smem:$0x3FAF] =	sst s3  }
0xc: {  	[smem:$0x3FB0] =	sst s4  }
0xd: {  	[smem:$0x3FB1] =	sst s5  }
0xe: {  	[smem:$0x3FB2] =	sst s6  }
0xf: {  	[smem:$0x3FB3] =	sst s7  }
0x10: {  	[smem:$0x3FB4] =	sst s8  }
0x11: {  	[smem:$0x3FB5] =	sst s9;
	s0 =	simm.s32 @!p0 $0x0  }
0x12: {  	s1 =	sld [smem:$0x3F9B];
	s0 =	simm.s32 @p0 $0x1  }
0x13: {  	[smem:$0x3FB6] =	sst s0;
	s0 =	simm.s32 @!p1 $0x0  }
0x14: {  	s2 =	sld [smem:$0x3F9A];
	s0 =	simm.s32 @p1 $0x1  }
0x15: {  	[smem:$0x3FB7] =	sst s0;
	s0 =	simm.s32 @!p2 $0x0  }
0x16: {  	s3 =	sld [smem:$0x3FDB];
	s0 =	simm.s32 @p2 $0x1  }
0x17: {  	s4 =	simm.s32 $0x1BF5;
	[smem:$0x3FB9] =	sst s0  }
0x18: {  	s0 =	sld [smem:$0x3F9C];
	_ =	swait.ge [sflag:s4], $0x0  }
0x19: {  	s7 =	sld [smem:$0x3F9D]  }
0x1a: {  	s8 =	sadd.s32 $0xFFFFE003, lr  }
0x1b: {  	s9 =	sadd.s32 $0xFFFFFEF7, lr;
	s5 =	simm.s32 $0xFFFFFFFF;
	p2 =	slt.u32 s8, $0xFFFFF086  }
0x1c: {  	p1 =	slt.u32 s9, $0xF7A;
	s5 =	simm.s32 @!p2 $0x0  }
0x1d: {  	s5 =	simm.s32 @p1 $0x1;
	p0 =	seq.s32 s7, s2  }
0x1e: {  	s7 =	smul.u32 @!p0 $0xF7A, s2;
	p2 =	seq.s32 @!p0 s5, $0x0  }
0x1f: {  	s9 =	smul.u32 $0xF7A, s1;
	s8 =	simm.s32 @!p0 $0x1BF5;
	p2 =	por !p2, p0  }
0x20: {  	[sflag:s8] =	ssyncset.s32 @!p0 $0xFFFFF086;
	s6 =	sadd.s32 @!p0 s3, s7;
	s7 =	simm.s32 @!p0 $0x108  }
0x21: {  	s3 =	sadd.s32 s3, s9;
	s6 =	sadd.s32 @!p0 $0x88, s6;
	s7 =	simm.s32 @p2 $0x1082  }
0x22: {  	[simem:s7], [sflag:s8] =	dma.local @!p0 [hbm:s6], $0xF7A  }
0x23: {  	s9 =	sor.u32 $0xD0000000, s2;
	s6 =	simm.s32 $0x108;
	_ =	swait.ge @!p0 [sflag:s8], $0x0  }
0x24: {  	s3 =	sadd.s32 $0x88, s3;
	s6 =	simm.s32 @!p1 $0x1082;
	[sflag:s4] =	ssyncset.s32 $0xFFFFF086  }
0x25: {  	[simem:s6], [sflag:s4] =	dma.local [hbm:s3], $0xF7A  }
0x26: {  	[smem:$0x3F9D] =	sst s1;
	(tag) =	ssettag s2;
	_ =	strace s9  }
0x27: {  	s1 =	sld [smem:$0x3FAD]  }
0x28: {  	s2 =	sld [smem:$0x3FAE]  }
0x29: {  	s4 =	sld [smem:$0x3FB0]  }
0x2a: {  	p0 =	seq.s32 s5, $0x0;
	s5 =	sld [smem:$0x3FB1]  }
0x2b: {  	s6 =	sld [smem:$0x3FB2]  }
0x2c: {  	s7 =	sld [smem:$0x3FB3]  }
0x2d: {  	s3 =	simm.s32 $0x108;
	s8 =	sld [smem:$0x3FB4]  }
0x2e: {  	s3 =	simm.s32 @!p0 $0x1082;
	s9 =	sld [smem:$0x3FB5]  }
0x2f: {  	lr =	sadd.s32 s0, s3;
	s0 =	sld [smem:$0x3FAC]  }
0x30: {  	s3 =	sld [smem:$0x3FAF]  }
0x31: {  	[smem:$0x3FB8] =	sst s10  }
0x32: {  	s10 =	sld [smem:$0x3FB6];
	_ =	sdelay $0x3  }
0x33: {  	p0 =	seq.s32 s10, $0x1;
	s10 =	sld [smem:$0x3FB8];
	_ =	sdelay $0x3  }
0x34: {  	[smem:$0x3FB8] =	sst s10  }
0x35: {  	s10 =	sld [smem:$0x3FB7];
	_ =	sdelay $0x3  }
0x36: {  	p1 =	seq.s32 s10, $0x1;
	s10 =	sld [smem:$0x3FB8];
	_ =	sdelay $0x3  }
0x37: {  	[smem:$0x3FB8] =	sst s10  }
0x38: {  	s10 =	sld [smem:$0x3FB9]  }
0x39: {  	_ = 	snop;
	(pc) =	sbr.ind lr, $3  }
0x3a: {  	_ = 	snop  }
0x3b: {  	_ = 	snop  }
0x3c: {  	p2 =	seq.s32 s10, $0x1;
	s10 =	sld [smem:$0x3FB8]  }
0x3d: {  	_ =	shalt  }
0x3e: {  	_ =	shalt  }
0x3f: {  	_ =	shalt  }
0x40: {  	_ =	shalt  }
0x41: {  	_ =	shalt  }
0x42: {  	_ =	shalt  }
0x43: {  	_ =	shalt  }
0x44: {  	_ =	shalt  }
0x45: {  	_ =	shalt  }
0x46: {  	_ =	shalt  }
0x47: {  	_ =	shalt  }
0x48: {  	_ =	shalt  }
0x49: {  	_ =	shalt  }
0x4a: {  	_ =	shalt  }
0x4b: {  	_ =	shalt  }
0x4c: {  	_ =	shalt  }
0x4d: {  	_ =	shalt  }
0x4e: {  	_ =	shalt  }
0x4f: {  	_ =	shalt  }
0x50: {  	_ =	shalt  }
0x51: {  	_ =	shalt  }
0x52: {  	_ =	shalt  }
0x53: {  	_ =	shalt  }
0x54: {  	_ =	shalt  }
0x55: {  	_ =	shalt  }
0x56: {  	_ =	shalt  }
0x57: {  	_ =	shalt  }
0x58: {  	_ =	shalt  }
0x59: {  	_ =	shalt  }
0x5a: {  	_ =	shalt  }
0x5b: {  	_ =	shalt  }
0x5c: {  	_ =	shalt  }
0x5d: {  	_ =	shalt  }
0x5e: {  	_ =	shalt  }
0x5f: {  	_ =	shalt  }
0x60: {  	_ =	shalt  }
0x61: {  	_ =	shalt  }
0x62: {  	_ =	shalt  }
0x63: {  	_ =	shalt  }
0x64: {  	_ =	shalt  }
0x65: {  	_ =	shalt  }
0x66: {  	_ =	shalt  }
0x67: {  	_ =	shalt  }
0x68: {  	_ =	shalt  }
0x69: {  	_ =	shalt  }
0x6a: {  	_ =	shalt  }
0x6b: {  	_ =	shalt  }
0x6c: {  	_ =	shalt  }
0x6d: {  	_ =	shalt  }
0x6e: {  	_ =	shalt  }
0x6f: {  	_ =	shalt  }
0x70: {  	_ =	shalt  }
0x71: {  	_ =	shalt  }
0x72: {  	_ =	shalt  }
0x73: {  	_ =	shalt  }
0x74: {  	_ =	shalt  }
0x75: {  	_ =	shalt  }
0x76: {  	_ =	shalt  }
0x77: {  	_ =	shalt  }
0x78: {  	_ =	shalt  }
0x79: {  	_ =	shalt  }
0x7a: {  	_ =	shalt  }
0x7b: {  	_ =	shalt  }
0x7c: {  	_ =	shalt  }
0x7d: {  	_ =	shalt  }
0x7e: {  	_ =	shalt  }
0x7f: {  	_ =	shalt  }
0x80: {  	_ =	shalt  }
0x81: {  	_ =	shalt  }
0x82: {  	_ =	shalt  }
0x83: {  	_ =	shalt  }
0x84: {  	_ =	shalt  }
0x85: {  	_ =	shalt  }
0x86: {  	_ =	shalt  }
0x87: {  	_ =	shalt  }
.Lfunc_end0:
.L_simem_size_0:
called_computation_lowered:
.L_overlay_start_0:
0x88: {  	s2 =	sld [smem:$0x3FD9]  }
0x89: {  	s3 =	sld [smem:$0x3FFE];
	_ =	sdelay $0x1  }
0x8a: {  	s1 =	srdreg.scid  }
0x8b: {  	s0 =	sand.u32 $0x1, s1  }
0x8c: {  	s17 =	sshll.u32 s0, $0xA;
	s2 =	sadd.s32 s3, s2  }
0x8d: {  	s2 =	sadd.s32 s2, s17  }
0x8e: {  	[smem:$0x3FC4] =	sst s2  }
0x8f: {  	_ = 	snop  }
0x90: {  	s2 =	sld [smem:$0x3FD0];
	(tm) =	ssettm $0x1  }
0x91: {  	s18 =	sld [smem:$0x3FFB];
	_ =	sdelay $0x3  }
0x92: {  	_ =	strace s18  }
0x93: {  	s3 =	sld [smem:$0x3FFC];
	_ =	sdelay $0x3  }
0x94: {  	_ =	strace s3  }
0x95: {  	s3 =	sld [smem:$0x3FFD];
	_ =	sdelay $0x3  }
0x96: {  	_ =	strace s3  }
0x97: {  	_ =	strace $0x8FFFFFFF  }
0x98: {  	s19 =	sld [smem:$0x3FDB];
	_ =	sdelay $0x1  }
0x99: {  	s4 =	simm.s32 $_scs_section_size  }
0x9a: {  	s5 =	simm.s32 $_size__tile_overlayer_lowered;
	s6 =	simm.s32 $_tile_overlayer_lowered  }
0x9b: {  	s22 =	simm.s32 $0x1BFF;
	s21 =	sshll.u32 s6, $0x1;
	s3 =	sadd.s32 s4, s19  }
0x9c: {  	s7 =	simm.s32 $0x0;
	s20 =	sshll.u32 s5, $0x1;
	s5 =	sadd.s32 s21, s3  }
0x9d: {  	[timem:s7], [sflag:s22] =	dma.local [hbm:s5], s20  }
0x9e: {  	_ =	swait.ge [sflag:s22], s20  }
0x9f: {  	s4 =	ssub.s32 $0x0, s20;
	[sflag:s22] =	ssyncset.done $0x0  }
0xa0: {  	[sflag:s22] =	ssyncadd.s32 s4;
	_ =	sdelay $0x1  }
0xa1: {  	s23 =	simm.s32 $0x1B8B  }
0xa2: {  	_ =	swait.ge [sflag:s23], $0x1  }
0xa3: {  	[sflag:s23] =	ssyncset.done $0x0  }
0xa4: {  	s25 =	simm.s32 $0x1B8E;
	s24 =	sld [smem:$0x3FFE];
	[sflag:s23] =	ssyncadd.s32 $0xFFFFFFFF  }
0xa5: {  	s26 =	simm.s32 $execute0_lowered;
	[smem:$0x3FD2] =	sst s25  }
0xa6: {  	s5 =	sshll.u32 s26, $0x1;
	_ =	strace $0x80000046;
	[dreg:$0x1] =	wrdreg $0xFFFFFFFF  }
0xa7: {  	s28 =	simm.s32 $_size_execute0_lowered;
	s3 =	sadd.s32 s3, s5;
	[dreg:$0x0] =	wrdreg $0x0  }
0xa8: {  	s5 =	sshll.u32 s28, $0x1;
	[dreg:$0x2] =	wrdreg s3  }
0xa9: {  	[dreg:$0x3] =	wrdreg s5  }
0xaa: {  	[dreg:$0x4] =	wrdreg $0xC0  }
0xab: {  	_ =	task [dreg:s7], $0x5FFFF  }
0xac: {  	[dreg:$0x1] =	wrdreg $0xFFFFFFFF  }
0xad: {  	[dreg:$0x0] =	wrdreg $0x60  }
0xae: {  	[dreg:$0x2] =	wrdreg s24  }
0xaf: {  	[dreg:$0x3] =	wrdreg s2  }
0xb0: {  	[dreg:$0x4] =	wrdreg $0x9  }
0xb1: {  	_ =	task.clear_ibuf [dreg:s7], $0x5FFFF;
	_ =	strace $0x90000046  }
0xb2: {  	s29 =	simm.s32 $0x9;
	_ =	strace $0x80000048  }
0xb3: {  	_ =	swait.ge [sflag:s29], $0x1  }
0xb4: {  	[sflag:s29] =	ssyncadd.s32 $0xFFFFFFFF  }
0xb5: {  	_ =	strace $0x90000048  }
0xb6: {  	_ =	sfence  }
0xb7: {  	s30 =	sld [smem:$0x0];
	_ =	sdelay $0x2  }
0xb8: {  	s31 =	sshll.u32 s1, $0xD;
	s1 =	sshrl.u32 s1, $0x2  }
0xb9: {  	s3 =	sand.u32 $0x4000, s31;
	s1 =	sadd.s32 s1, s30  }
0xba: {  	s0 =	sor.u32 s3, s0;
	s1 =	sshll.u32 s1, $0x11  }
0xbb: {  	s0 =	sor.u32 s1, s0  }
0xbc: {  	s0 =	sadd.s32 $0x8F2B, s0  }
0xbd: {  	[sflag:s0] =	ssyncadd.remote.s32 $0x1  }
0xbe: {  	_ =	sfence.sel $0xFFFF  }
0xbf: {  	[dreg:$0x0] =	wrdreg $0xFFFFFFFF;
	(pc) =	sbr.abs _section_cstart, $3  }
0xc0: {  	[dreg:$0x1] =	wrdreg $0xFFFFFFFF  }
0xc1: {  	_ =	task.clear_ibuf [dreg:s7], $0x2FFFF;
	_ =	strace $0x9FFFFFFF  }
0xc2: {  	(tm) =	ssettm $0x7FFFFFFF  }
0xc3: {  	_ =	shalt  }
tec
execute0_lowered:
.L_overlay_start_1:
0x0: {  	(tag) =	ssettag $0x1  }
0x1: {  	s0 =	srdreg.scid  }
0x2: {  	s2 =	stileid.u32;
	s1 =	rddreg [dreg:$0x0]  }
0x3: {  	s6 =	simm.s32 $0x0;
	s14 =	simm.s32 $0x7D0;
	s15 =	simm.s32 $0xFA0  }
0x4: {  	s29 =	simm.s32 $0x1770;
	s30 =	simm.s32 $0x1B58;
	s31 =	simm.s32 $0x2328  }
0x5: {  	s10 =	simm.s32 $0x32C8;
	s12 =	simm.s32 $0x36B0;
	s13 =	simm.s32 $0x3A98  }
0x6: {  	s11 =	simm.s32 $0x7148;
	s0 =	sand.u32 $0x1, s0;
	s2 =	sshll.u32 s2, $0x1  }
0x7: {  	[smem:$0x7FF] =	sst s6;
	s7 =	sadd.s32 $0xE00, s1;
	s8 =	sadd.s32 $0xDE00, s1  }
0x8: {  	s18 =	sadd.s32 $0x1AE00, s1;
	s9 =	sadd.s32 $0x4DC00, s1;
	s2 =	sor.u32 s0, s2  }
0x9: {  	_ =	strace $0x80000047;
	[dreg:$0x6] =	wrdreg s18;
	s3 =	smul.u32 $0x34, s2  }
0xa: {  	s0 =	ssub.s32 $0x2, s0;
	[dreg:$0x7] =	wrdreg s9;
	s4 =	smul.u32 $0x28, s2  }
0xb: {  	[dreg:$0x3] =	wrdreg s7;
	s5 =	smul.u32 $0xD, s2;
	s19 =	sshrl.u32 s0, $0x1  }
0xc: {  	[dreg:$0x4] =	wrdreg s8;
	s0 =	ssub.s32 s0, s19;
	s3 =	sand.u32 $0x7C0, s3  }
0xd: {  	s4 =	sand.u32 $0x38, s4;
	s20 =	sadd.s32 $0xC, s5;
	[dreg:$0x5] =	wrdreg s5  }
0xe: {  	s23 =	sadd.s32 $0x2, s5;
	s0 =	smax.u32 s0, $0x1;
	s5 =	simm.s32 $0x0  }
0xf: {  	s17 =	sor.u32 s4, s3;
	s22 =	sshrl.u32 s20, $0x3;
	[dreg:$0xa] =	wrdreg s23  }
0x10: {  	s24 =	sshrl.u32 s20, $0x4;
	s1 =	sand.u32 $0x7, s20;
	[dreg:$0xe] =	wrdreg s0  }
0x11: {  	s0 =	simm.s32 $0x2AF8;
	s2 =	smul.u32 $0x7D, s17;
	s25 =	sshll.u32 s24, $0xB  }
0x12: {  	s3 =	sshll.u32 s24, $0x14;
	s28 =	sshll.u32 s1, $0x11;
	p0 =	sne.s32 s1, $0x0  }
0x13: {  	s17 =	simm.s32 $0x1388;
	s1 =	simm.s32 $0x2710;
	s3 =	sor.u32 s28, s3  }
0x14: {  	s21 =	sadd.s32 s18, s2;
	s2 =	sadd.s32 s9, s2;
	s18 =	simm.s32 $0xBB8  }
0x15: {  	s9 =	simm.s32 $0x2EE0;
	[dreg:$0x9] =	wrdreg s2;
	s2 =	sand.u32 $0x1, s22  }
0x16: {  	[dreg:$0x8] =	wrdreg s21;
	s26 =	sshll.u32 s2, $0xA;
	s2 =	sshll.u32 s2, $0x10  }
0x17: {  	s21 =	simm.s32 $0x7918;
	s4 =	sor.u32 s25, s26;
	s2 =	sor.u32 s3, s2  }
0x18: {  	s7 =	sadd.s32 s7, s4;
	s4 =	sadd.s32 s8, s4;
	[dreg:$0xd] =	wrdreg s2  }
0x19: {  	s8 =	simm.s32 $0x3E8;
	s2 =	simm.s32 $0x7530;
	[dreg:$0xb] =	wrdreg s7  }
0x1a: {  	[dreg:$0xc] =	wrdreg s4;
	s4 =	simm.s32 $0x1F40;
	s7 =	simm.s32 $0x3E80  }
.LBB2_1:
0x1b: {  	[dreg:$0xf] =	wrdreg s5  }
0x1c: {  	s3 =	rddreg [dreg:$0x8]  }
0x1d: {  	[tilespmem:s6], [sflag:$0x2] =	stream.linear.gather [hbm4b:s3+s6], $0x1F40, $0x38;
	[tilespmem:$0xDD00] =	vst v63  }
0x1e: {  	s28 =	rddreg [dreg:$0x9]  }
0x1f: {  	[tilespmem:s4], [sflag:$0x2] =	stream.linear.gather [hbm4b:s28+s6], $0x1F40, $0x38;
	[tilespmem:$0xDD00] =	vst v63  }
0x20: {  	s20 =	simm.s32 $0x0;
	s6 =	rddreg [dreg:$0x5]  }
.LBB2_2:
0x21: {  	s23 =	sshll.u32 s20, $0x1  }
0x22: {  	s16 =	sadd.s32 s6, s23  }
0x23: {  	p1 =	seq.s32 s20, $0x0;
	s3 =	sand.u32 $0x7, s16  }
0x24: {  	s22 =	sshrl.u32 s16, $0x3;
	p2 =	sne.s32 @!p1 s3, $0x0  }
0x25: {  	s19 =	sshrl.u32 s16, $0x4;
	s26 =	sand.u32 $0x1, s22;
	p1 =	por p1, !p2  }
0x26: {  	s4 =	sshll.u32 @p1 s19, $0xB;
	s22 =	sshll.u32 @p1 s26, $0xA  }
0x27: {  	s16 =	sor.u32 @p1 s4, s22;
	s4 =	rddreg @p1 [dreg:$0x3]  }
0x28: {  	s5 =	simm.s32 @p1 $0x7D00;
	s22 =	sadd.s32 @p1 s4, s16;
	s4 =	simm.s32 @p1 $0x0  }
0x29: {  	[tilespmem:s5], [sflag:$0x1] =	stream.linear.gather @p1 [hbm4b:s22+s4], $0x2000, $0x38;
	[tilespmem:$0xDD00] =	vst v63  }
0x2a: {  	s5 =	rddreg @p1 [dreg:$0x4]  }
0x2b: {  	s22 =	sadd.s32 @p1 s5, s16;
	s5 =	simm.s32 @p1 $0x9D00  }
0x2c: {  	[tilespmem:s5], [sflag:$0x1] =	stream.linear.gather @p1 [hbm4b:s22+s4], $0x2000, $0x38;
	[tilespmem:$0xDD00] =	vst v63  }
0x2d: {  	s4 =	simm.s32 @p1 $0x1  }
0x2e: {  	_ =	swait.ge @p1 [sflag:s4], $0x2000  }
0x2f: {  	[sflag:s4] =	ssyncset.done @p1 $0x0  }
0x30: {  	[sflag:s4] =	ssyncadd.s32 @p1 $0xFFFFE000  }
0x31: {  	_ =	swait.ge @p1 [sflag:s4], $0x2000  }
0x32: {  	s25 =	simm.s32 $0x2;
	s16 =	sadd.s32 s23, s6;
	[sflag:s4] =	ssyncset.done @p1 $0x0  }
0x33: {  	s24 =	sadd.s32 $0x1, s16;
	[dreg:$0x12] =	wrdreg s23;
	[sflag:s4] =	ssyncadd.s32 @p1 $0xFFFFE000  }
0x34: {  	s22 =	sshll.u32 s24, $0x2;
	s23 =	sshll.u32 s24, $0x3;
	_ =	swait.ge [sflag:s25], $0x1F40  }
0x35: {  	s22 =	sand.u32 $0x1FFFFFC0, s22;
	s16 =	sand.u32 $0x38, s23;
	[sflag:s25] =	ssyncset.done $0x0  }
0x36: {  	s16 =	sor.u32 s16, s22;
	s22 =	simm.s32 $0x9F10;
	[sflag:s25] =	ssyncadd.s32 $0xFFFFE0C0  }
0x37: {  	s16 =	smul.u32 $0x3E8, s16;
	_ =	swait.ge [sflag:s25], $0x1F40;
	[dreg:$0x13] =	wrdreg s22  }
0x38: {  	s28 =	simm.s32 $0x9D10;
	s3 =	sshll.u32 s3, $0x11;
	s5 =	rddreg [dreg:$0x6]  }
0x39: {  	s16 =	sshrl.u32 s16, $0x3;
	[sflag:s25] =	ssyncset.done $0x0;
	s23 =	rddreg [dreg:$0x7]  }
0x3a: {  	[sflag:s25] =	ssyncadd.s32 $0xFFFFE0C0;
	s6 =	sadd.s32 s5, s16;
	s25 =	simm.s32 $0x0  }
0x3b: {  	[tilespmem:s7], [sflag:$0x3] =	stream.linear.gather [hbm4b:s6+s25], $0x1F40, $0x38;
	[tilespmem:$0xDD00] =	vst v63  }
0x3c: {  	s16 =	sadd.s32 s23, s16;
	s5 =	simm.s32 $0x5DC0;
	s6 =	sshll.u32 s19, $0x14  }
0x3d: {  	s23 =	simm.s32 $0x7F10;
	s7 =	sshll.u32 s26, $0x10;
	s3 =	sor.u32 s3, s6  }
0x3e: {  	[tilespmem:s5], [sflag:$0x3] =	stream.linear.gather [hbm4b:s16+s25], $0x1F40, $0x38;
	[tilespmem:$0xDD00] =	vst v63  }
0x3f: {  	s4 =	simm.s32 $0x7D10;
	[dreg:$0x15] =	wrdreg s23;
	s26 =	sor.u32 s3, s7  }
.LBB2_3:
0x40: {  	s3 =	sor.u32 s20, s25  }
0x41: {  	p1 =	seq.s32 s3, $0x0  }
0x42: {  	s22 =	simm.s32 $0x10;
	s3 =	simm.s32 @!p1 $0x4  }
0x43: {  	s23 =	smov.u32 s4;
	s16 =	smov.u32 s28;
	_ =	swait.ge @!p1 [sflag:s3], $0x1000  }
0x44: {  	s19 =	simm.s32 $0x0;
	s6 =	simm.s32 $0x0;
	[sflag:s3] =	ssyncset.done @!p1 $0x0  }
0x45: {  	s7 =	simm.s32 $0x1F40;
	[sflag:s3] =	ssyncadd.s32 @!p1 $0xFFFFF000;
	s3 =	smov.u32 s4  }
.LBB2_4:
0x46: {  	v0 =	vld [tilespmem:s3+$0xFFFFFFF0];
	_ =	sdelay $0x6  }
0x47: {  	v1 =	vld [tilespmem:s16+$0xFFFFFFF0]  }
0x48: {  	v2 =	vld.idx.msk [tilespmem:v0+s6+$0x0], $0xffff  }
0x49: {  	v3 =	vld.idx.msk [tilespmem:v0+s8+$0x0], $0xffff  }
0x4a: {  	v4 =	vld.idx.msk [tilespmem:v0+s14+$0x0], $0xffff  }
0x4b: {  	v5 =	vld.idx.msk [tilespmem:v0+s18+$0x0], $0xffff  }
0x4c: {  	v6 =	vld.idx.msk [tilespmem:v0+s15+$0x0], $0xffff  }
0x4d: {  	v7 =	vld.idx.msk [tilespmem:v0+s17+$0x0], $0xffff  }
0x4e: {  	v8 =	vld.idx.msk [tilespmem:v0+s29+$0x0], $0xffff  }
0x4f: {  	v0 =	vld.idx.msk [tilespmem:v0+s30+$0x0], $0xffff  }
0x50: {  	v9 =	vld.idx.msk [tilespmem:v1+s7+$0x0], $0xffff  }
0x51: {  	v10 =	vld.idx.msk [tilespmem:v1+s31+$0x0], $0xffff  }
0x52: {  	v11 =	vld.idx.msk [tilespmem:v1+s1+$0x0], $0xffff  }
0x53: {  	v12 =	vld.idx.msk [tilespmem:v1+s0+$0x0], $0xffff  }
0x54: {  	s4 =	sadd.s32 $0xFFFFFFF0, s22;
	s5 =	sand.u32 $0xC00, s19;
	v13 =	vld.idx.msk [tilespmem:v1+s9+$0x0], $0xffff  }
0x55: {  	s4 =	sand.u32 $0x60, s4;
	s5 =	sadd.s32 $0xBD00, s5;
	v14 =	vld.idx.msk [tilespmem:v1+s10+$0x0], $0xffff;
	v2 =	vadd.f32 v9, v2  }
0x56: {  	s4 =	sor.u32 s4, s5;
	v15 =	vld.idx.msk [tilespmem:v1+s12+$0x0], $0xffff;
	v3 =	vadd.f32 v10, v3  }
0x57: {  	v1 =	vld.idx.msk [tilespmem:v1+s13+$0x0], $0xffff;
	v4 =	vadd.f32 v11, v4;
	[tilespmem:s4+$0x0] =	vst v2  }
0x58: {  	v44 =	vadd.f32 v12, v5;
	[tilespmem:s4+$0x80] =	vst v3  }
0x59: {  	v45 =	vadd.f32 v13, v6;
	[tilespmem:s4+$0x100] =	vst v4  }
0x5a: {  	v46 =	vadd.f32 v14, v7;
	[tilespmem:s4+$0x180] =	vst v44  }
0x5b: {  	v47 =	vadd.f32 v15, v8;
	[tilespmem:s4+$0x200] =	vst v45  }
0x5c: {  	v0 =	vadd.f32 v1, v0;
	[tilespmem:s4+$0x280] =	vst v46  }
0x5d: {  	[tilespmem:s4+$0x300] =	vst v47  }
0x5e: {  	[tilespmem:s4+$0x380] =	vst v0  }
0x5f: {  	v0 =	vld [tilespmem:s3+$0x0];
	_ =	sdelay $0x6  }
0x60: {  	v48 =	vld [tilespmem:s16+$0x0]  }
0x61: {  	v2 =	vld.idx.msk [tilespmem:v0+s6+$0x0], $0xffff  }
0x62: {  	v3 =	vld.idx.msk [tilespmem:v0+s8+$0x0], $0xffff  }
0x63: {  	v4 =	vld.idx.msk [tilespmem:v0+s14+$0x0], $0xffff  }
0x64: {  	v49 =	vld.idx.msk [tilespmem:v0+s18+$0x0], $0xffff  }
0x65: {  	v50 =	vld.idx.msk [tilespmem:v0+s15+$0x0], $0xffff  }
0x66: {  	v51 =	vld.idx.msk [tilespmem:v0+s17+$0x0], $0xffff  }
0x67: {  	v52 =	vld.idx.msk [tilespmem:v0+s29+$0x0], $0xffff  }
0x68: {  	v0 =	vld.idx.msk [tilespmem:v0+s30+$0x0], $0xffff  }
0x69: {  	v53 =	vld.idx.msk [tilespmem:v48+s7+$0x0], $0xffff  }
0x6a: {  	v54 =	vld.idx.msk [tilespmem:v48+s31+$0x0], $0xffff  }
0x6b: {  	v55 =	vld.idx.msk [tilespmem:v48+s1+$0x0], $0xffff  }
0x6c: {  	v56 =	vld.idx.msk [tilespmem:v48+s0+$0x0], $0xffff  }
0x6d: {  	v57 =	vld.idx.msk [tilespmem:v48+s9+$0x0], $0xffff  }
0x6e: {  	s4 =	sand.u32 $0x70, s22;
	v58 =	vld.idx.msk [tilespmem:v48+s10+$0x0], $0xffff;
	v2 =	vadd.f32 v53, v2  }
0x6f: {  	s4 =	sor.u32 s4, s5;
	v59 =	vld.idx.msk [tilespmem:v48+s12+$0x0], $0xffff;
	v3 =	vadd.f32 v54, v3  }
0x70: {  	v1 =	vld.idx.msk [tilespmem:v48+s13+$0x0], $0xffff;
	v4 =	vadd.f32 v55, v4;
	[tilespmem:s4+$0x0] =	vst v2  }
0x71: {  	v60 =	vadd.f32 v56, v49;
	[tilespmem:s4+$0x80] =	vst v3  }
0x72: {  	p2 =	sne.s32 s22, $0x1F0;
	v61 =	vadd.f32 v57, v50;
	[tilespmem:s4+$0x100] =	vst v4  }
.Ltmp0:
0x73: {  	v62 =	vadd.f32 v58, v51;
	[tilespmem:s4+$0x180] =	vst v60;
	(pc) =	sbr.rel @p2 .LBB2_4-.Ltmp0, $4  }
0x74: {  	v63 =	vadd.f32 v59, v52;
	[tilespmem:s4+$0x200] =	vst v61  }
0x75: {  	v0 =	vadd.f32 v1, v0;
	[tilespmem:s4+$0x280] =	vst v62  }
0x76: {  	s19 =	sadd.s32 $0x100, s19;
	[tilespmem:s4+$0x300] =	vst v63  }
0x77: {  	s22 =	sadd.s32 $0x20, s22;
	s16 =	sadd.s32 $0x20, s16;
	s3 =	sadd.s32 $0x20, s3;
	[tilespmem:s4+$0x380] =	vst v0  }
0x78: {  	s3 =	sshll.u32 s25, $0xD  }
0x79: {  	s3 =	sadd.s32 s26, s3  }
0x7a: {  	s4 =	rddreg [dreg:$0x1];
	s3 =	sshrl.u32 s3, $0x3  }
0x7b: {  	s19 =	simm.s32 $0xBD00;
	s3 =	sadd.s32 s4, s3  }
0x7c: {  	[hbm4b:s3+s6] =	stream.linear.scatter [tilespmem:s19], [sflag:$0x4], $0x1000, $0x38;
	[tilespmem:$0xDD00] =	vst v63  }
0x7d: {  	s22 =	sshllo.u32 s25, $0x1;
	s3 =	simm.s32 @!p1 $0x5  }
0x7e: {  	_ =	swait.ge @!p1 [sflag:s3], $0x1000;
	[dreg:$0x1a] =	wrdreg s22  }
0x7f: {  	s22 =	simm.s32 $0x10;
	[sflag:s3] =	ssyncset.done @!p1 $0x0;
	s16 =	rddreg [dreg:$0x15]  }
0x80: {  	s19 =	rddreg [dreg:$0x13];
	[sflag:s3] =	ssyncadd.s32 @!p1 $0xFFFFF000;
	s3 =	simm.s32 $0x0  }
.LBB2_6:
0x81: {  	v0 =	vld [tilespmem:s16+$0xFFFFFFF0];
	_ =	sdelay $0x6  }
0x82: {  	v1 =	vld [tilespmem:s19+$0xFFFFFFF0]  }
0x83: {  	v2 =	vld.idx.msk [tilespmem:v0+s6+$0x0], $0xffff  }
0x84: {  	v3 =	vld.idx.msk [tilespmem:v0+s8+$0x0], $0xffff  }
0x85: {  	v4 =	vld.idx.msk [tilespmem:v0+s14+$0x0], $0xffff  }
0x86: {  	v5 =	vld.idx.msk [tilespmem:v0+s18+$0x0], $0xffff  }
0x87: {  	v6 =	vld.idx.msk [tilespmem:v0+s15+$0x0], $0xffff  }
0x88: {  	v7 =	vld.idx.msk [tilespmem:v0+s17+$0x0], $0xffff  }
0x89: {  	v8 =	vld.idx.msk [tilespmem:v0+s29+$0x0], $0xffff  }
0x8a: {  	v0 =	vld.idx.msk [tilespmem:v0+s30+$0x0], $0xffff  }
0x8b: {  	v9 =	vld.idx.msk [tilespmem:v1+s7+$0x0], $0xffff  }
0x8c: {  	v10 =	vld.idx.msk [tilespmem:v1+s31+$0x0], $0xffff  }
0x8d: {  	v11 =	vld.idx.msk [tilespmem:v1+s1+$0x0], $0xffff  }
0x8e: {  	v12 =	vld.idx.msk [tilespmem:v1+s0+$0x0], $0xffff  }
0x8f: {  	s4 =	sadd.s32 $0xFFFFFFF0, s22;
	s5 =	sand.u32 $0xC00, s3;
	v13 =	vld.idx.msk [tilespmem:v1+s9+$0x0], $0xffff  }
0x90: {  	s4 =	sand.u32 $0x60, s4;
	s5 =	sadd.s32 $0xCD00, s5;
	v14 =	vld.idx.msk [tilespmem:v1+s10+$0x0], $0xffff;
	v2 =	vadd.f32 v9, v2  }
0x91: {  	s4 =	sor.u32 s4, s5;
	v15 =	vld.idx.msk [tilespmem:v1+s12+$0x0], $0xffff;
	v3 =	vadd.f32 v10, v3  }
0x92: {  	v1 =	vld.idx.msk [tilespmem:v1+s13+$0x0], $0xffff;
	v4 =	vadd.f32 v11, v4;
	[tilespmem:s4+$0x0] =	vst v2  }
0x93: {  	v44 =	vadd.f32 v12, v5;
	[tilespmem:s4+$0x80] =	vst v3  }
0x94: {  	v45 =	vadd.f32 v13, v6;
	[tilespmem:s4+$0x100] =	vst v4  }
0x95: {  	v46 =	vadd.f32 v14, v7;
	[tilespmem:s4+$0x180] =	vst v44  }
0x96: {  	v47 =	vadd.f32 v15, v8;
	[tilespmem:s4+$0x200] =	vst v45  }
0x97: {  	v0 =	vadd.f32 v1, v0;
	[tilespmem:s4+$0x280] =	vst v46  }
0x98: {  	[tilespmem:s4+$0x300] =	vst v47  }
0x99: {  	[tilespmem:s4+$0x380] =	vst v0  }
0x9a: {  	v0 =	vld [tilespmem:s16+$0x0];
	_ =	sdelay $0x6  }
0x9b: {  	v48 =	vld [tilespmem:s19+$0x0]  }
0x9c: {  	v2 =	vld.idx.msk [tilespmem:v0+s6+$0x0], $0xffff  }
0x9d: {  	v3 =	vld.idx.msk [tilespmem:v0+s8+$0x0], $0xffff  }
0x9e: {  	v4 =	vld.idx.msk [tilespmem:v0+s14+$0x0], $0xffff  }
0x9f: {  	v49 =	vld.idx.msk [tilespmem:v0+s18+$0x0], $0xffff  }
0xa0: {  	v50 =	vld.idx.msk [tilespmem:v0+s15+$0x0], $0xffff  }
0xa1: {  	v51 =	vld.idx.msk [tilespmem:v0+s17+$0x0], $0xffff  }
0xa2: {  	v52 =	vld.idx.msk [tilespmem:v0+s29+$0x0], $0xffff  }
0xa3: {  	v0 =	vld.idx.msk [tilespmem:v0+s30+$0x0], $0xffff  }
0xa4: {  	v53 =	vld.idx.msk [tilespmem:v48+s7+$0x0], $0xffff  }
0xa5: {  	v54 =	vld.idx.msk [tilespmem:v48+s31+$0x0], $0xffff  }
0xa6: {  	v55 =	vld.idx.msk [tilespmem:v48+s1+$0x0], $0xffff  }
0xa7: {  	v56 =	vld.idx.msk [tilespmem:v48+s0+$0x0], $0xffff  }
0xa8: {  	v57 =	vld.idx.msk [tilespmem:v48+s9+$0x0], $0xffff  }
0xa9: {  	s4 =	sand.u32 $0x70, s22;
	v58 =	vld.idx.msk [tilespmem:v48+s10+$0x0], $0xffff;
	v2 =	vadd.f32 v53, v2  }
0xaa: {  	s4 =	sor.u32 s4, s5;
	v59 =	vld.idx.msk [tilespmem:v48+s12+$0x0], $0xffff;
	v3 =	vadd.f32 v54, v3  }
0xab: {  	v1 =	vld.idx.msk [tilespmem:v48+s13+$0x0], $0xffff;
	v4 =	vadd.f32 v55, v4;
	[tilespmem:s4+$0x0] =	vst v2  }
0xac: {  	v60 =	vadd.f32 v56, v49;
	[tilespmem:s4+$0x80] =	vst v3  }
0xad: {  	p1 =	sne.s32 s22, $0x1F0;
	v61 =	vadd.f32 v57, v50;
	[tilespmem:s4+$0x100] =	vst v4  }
.Ltmp1:
0xae: {  	v62 =	vadd.f32 v58, v51;
	[tilespmem:s4+$0x180] =	vst v60;
	(pc) =	sbr.rel @p1 .LBB2_6-.Ltmp1, $4  }
0xaf: {  	v63 =	vadd.f32 v59, v52;
	[tilespmem:s4+$0x200] =	vst v61  }
0xb0: {  	v0 =	vadd.f32 v1, v0;
	[tilespmem:s4+$0x280] =	vst v62  }
0xb1: {  	s3 =	sadd.s32 $0x100, s3;
	[tilespmem:s4+$0x300] =	vst v63  }
0xb2: {  	s22 =	sadd.s32 $0x20, s22;
	s19 =	sadd.s32 $0x20, s19;
	s16 =	sadd.s32 $0x20, s16;
	[tilespmem:s4+$0x380] =	vst v0  }
0xb3: {  	s3 =	rddreg [dreg:$0x1a]  }
0xb4: {  	s3 =	sshll.u32 s3, $0xC  }
0xb5: {  	s4 =	rddreg [dreg:$0x1];
	s25 =	sadd.s32 $0x1, s25;
	s3 =	sadd.s32 s26, s3  }
0xb6: {  	s19 =	simm.s32 $0xCD00;
	p1 =	sne.s32 s25, $0x8;
	s3 =	sshrl.u32 s3, $0x3  }
.Ltmp2:
0xb7: {  	s22 =	rddreg [dreg:$0x13];
	s3 =	sadd.s32 s4, s3;
	(pc) =	sbr.rel @p1 .LBB2_3-.Ltmp2, $4  }
0xb8: {  	[hbm4b:s3+s6] =	stream.linear.scatter [tilespmem:s19], [sflag:$0x5], $0x1000, $0x38;
	[tilespmem:$0xDD00] =	vst v63  }
0xb9: {  	s4 =	sadd.s32 $0x400, s23;
	s23 =	rddreg [dreg:$0x15];
	s3 =	sadd.s32 $0x400, s22  }
0xba: {  	[dreg:$0x13] =	wrdreg s3;
	s3 =	sadd.s32 $0x400, s23  }
0xbb: {  	s7 =	simm.s32 $0x1F40;
	s28 =	sadd.s32 $0x400, s28;
	[dreg:$0x15] =	wrdreg s3  }
0xbc: {  	s3 =	sshrl.u32 s24, $0x3;
	s14 =	sand.u32 $0x7, s24  }
0xbd: {  	s5 =	sshrl.u32 s24, $0x4;
	s3 =	sand.u32 $0x1, s3;
	p1 =	sne.s32 s14, $0x0  }
0xbe: {  	s16 =	sshll.u32 @!p1 s5, $0xB;
	s19 =	sshll.u32 @!p1 s3, $0xA  }
0xbf: {  	s4 =	rddreg [dreg:$0x3];
	s16 =	sor.u32 @!p1 s16, s19  }
0xc0: {  	s22 =	simm.s32 @!p1 $0x0;
	s19 =	sadd.s32 @!p1 s4, s16;
	s4 =	simm.s32 @!p1 $0x7D00  }
0xc1: {  	[tilespmem:s4], [sflag:$0x1] =	stream.linear.gather @!p1 [hbm4b:s19+s22], $0x2000, $0x38;
	[tilespmem:$0xDD00] =	vst v63  }
0xc2: {  	s4 =	rddreg [dreg:$0x4]  }
0xc3: {  	s4 =	sadd.s32 @!p1 s4, s16;
	s16 =	simm.s32 @!p1 $0x9D00  }
0xc4: {  	[tilespmem:s16], [sflag:$0x1] =	stream.linear.gather @!p1 [hbm4b:s4+s22], $0x2000, $0x38;
	[tilespmem:$0xDD00] =	vst v63  }
0xc5: {  	[dreg:$0x10] =	wrdreg s20;
	s4 =	simm.s32 @!p1 $0x1  }
0xc6: {  	_ =	swait.ge @!p1 [sflag:s4], $0x2000  }
0xc7: {  	[sflag:s4] =	ssyncset.done @!p1 $0x0  }
0xc8: {  	[sflag:s4] =	ssyncadd.s32 @!p1 $0xFFFFE000  }
0xc9: {  	_ =	swait.ge @!p1 [sflag:s4], $0x2000  }
0xca: {  	s6 =	rddreg [dreg:$0xa]  }
0xcb: {  	s17 =	simm.s32 $0x3;
	s20 =	simm.s32 $0x0;
	s8 =	rddreg [dreg:$0x12]  }
0xcc: {  	s23 =	simm.s32 $0x0;
	[sflag:s4] =	ssyncset.done @!p1 $0x0;
	s8 =	sadd.s32 s8, s6  }
0xcd: {  	[sflag:s4] =	ssyncadd.s32 @!p1 $0xFFFFE000;
	s15 =	sshll.u32 s8, $0x2;
	s16 =	sshll.u32 s8, $0x3  }
0xce: {  	_ =	swait.ge [sflag:s17], $0x1F40;
	s4 =	sand.u32 $0x1FFFFFC0, s15;
	s16 =	sand.u32 $0x38, s16  }
0xcf: {  	s26 =	simm.s32 $0x9F10;
	[sflag:s17] =	ssyncset.done $0x0;
	s4 =	sor.u32 s16, s4  }
0xd0: {  	s28 =	simm.s32 $0x7F10;
	[sflag:s17] =	ssyncadd.s32 $0xFFFFE0C0;
	s4 =	smul.u32 $0x3E8, s4  }
0xd1: {  	s24 =	sshll.u32 s5, $0x14;
	s25 =	sshll.u32 s14, $0x11;
	_ =	swait.ge [sflag:s17], $0x1F40  }
0xd2: {  	[sflag:s17] =	ssyncset.done $0x0;
	s18 =	rddreg [dreg:$0x6];
	s4 =	sshrl.u32 s4, $0x3  }
0xd3: {  	s22 =	rddreg [dreg:$0x7];
	[sflag:s17] =	ssyncadd.s32 $0xFFFFE0C0;
	s19 =	sadd.s32 s18, s4  }
0xd4: {  	[tilespmem:s20], [sflag:$0x2] =	stream.linear.gather [hbm4b:s19+s20], $0x1F40, $0x38;
	[tilespmem:$0xDD00] =	vst v63  }
0xd5: {  	s3 =	sshll.u32 s3, $0x10;
	[dreg:$0x11] =	wrdreg s23;
	s4 =	sadd.s32 s22, s4  }
0xd6: {  	[tilespmem:s7], [sflag:$0x2] =	stream.linear.gather [hbm4b:s4+s20], $0x1F40, $0x38;
	[tilespmem:$0xDD00] =	vst v63  }
0xd7: {  	s6 =	simm.s32 $0x5DC0;
	[dreg:$0x18] =	wrdreg s26;
	s4 =	sor.u32 s25, s24  }
0xd8: {  	s16 =	simm.s32 $0x9D10;
	[dreg:$0x19] =	wrdreg s28;
	s3 =	sor.u32 s4, s3  }
0xd9: {  	s7 =	simm.s32 $0x3E80;
	s4 =	simm.s32 $0x7D10;
	[dreg:$0x14] =	wrdreg s3  }
.LBB2_9:
0xda: {  	s3 =	simm.s32 $0x4;
	s22 =	simm.s32 $0x10  }
0xdb: {  	s19 =	simm.s32 $0x0;
	s8 =	simm.s32 $0x4268;
	s23 =	simm.s32 $0x4650  }
0xdc: {  	s14 =	simm.s32 $0x4A38;
	s24 =	simm.s32 $0x4E20;
	s18 =	simm.s32 $0x5208  }
0xdd: {  	s20 =	simm.s32 $0x55F0;
	s25 =	simm.s32 $0x59D8;
	s15 =	simm.s32 $0x61A8  }
0xde: {  	s26 =	simm.s32 $0x6590;
	s17 =	simm.s32 $0x6978;
	_ =	swait.ge [sflag:s3], $0x1000  }
0xdf: {  	s28 =	simm.s32 $0x6D60;
	[dreg:$0x17] =	wrdreg s4;
	[sflag:s3] =	ssyncset.done $0x0  }
0xe0: {  	[dreg:$0x16] =	wrdreg s16;
	[sflag:s3] =	ssyncadd.s32 $0xFFFFF000;
	s3 =	smov.u32 s4  }
.LBB2_10:
0xe1: {  	v0 =	vld [tilespmem:s3+$0xFFFFFFF0];
	_ =	sdelay $0x6  }
0xe2: {  	v1 =	vld [tilespmem:s16+$0xFFFFFFF0]  }
0xe3: {  	v2 =	vld.idx.msk [tilespmem:v0+s7+$0x0], $0xffff  }
0xe4: {  	v3 =	vld.idx.msk [tilespmem:v0+s8+$0x0], $0xffff  }
0xe5: {  	v4 =	vld.idx.msk [tilespmem:v0+s23+$0x0], $0xffff  }
0xe6: {  	v5 =	vld.idx.msk [tilespmem:v0+s14+$0x0], $0xffff  }
0xe7: {  	v6 =	vld.idx.msk [tilespmem:v0+s24+$0x0], $0xffff  }
0xe8: {  	v7 =	vld.idx.msk [tilespmem:v0+s18+$0x0], $0xffff  }
0xe9: {  	v8 =	vld.idx.msk [tilespmem:v0+s20+$0x0], $0xffff  }
0xea: {  	v0 =	vld.idx.msk [tilespmem:v0+s25+$0x0], $0xffff  }
0xeb: {  	v9 =	vld.idx.msk [tilespmem:v1+s6+$0x0], $0xffff  }
0xec: {  	v10 =	vld.idx.msk [tilespmem:v1+s15+$0x0], $0xffff  }
0xed: {  	v11 =	vld.idx.msk [tilespmem:v1+s26+$0x0], $0xffff  }
0xee: {  	v12 =	vld.idx.msk [tilespmem:v1+s17+$0x0], $0xffff  }
0xef: {  	s4 =	sadd.s32 $0xFFFFFFF0, s22;
	s5 =	sand.u32 $0xC00, s19;
	v13 =	vld.idx.msk [tilespmem:v1+s28+$0x0], $0xffff  }
0xf0: {  	s4 =	sand.u32 $0x60, s4;
	s5 =	sadd.s32 $0xBD00, s5;
	v14 =	vld.idx.msk [tilespmem:v1+s11+$0x0], $0xffff;
	v2 =	vadd.f32 v9, v2  }
0xf1: {  	s4 =	sor.u32 s4, s5;
	v15 =	vld.idx.msk [tilespmem:v1+s2+$0x0], $0xffff;
	v3 =	vadd.f32 v10, v3  }
0xf2: {  	v1 =	vld.idx.msk [tilespmem:v1+s21+$0x0], $0xffff;
	v4 =	vadd.f32 v11, v4;
	[tilespmem:s4+$0x0] =	vst v2  }
0xf3: {  	v44 =	vadd.f32 v12, v5;
	[tilespmem:s4+$0x80] =	vst v3  }
0xf4: {  	v45 =	vadd.f32 v13, v6;
	[tilespmem:s4+$0x100] =	vst v4  }
0xf5: {  	v46 =	vadd.f32 v14, v7;
	[tilespmem:s4+$0x180] =	vst v44  }
0xf6: {  	v47 =	vadd.f32 v15, v8;
	[tilespmem:s4+$0x200] =	vst v45  }
0xf7: {  	v0 =	vadd.f32 v1, v0;
	[tilespmem:s4+$0x280] =	vst v46  }
0xf8: {  	[tilespmem:s4+$0x300] =	vst v47  }
0xf9: {  	[tilespmem:s4+$0x380] =	vst v0  }
0xfa: {  	v0 =	vld [tilespmem:s3+$0x0];
	_ =	sdelay $0x6  }
0xfb: {  	v48 =	vld [tilespmem:s16+$0x0]  }
0xfc: {  	v2 =	vld.idx.msk [tilespmem:v0+s7+$0x0], $0xffff  }
0xfd: {  	v3 =	vld.idx.msk [tilespmem:v0+s8+$0x0], $0xffff  }
0xfe: {  	v4 =	vld.idx.msk [tilespmem:v0+s23+$0x0], $0xffff  }
0xff: {  	v49 =	vld.idx.msk [tilespmem:v0+s14+$0x0], $0xffff  }
0x100: {  	v50 =	vld.idx.msk [tilespmem:v0+s24+$0x0], $0xffff  }
0x101: {  	v51 =	vld.idx.msk [tilespmem:v0+s18+$0x0], $0xffff  }
0x102: {  	v52 =	vld.idx.msk [tilespmem:v0+s20+$0x0], $0xffff  }
0x103: {  	v0 =	vld.idx.msk [tilespmem:v0+s25+$0x0], $0xffff  }
0x104: {  	v53 =	vld.idx.msk [tilespmem:v48+s6+$0x0], $0xffff  }
0x105: {  	v54 =	vld.idx.msk [tilespmem:v48+s15+$0x0], $0xffff  }
0x106: {  	v55 =	vld.idx.msk [tilespmem:v48+s26+$0x0], $0xffff  }
0x107: {  	v56 =	vld.idx.msk [tilespmem:v48+s17+$0x0], $0xffff  }
0x108: {  	v57 =	vld.idx.msk [tilespmem:v48+s28+$0x0], $0xffff  }
0x109: {  	s4 =	sand.u32 $0x70, s22;
	v58 =	vld.idx.msk [tilespmem:v48+s11+$0x0], $0xffff;
	v2 =	vadd.f32 v53, v2  }
0x10a: {  	s4 =	sor.u32 s4, s5;
	v59 =	vld.idx.msk [tilespmem:v48+s2+$0x0], $0xffff;
	v3 =	vadd.f32 v54, v3  }
0x10b: {  	v1 =	vld.idx.msk [tilespmem:v48+s21+$0x0], $0xffff;
	v4 =	vadd.f32 v55, v4;
	[tilespmem:s4+$0x0] =	vst v2  }
0x10c: {  	v60 =	vadd.f32 v56, v49;
	[tilespmem:s4+$0x80] =	vst v3  }
0x10d: {  	p1 =	sne.s32 s22, $0x1F0;
	v61 =	vadd.f32 v57, v50;
	[tilespmem:s4+$0x100] =	vst v4  }
.Ltmp3:
0x10e: {  	v62 =	vadd.f32 v58, v51;
	[tilespmem:s4+$0x180] =	vst v60;
	(pc) =	sbr.rel @p1 .LBB2_10-.Ltmp3, $4  }
0x10f: {  	v63 =	vadd.f32 v59, v52;
	[tilespmem:s4+$0x200] =	vst v61  }
0x110: {  	v0 =	vadd.f32 v1, v0;
	[tilespmem:s4+$0x280] =	vst v62  }
0x111: {  	s19 =	sadd.s32 $0x100, s19;
	[tilespmem:s4+$0x300] =	vst v63  }
0x112: {  	s22 =	sadd.s32 $0x20, s22;
	s16 =	sadd.s32 $0x20, s16;
	s3 =	sadd.s32 $0x20, s3;
	[tilespmem:s4+$0x380] =	vst v0  }
0x113: {  	s5 =	rddreg [dreg:$0x11]  }
0x114: {  	s4 =	rddreg [dreg:$0x14];
	s3 =	sshll.u32 s5, $0xD  }
0x115: {  	s3 =	sadd.s32 s4, s3  }
0x116: {  	s16 =	rddreg [dreg:$0x1];
	s3 =	sshrl.u32 s3, $0x3  }
0x117: {  	s22 =	simm.s32 $0x0;
	s19 =	simm.s32 $0xBD00;
	s3 =	sadd.s32 s16, s3  }
0x118: {  	[hbm4b:s3+s22] =	stream.linear.scatter [tilespmem:s19], [sflag:$0x4], $0x1000, $0x38;
	[tilespmem:$0xDD00] =	vst v63  }
0x119: {  	s16 =	simm.s32 $0x5;
	s19 =	sshllo.u32 s5, $0x1  }
0x11a: {  	_ =	swait.ge [sflag:s16], $0x1000;
	[dreg:$0x1b] =	wrdreg s19  }
0x11b: {  	[sflag:s16] =	ssyncset.done $0x0;
	s19 =	rddreg [dreg:$0x18]  }
0x11c: {  	s3 =	simm.s32 $0x10;
	[sflag:s16] =	ssyncadd.s32 $0xFFFFF000;
	s16 =	rddreg [dreg:$0x19]  }
.LBB2_12:
0x11d: {  	v0 =	vld [tilespmem:s16+$0xFFFFFFF0];
	_ =	sdelay $0x6  }
0x11e: {  	v1 =	vld [tilespmem:s19+$0xFFFFFFF0]  }
0x11f: {  	v2 =	vld.idx.msk [tilespmem:v0+s7+$0x0], $0xffff  }
0x120: {  	v3 =	vld.idx.msk [tilespmem:v0+s8+$0x0], $0xffff  }
0x121: {  	v4 =	vld.idx.msk [tilespmem:v0+s23+$0x0], $0xffff  }
0x122: {  	v5 =	vld.idx.msk [tilespmem:v0+s14+$0x0], $0xffff  }
0x123: {  	v6 =	vld.idx.msk [tilespmem:v0+s24+$0x0], $0xffff  }
0x124: {  	v7 =	vld.idx.msk [tilespmem:v0+s18+$0x0], $0xffff  }
0x125: {  	v8 =	vld.idx.msk [tilespmem:v0+s20+$0x0], $0xffff  }
0x126: {  	v0 =	vld.idx.msk [tilespmem:v0+s25+$0x0], $0xffff  }
0x127: {  	v9 =	vld.idx.msk [tilespmem:v1+s6+$0x0], $0xffff  }
0x128: {  	v10 =	vld.idx.msk [tilespmem:v1+s15+$0x0], $0xffff  }
0x129: {  	v11 =	vld.idx.msk [tilespmem:v1+s26+$0x0], $0xffff  }
0x12a: {  	v12 =	vld.idx.msk [tilespmem:v1+s17+$0x0], $0xffff  }
0x12b: {  	s4 =	sadd.s32 $0xFFFFFFF0, s3;
	s5 =	sand.u32 $0xC00, s22;
	v13 =	vld.idx.msk [tilespmem:v1+s28+$0x0], $0xffff  }
0x12c: {  	s4 =	sand.u32 $0x60, s4;
	s5 =	sadd.s32 $0xCD00, s5;
	v14 =	vld.idx.msk [tilespmem:v1+s11+$0x0], $0xffff;
	v2 =	vadd.f32 v9, v2  }
0x12d: {  	s4 =	sor.u32 s4, s5;
	v15 =	vld.idx.msk [tilespmem:v1+s2+$0x0], $0xffff;
	v3 =	vadd.f32 v10, v3  }
0x12e: {  	v1 =	vld.idx.msk [tilespmem:v1+s21+$0x0], $0xffff;
	v4 =	vadd.f32 v11, v4;
	[tilespmem:s4+$0x0] =	vst v2  }
0x12f: {  	v44 =	vadd.f32 v12, v5;
	[tilespmem:s4+$0x80] =	vst v3  }
0x130: {  	v45 =	vadd.f32 v13, v6;
	[tilespmem:s4+$0x100] =	vst v4  }
0x131: {  	v46 =	vadd.f32 v14, v7;
	[tilespmem:s4+$0x180] =	vst v44  }
0x132: {  	v47 =	vadd.f32 v15, v8;
	[tilespmem:s4+$0x200] =	vst v45  }
0x133: {  	v0 =	vadd.f32 v1, v0;
	[tilespmem:s4+$0x280] =	vst v46  }
0x134: {  	[tilespmem:s4+$0x300] =	vst v47  }
0x135: {  	[tilespmem:s4+$0x380] =	vst v0  }
0x136: {  	v0 =	vld [tilespmem:s16+$0x0];
	_ =	sdelay $0x6  }
0x137: {  	v48 =	vld [tilespmem:s19+$0x0]  }
0x138: {  	v2 =	vld.idx.msk [tilespmem:v0+s7+$0x0], $0xffff  }
0x139: {  	v3 =	vld.idx.msk [tilespmem:v0+s8+$0x0], $0xffff  }
0x13a: {  	v4 =	vld.idx.msk [tilespmem:v0+s23+$0x0], $0xffff  }
0x13b: {  	v49 =	vld.idx.msk [tilespmem:v0+s14+$0x0], $0xffff  }
0x13c: {  	v50 =	vld.idx.msk [tilespmem:v0+s24+$0x0], $0xffff  }
0x13d: {  	v51 =	vld.idx.msk [tilespmem:v0+s18+$0x0], $0xffff  }
0x13e: {  	v52 =	vld.idx.msk [tilespmem:v0+s20+$0x0], $0xffff  }
0x13f: {  	v0 =	vld.idx.msk [tilespmem:v0+s25+$0x0], $0xffff  }
0x140: {  	v53 =	vld.idx.msk [tilespmem:v48+s6+$0x0], $0xffff  }
0x141: {  	v54 =	vld.idx.msk [tilespmem:v48+s15+$0x0], $0xffff  }
0x142: {  	v55 =	vld.idx.msk [tilespmem:v48+s26+$0x0], $0xffff  }
0x143: {  	v56 =	vld.idx.msk [tilespmem:v48+s17+$0x0], $0xffff  }
0x144: {  	v57 =	vld.idx.msk [tilespmem:v48+s28+$0x0], $0xffff  }
0x145: {  	s4 =	sand.u32 $0x70, s3;
	v58 =	vld.idx.msk [tilespmem:v48+s11+$0x0], $0xffff;
	v2 =	vadd.f32 v53, v2  }
0x146: {  	s4 =	sor.u32 s4, s5;
	v59 =	vld.idx.msk [tilespmem:v48+s2+$0x0], $0xffff;
	v3 =	vadd.f32 v54, v3  }
0x147: {  	v1 =	vld.idx.msk [tilespmem:v48+s21+$0x0], $0xffff;
	v4 =	vadd.f32 v55, v4;
	[tilespmem:s4+$0x0] =	vst v2  }
0x148: {  	v60 =	vadd.f32 v56, v49;
	[tilespmem:s4+$0x80] =	vst v3  }
0x149: {  	p1 =	sne.s32 s3, $0x1F0;
	v61 =	vadd.f32 v57, v50;
	[tilespmem:s4+$0x100] =	vst v4  }
.Ltmp4:
0x14a: {  	v62 =	vadd.f32 v58, v51;
	[tilespmem:s4+$0x180] =	vst v60;
	(pc) =	sbr.rel @p1 .LBB2_12-.Ltmp4, $4  }
0x14b: {  	v63 =	vadd.f32 v59, v52;
	[tilespmem:s4+$0x200] =	vst v61  }
0x14c: {  	v0 =	vadd.f32 v1, v0;
	[tilespmem:s4+$0x280] =	vst v62  }
0x14d: {  	s22 =	sadd.s32 $0x100, s22;
	[tilespmem:s4+$0x300] =	vst v63  }
0x14e: {  	s3 =	sadd.s32 $0x20, s3;
	s19 =	sadd.s32 $0x20, s19;
	s16 =	sadd.s32 $0x20, s16;
	[tilespmem:s4+$0x380] =	vst v0  }
0x14f: {  	s3 =	rddreg [dreg:$0x1b]  }
0x150: {  	s4 =	rddreg [dreg:$0x14];
	s3 =	sshll.u32 s3, $0xC  }
0x151: {  	s3 =	sadd.s32 s4, s3  }
0x152: {  	s22 =	rddreg [dreg:$0x1];
	s23 =	simm.s32 $0x0;
	s3 =	sshrl.u32 s3, $0x3  }
0x153: {  	s5 =	simm.s32 $0xCD00;
	s24 =	rddreg [dreg:$0x11];
	s3 =	sadd.s32 s22, s3  }
0x154: {  	[hbm4b:s3+s23] =	stream.linear.scatter [tilespmem:s5], [sflag:$0x5], $0x1000, $0x38;
	[tilespmem:$0xDD00] =	vst v63  }
0x155: {  	s16 =	rddreg [dreg:$0x16];
	s3 =	sadd.s32 $0x1, s24  }
0x156: {  	s25 =	rddreg [dreg:$0x17];
	p1 =	sne.s32 s3, $0x8  }
.Ltmp5:
0x157: {  	s26 =	rddreg [dreg:$0x18];
	(pc) =	sbr.rel @p1 .LBB2_9-.Ltmp5, $4  }
0x158: {  	s28 =	rddreg [dreg:$0x19]  }
0x159: {  	[dreg:$0x11] =	wrdreg s3;
	s3 =	sadd.s32 $0x400, s26  }
0x15a: {  	[dreg:$0x18] =	wrdreg s3;
	s3 =	sadd.s32 $0x400, s28  }
0x15b: {  	s16 =	sadd.s32 $0x400, s16;
	s4 =	sadd.s32 $0x400, s25;
	[dreg:$0x19] =	wrdreg s3  }
0x15c: {  	s20 =	rddreg [dreg:$0x10]  }
0x15d: {  	s20 =	sadd.s32 $0x1, s20  }
0x15e: {  	p1 =	sne.s32 s20, $0x6  }
.Ltmp6:
0x15f: {  	_ = 	snop;
	(pc) =	sbr.rel @p1 .LBB2_2-.Ltmp6, $3  }
0x160: {  	_ =	sdelay $0x1  }
0x161: {  	s6 =	rddreg [dreg:$0x5];
	s8 =	simm.s32 $0x3E8;
	s14 =	simm.s32 $0x7D0  }
0x162: {  	s18 =	simm.s32 $0xBB8;
	s15 =	simm.s32 $0xFA0;
	s17 =	simm.s32 $0x1388  }
0x163: {  	s3 =	simm.s32 @!p0 $0x0;
	s4 =	simm.s32 @!p0 $0x7D00;
	s5 =	rddreg [dreg:$0xb]  }
0x164: {  	[tilespmem:s4], [sflag:$0x1] =	stream.linear.gather @!p0 [hbm4b:s5+s3], $0x2000, $0x38;
	[tilespmem:$0xDD00] =	vst v63  }
0x165: {  	s4 =	simm.s32 @!p0 $0x9D00;
	s5 =	rddreg [dreg:$0xc]  }
0x166: {  	[tilespmem:s4], [sflag:$0x1] =	stream.linear.gather @!p0 [hbm4b:s5+s3], $0x2000, $0x38;
	[tilespmem:$0xDD00] =	vst v63  }
0x167: {  	s3 =	simm.s32 @!p0 $0x1  }
0x168: {  	_ =	swait.ge @!p0 [sflag:s3], $0x2000  }
0x169: {  	[sflag:s3] =	ssyncset.done @!p0 $0x0  }
0x16a: {  	[sflag:s3] =	ssyncadd.s32 @!p0 $0xFFFFE000  }
0x16b: {  	_ =	swait.ge @!p0 [sflag:s3], $0x2000  }
0x16c: {  	[sflag:s3] =	ssyncset.done @!p0 $0x0  }
0x16d: {  	s28 =	simm.s32 $0x2;
	[sflag:s3] =	ssyncadd.s32 @!p0 $0xFFFFE000  }
0x16e: {  	_ =	swait.ge [sflag:s28], $0x1F40  }
0x16f: {  	[sflag:s28] =	ssyncset.done $0x0  }
0x170: {  	[sflag:s28] =	ssyncadd.s32 $0xFFFFE0C0  }
0x171: {  	s20 =	simm.s32 $0x0;
	_ =	swait.ge [sflag:s28], $0x1F40  }
0x172: {  	s23 =	simm.s32 $0x9D10;
	s24 =	simm.s32 $0x7D10;
	[sflag:s28] =	ssyncset.done $0x0  }
0x173: {  	s25 =	simm.s32 $0x9F10;
	s26 =	simm.s32 $0x7F10;
	[sflag:s28] =	ssyncadd.s32 $0xFFFFE0C0  }
.LBB2_16:
0x174: {  	s3 =	simm.s32 $0x4  }
0x175: {  	s22 =	simm.s32 $0x10;
	s16 =	smov.u32 s23;
	_ =	swait.ge [sflag:s3], $0x1000  }
0x176: {  	s19 =	simm.s32 $0x0;
	s6 =	simm.s32 $0x0;
	[sflag:s3] =	ssyncset.done $0x0  }
0x177: {  	s7 =	simm.s32 $0x1F40;
	[sflag:s3] =	ssyncadd.s32 $0xFFFFF000;
	s3 =	smov.u32 s24  }
.LBB2_17:
0x178: {  	v0 =	vld [tilespmem:s3+$0xFFFFFFF0];
	_ =	sdelay $0x6  }
0x179: {  	v1 =	vld [tilespmem:s16+$0xFFFFFFF0]  }
0x17a: {  	v2 =	vld.idx.msk [tilespmem:v0+s6+$0x0], $0xffff  }
0x17b: {  	v3 =	vld.idx.msk [tilespmem:v0+s8+$0x0], $0xffff  }
0x17c: {  	v4 =	vld.idx.msk [tilespmem:v0+s14+$0x0], $0xffff  }
0x17d: {  	v5 =	vld.idx.msk [tilespmem:v0+s18+$0x0], $0xffff  }
0x17e: {  	v6 =	vld.idx.msk [tilespmem:v0+s15+$0x0], $0xffff  }
0x17f: {  	v7 =	vld.idx.msk [tilespmem:v0+s17+$0x0], $0xffff  }
0x180: {  	v8 =	vld.idx.msk [tilespmem:v0+s29+$0x0], $0xffff  }
0x181: {  	v0 =	vld.idx.msk [tilespmem:v0+s30+$0x0], $0xffff  }
0x182: {  	v9 =	vld.idx.msk [tilespmem:v1+s7+$0x0], $0xffff  }
0x183: {  	v10 =	vld.idx.msk [tilespmem:v1+s31+$0x0], $0xffff  }
0x184: {  	v11 =	vld.idx.msk [tilespmem:v1+s1+$0x0], $0xffff  }
0x185: {  	v12 =	vld.idx.msk [tilespmem:v1+s0+$0x0], $0xffff  }
0x186: {  	s4 =	sadd.s32 $0xFFFFFFF0, s22;
	s5 =	sand.u32 $0xC00, s19;
	v13 =	vld.idx.msk [tilespmem:v1+s9+$0x0], $0xffff  }
0x187: {  	s4 =	sand.u32 $0x60, s4;
	s5 =	sadd.s32 $0xBD00, s5;
	v14 =	vld.idx.msk [tilespmem:v1+s10+$0x0], $0xffff;
	v2 =	vadd.f32 v9, v2  }
0x188: {  	s4 =	sor.u32 s4, s5;
	v15 =	vld.idx.msk [tilespmem:v1+s12+$0x0], $0xffff;
	v3 =	vadd.f32 v10, v3  }
0x189: {  	v1 =	vld.idx.msk [tilespmem:v1+s13+$0x0], $0xffff;
	v4 =	vadd.f32 v11, v4;
	[tilespmem:s4+$0x0] =	vst v2  }
0x18a: {  	v44 =	vadd.f32 v12, v5;
	[tilespmem:s4+$0x80] =	vst v3  }
0x18b: {  	v45 =	vadd.f32 v13, v6;
	[tilespmem:s4+$0x100] =	vst v4  }
0x18c: {  	v46 =	vadd.f32 v14, v7;
	[tilespmem:s4+$0x180] =	vst v44  }
0x18d: {  	v47 =	vadd.f32 v15, v8;
	[tilespmem:s4+$0x200] =	vst v45  }
0x18e: {  	v0 =	vadd.f32 v1, v0;
	[tilespmem:s4+$0x280] =	vst v46  }
0x18f: {  	[tilespmem:s4+$0x300] =	vst v47  }
0x190: {  	[tilespmem:s4+$0x380] =	vst v0  }
0x191: {  	v0 =	vld [tilespmem:s3+$0x0];
	_ =	sdelay $0x6  }
0x192: {  	v48 =	vld [tilespmem:s16+$0x0]  }
0x193: {  	v2 =	vld.idx.msk [tilespmem:v0+s6+$0x0], $0xffff  }
0x194: {  	v3 =	vld.idx.msk [tilespmem:v0+s8+$0x0], $0xffff  }
0x195: {  	v4 =	vld.idx.msk [tilespmem:v0+s14+$0x0], $0xffff  }
0x196: {  	v49 =	vld.idx.msk [tilespmem:v0+s18+$0x0], $0xffff  }
0x197: {  	v50 =	vld.idx.msk [tilespmem:v0+s15+$0x0], $0xffff  }
0x198: {  	v51 =	vld.idx.msk [tilespmem:v0+s17+$0x0], $0xffff  }
0x199: {  	v52 =	vld.idx.msk [tilespmem:v0+s29+$0x0], $0xffff  }
0x19a: {  	v0 =	vld.idx.msk [tilespmem:v0+s30+$0x0], $0xffff  }
0x19b: {  	v53 =	vld.idx.msk [tilespmem:v48+s7+$0x0], $0xffff  }
0x19c: {  	v54 =	vld.idx.msk [tilespmem:v48+s31+$0x0], $0xffff  }
0x19d: {  	v55 =	vld.idx.msk [tilespmem:v48+s1+$0x0], $0xffff  }
0x19e: {  	v56 =	vld.idx.msk [tilespmem:v48+s0+$0x0], $0xffff  }
0x19f: {  	v57 =	vld.idx.msk [tilespmem:v48+s9+$0x0], $0xffff  }
0x1a0: {  	s28 =	sand.u32 $0x70, s22;
	v58 =	vld.idx.msk [tilespmem:v48+s10+$0x0], $0xffff;
	v2 =	vadd.f32 v53, v2  }
0x1a1: {  	s4 =	sor.u32 s28, s5;
	v59 =	vld.idx.msk [tilespmem:v48+s12+$0x0], $0xffff;
	v3 =	vadd.f32 v54, v3  }
0x1a2: {  	v1 =	vld.idx.msk [tilespmem:v48+s13+$0x0], $0xffff;
	v4 =	vadd.f32 v55, v4;
	[tilespmem:s4+$0x0] =	vst v2  }
0x1a3: {  	v60 =	vadd.f32 v56, v49;
	[tilespmem:s4+$0x80] =	vst v3  }
0x1a4: {  	p1 =	sne.s32 s22, $0x1F0;
	v61 =	vadd.f32 v57, v50;
	[tilespmem:s4+$0x100] =	vst v4  }
.Ltmp7:
0x1a5: {  	v62 =	vadd.f32 v58, v51;
	[tilespmem:s4+$0x180] =	vst v60;
	(pc) =	sbr.rel @p1 .LBB2_17-.Ltmp7, $4  }
0x1a6: {  	v63 =	vadd.f32 v59, v52;
	[tilespmem:s4+$0x200] =	vst v61  }
0x1a7: {  	v0 =	vadd.f32 v1, v0;
	[tilespmem:s4+$0x280] =	vst v62  }
0x1a8: {  	s19 =	sadd.s32 $0x100, s19;
	[tilespmem:s4+$0x300] =	vst v63  }
0x1a9: {  	s22 =	sadd.s32 $0x20, s22;
	s16 =	sadd.s32 $0x20, s16;
	s3 =	sadd.s32 $0x20, s3;
	[tilespmem:s4+$0x380] =	vst v0  }
0x1aa: {  	s3 =	sshll.u32 s20, $0xD;
	s4 =	rddreg [dreg:$0xd]  }
0x1ab: {  	s3 =	sadd.s32 s4, s3  }
0x1ac: {  	s5 =	rddreg [dreg:$0x1];
	s22 =	simm.s32 $0x0;
	s3 =	sshrl.u32 s3, $0x3  }
0x1ad: {  	s16 =	simm.s32 $0xBD00;
	s19 =	simm.s32 $0x5;
	s3 =	sadd.s32 s5, s3  }
0x1ae: {  	[hbm4b:s3+s22] =	stream.linear.scatter [tilespmem:s16], [sflag:$0x4], $0x1000, $0x38;
	[tilespmem:$0xDD00] =	vst v63  }
0x1af: {  	_ =	swait.ge [sflag:s19], $0x1000  }
0x1b0: {  	s28 =	sshllo.u32 s20, $0x1;
	s3 =	simm.s32 $0x10;
	[sflag:s19] =	ssyncset.done $0x0  }
0x1b1: {  	s16 =	smov.u32 s26;
	[sflag:s19] =	ssyncadd.s32 $0xFFFFF000;
	s19 =	smov.u32 s25  }
.LBB2_19:
0x1b2: {  	v0 =	vld [tilespmem:s16+$0xFFFFFFF0];
	_ =	sdelay $0x6  }
0x1b3: {  	v1 =	vld [tilespmem:s19+$0xFFFFFFF0]  }
0x1b4: {  	v2 =	vld.idx.msk [tilespmem:v0+s6+$0x0], $0xffff  }
0x1b5: {  	v3 =	vld.idx.msk [tilespmem:v0+s8+$0x0], $0xffff  }
0x1b6: {  	v4 =	vld.idx.msk [tilespmem:v0+s14+$0x0], $0xffff  }
0x1b7: {  	v5 =	vld.idx.msk [tilespmem:v0+s18+$0x0], $0xffff  }
0x1b8: {  	v6 =	vld.idx.msk [tilespmem:v0+s15+$0x0], $0xffff  }
0x1b9: {  	v7 =	vld.idx.msk [tilespmem:v0+s17+$0x0], $0xffff  }
0x1ba: {  	v8 =	vld.idx.msk [tilespmem:v0+s29+$0x0], $0xffff  }
0x1bb: {  	v0 =	vld.idx.msk [tilespmem:v0+s30+$0x0], $0xffff  }
0x1bc: {  	v9 =	vld.idx.msk [tilespmem:v1+s7+$0x0], $0xffff  }
0x1bd: {  	v10 =	vld.idx.msk [tilespmem:v1+s31+$0x0], $0xffff  }
0x1be: {  	v11 =	vld.idx.msk [tilespmem:v1+s1+$0x0], $0xffff  }
0x1bf: {  	v12 =	vld.idx.msk [tilespmem:v1+s0+$0x0], $0xffff  }
0x1c0: {  	s4 =	sadd.s32 $0xFFFFFFF0, s3;
	s5 =	sand.u32 $0xC00, s22;
	v13 =	vld.idx.msk [tilespmem:v1+s9+$0x0], $0xffff  }
0x1c1: {  	s4 =	sand.u32 $0x60, s4;
	s5 =	sadd.s32 $0xCD00, s5;
	v14 =	vld.idx.msk [tilespmem:v1+s10+$0x0], $0xffff;
	v2 =	vadd.f32 v9, v2  }
0x1c2: {  	s4 =	sor.u32 s4, s5;
	v15 =	vld.idx.msk [tilespmem:v1+s12+$0x0], $0xffff;
	v3 =	vadd.f32 v10, v3  }
0x1c3: {  	v1 =	vld.idx.msk [tilespmem:v1+s13+$0x0], $0xffff;
	v4 =	vadd.f32 v11, v4;
	[tilespmem:s4+$0x0] =	vst v2  }
0x1c4: {  	v44 =	vadd.f32 v12, v5;
	[tilespmem:s4+$0x80] =	vst v3  }
0x1c5: {  	v45 =	vadd.f32 v13, v6;
	[tilespmem:s4+$0x100] =	vst v4  }
0x1c6: {  	v46 =	vadd.f32 v14, v7;
	[tilespmem:s4+$0x180] =	vst v44  }
0x1c7: {  	v47 =	vadd.f32 v15, v8;
	[tilespmem:s4+$0x200] =	vst v45  }
0x1c8: {  	v0 =	vadd.f32 v1, v0;
	[tilespmem:s4+$0x280] =	vst v46  }
0x1c9: {  	[tilespmem:s4+$0x300] =	vst v47  }
0x1ca: {  	[tilespmem:s4+$0x380] =	vst v0  }
0x1cb: {  	v0 =	vld [tilespmem:s16+$0x0];
	_ =	sdelay $0x6  }
0x1cc: {  	v48 =	vld [tilespmem:s19+$0x0]  }
0x1cd: {  	v2 =	vld.idx.msk [tilespmem:v0+s6+$0x0], $0xffff  }
0x1ce: {  	v3 =	vld.idx.msk [tilespmem:v0+s8+$0x0], $0xffff  }
0x1cf: {  	v4 =	vld.idx.msk [tilespmem:v0+s14+$0x0], $0xffff  }
0x1d0: {  	v49 =	vld.idx.msk [tilespmem:v0+s18+$0x0], $0xffff  }
0x1d1: {  	v50 =	vld.idx.msk [tilespmem:v0+s15+$0x0], $0xffff  }
0x1d2: {  	v51 =	vld.idx.msk [tilespmem:v0+s17+$0x0], $0xffff  }
0x1d3: {  	v52 =	vld.idx.msk [tilespmem:v0+s29+$0x0], $0xffff  }
0x1d4: {  	v0 =	vld.idx.msk [tilespmem:v0+s30+$0x0], $0xffff  }
0x1d5: {  	v53 =	vld.idx.msk [tilespmem:v48+s7+$0x0], $0xffff  }
0x1d6: {  	v54 =	vld.idx.msk [tilespmem:v48+s31+$0x0], $0xffff  }
0x1d7: {  	v55 =	vld.idx.msk [tilespmem:v48+s1+$0x0], $0xffff  }
0x1d8: {  	v56 =	vld.idx.msk [tilespmem:v48+s0+$0x0], $0xffff  }
0x1d9: {  	v57 =	vld.idx.msk [tilespmem:v48+s9+$0x0], $0xffff  }
0x1da: {  	s4 =	sand.u32 $0x70, s3;
	v58 =	vld.idx.msk [tilespmem:v48+s10+$0x0], $0xffff;
	v2 =	vadd.f32 v53, v2  }
0x1db: {  	s4 =	sor.u32 s4, s5;
	v59 =	vld.idx.msk [tilespmem:v48+s12+$0x0], $0xffff;
	v3 =	vadd.f32 v54, v3  }
0x1dc: {  	v1 =	vld.idx.msk [tilespmem:v48+s13+$0x0], $0xffff;
	v4 =	vadd.f32 v55, v4;
	[tilespmem:s4+$0x0] =	vst v2  }
0x1dd: {  	v60 =	vadd.f32 v56, v49;
	[tilespmem:s4+$0x80] =	vst v3  }
0x1de: {  	p1 =	sne.s32 s3, $0x1F0;
	v61 =	vadd.f32 v57, v50;
	[tilespmem:s4+$0x100] =	vst v4  }
.Ltmp8:
0x1df: {  	v62 =	vadd.f32 v58, v51;
	[tilespmem:s4+$0x180] =	vst v60;
	(pc) =	sbr.rel @p1 .LBB2_19-.Ltmp8, $4  }
0x1e0: {  	v63 =	vadd.f32 v59, v52;
	[tilespmem:s4+$0x200] =	vst v61  }
0x1e1: {  	v0 =	vadd.f32 v1, v0;
	[tilespmem:s4+$0x280] =	vst v62  }
0x1e2: {  	s22 =	sadd.s32 $0x100, s22;
	[tilespmem:s4+$0x300] =	vst v63  }
0x1e3: {  	s3 =	sadd.s32 $0x20, s3;
	s19 =	sadd.s32 $0x20, s19;
	s16 =	sadd.s32 $0x20, s16;
	[tilespmem:s4+$0x380] =	vst v0  }
0x1e4: {  	s20 =	sadd.s32 $0x1, s20  }
0x1e5: {  	p1 =	sne.s32 s20, $0x8  }
.Ltmp9:
0x1e6: {  	s3 =	sshll.u32 s28, $0xC;
	s4 =	rddreg [dreg:$0xd];
	(pc) =	sbr.rel @p1 .LBB2_16-.Ltmp9, $4  }
0x1e7: {  	s22 =	rddreg [dreg:$0x1];
	s28 =	simm.s32 $0xCD00;
	s3 =	sadd.s32 s4, s3  }
0x1e8: {  	s23 =	sadd.s32 $0x400, s23;
	s24 =	sadd.s32 $0x400, s24;
	s3 =	sshrl.u32 s3, $0x3  }
0x1e9: {  	s25 =	sadd.s32 $0x400, s25;
	s26 =	sadd.s32 $0x400, s26;
	s3 =	sadd.s32 s22, s3  }
0x1ea: {  	[hbm4b:s3+s6] =	stream.linear.scatter [tilespmem:s28], [sflag:$0x5], $0x1000, $0x38;
	[tilespmem:$0xDD00] =	vst v63  }
0x1eb: {  	s3 =	simm.s32 $0x4  }
0x1ec: {  	_ =	swait.ge [sflag:s3], $0x1000  }
0x1ed: {  	[sflag:s3] =	ssyncset.done $0x0  }
0x1ee: {  	s4 =	simm.s32 $0x5;
	[sflag:s3] =	ssyncadd.s32 $0xFFFFF000  }
0x1ef: {  	_ =	swait.ge [sflag:s4], $0x1000  }
0x1f0: {  	s5 =	rddreg [dreg:$0xf]  }
0x1f1: {  	s28 =	rddreg [dreg:$0xe];
	s5 =	sadd.s32 $0x1, s5  }
0x1f2: {  	p1 =	sne.s32 s5, s28  }
.Ltmp10:
0x1f3: {  	_ = 	snop;
	(pc) =	sbr.rel @p1 .LBB2_1-.Ltmp10, $3  }
0x1f4: {  	_ =	sdelay $0x1  }
0x1f5: {  	s6 =	simm.s32 $0x0;
	[sflag:s4] =	ssyncset.done $0x0  }
0x1f6: {  	s7 =	simm.s32 $0x3E80;
	[sflag:s4] =	ssyncadd.s32 $0xFFFFF000;
	s4 =	simm.s32 $0x1F40  }
0x1f7: {  	_ =	sfence.sel $0x180000  }
0x1f8: {  	[bflag:$0x0] =	sbarrier.arrive $0xFFFF  }
0x1f9: {  	_ =	strace $0x90000047  }
0x1fa: {  	s0 =	stileid.u32;
	[bflag:$0x2] =	sbarrier.arrive $0xFFFF  }
0x1fb: {  	p0 =	sne.s32 s0, $0x0;
	s0 =	rddreg [dreg:$0x2]  }
0x1fc: {  	s0 =	sadd.s32 @!p0 $0x100000, s0  }
0x1fd: {  	[sflag:s0] =	ssyncadd.tile.s32 @!p0 $0x1;
	_ =	shalt  }
.Lfunc_end2:
_tile_overlayer_lowered:
.L_overlay_start_2:
0x1fe: {  	(tag) =	ssettag $0x2  }
0x1ff: {  	s0 =	rddreg [dreg:$0x0];
	s2 =	stileid.u32  }
0x200: {  	s1 =	rddreg [dreg:$0x1];
	p0 =	sne.s32 s2, $0x0  }
0x201: {  	s3 =	rddreg [dreg:$0x2];
	[bflag:$0x3] =	sbarrier.arrive $0xFFFF;
	s2 =	simm.s32 @!p0 $0x1C06  }
0x202: {  	[timem:s3], [sflag:s2] =	dma.local @!p0 [hbm:s0], s1  }
0x203: {  	s0 =	simm.s32 @!p0 $0x6  }
0x204: {  	_ =	swait.ge @!p0 [sflag:s0], s1  }
0x205: {  	s1 =	ssub.s32 @!p0 $0x0, s1;
	[sflag:s0] =	ssyncset.done @!p0 $0x0  }
0x206: {  	[sflag:s0] =	ssyncadd.s32 @!p0 s1  }
0x207: {  	[bflag:$0x3] =	sbarrier.arrive $0xFFFF  }
0x208: {  	_ =	shalt  }

</sc_bundles>
